<compile_context>
chip_gen: v7x
topology: tpu7x:2x2x1
jax: 0.10.2.dev20260603
libtpu: 0.0.44.dev20260713+nightly
codegen_flags: <defaults>
</compile_context>

<pallas_src>
import functools

import jax
import jax.numpy as jnp
from jax import lax
from jax.experimental import pallas as pl
from jax.experimental.pallas import tpu as pltpu
from jax.experimental.pallas import tpu_sc as plsc

EMBEDDING_DIM = 64
_NUM_CORES = 2
_NUM_SUBCORES = 16
_NW = _NUM_CORES * _NUM_SUBCORES

_GBUF = 4
_SBUF = 2


def _build(batch: int, seq: int):
    assert batch // _NW == 128 and seq % _GBUF == 0
    assert EMBEDDING_DIM == 64
    n_eb = EMBEDDING_DIM // 8

    mesh = plsc.VectorSubcoreMesh(core_axis_name="c", subcore_axis_name="s")

    @functools.partial(
        pl.kernel,
        mesh=mesh,
        compiler_params=pltpu.CompilerParams(
            use_tc_tiling_on_sc=False, needs_layout_passes=False
        ),
        out_type=jax.ShapeDtypeStruct((seq, n_eb, _NW, 8, 128), jnp.float32),
        scratch_types=[
            pltpu.VMEM((seq, 128), jnp.int32),
            pltpu.VMEM((_GBUF, 128, EMBEDDING_DIM), jnp.float32),
            pltpu.VMEM((_SBUF, n_eb, 8, 129), jnp.float32),
            pltpu.SemaphoreType.DMA((_GBUF,)),
            pltpu.SemaphoreType.DMA((_SBUF,)),
        ],
    )
    def emb(idxt_hbm, table_hbm, out_hbm, idx_t, rows_v, tile_v, gsem, ssem):
        wid = lax.axis_index("s") * _NUM_CORES + lax.axis_index("c")

        pltpu.sync_copy(idxt_hbm.at[:, pl.ds(wid * 128, 128)], idx_t)

        def issue_gather(s, b):
            pltpu.async_copy(
                table_hbm.at[idx_t.at[s]], rows_v.at[b], gsem.at[b]
            )

        def wait_gather(s, b):
            pltpu.make_async_copy(
                table_hbm.at[idx_t.at[s]], rows_v.at[b], gsem.at[b]
            ).wait()

        def issue_store(s, tb):
            pltpu.async_copy(
                tile_v.at[tb, :, :, pl.ds(0, 128)],
                out_hbm.at[s, :, wid],
                ssem.at[tb],
            )

        def wait_store(tb):
            pltpu.make_async_copy(
                tile_v.at[tb, :, :, pl.ds(0, 128)],
                out_hbm.at[0, :, wid],
                ssem.at[tb],
            ).wait()

        for b in range(_GBUF):
            issue_gather(b, b)

        lanes = lax.iota(jnp.int32, 16)
        zeros16 = jnp.zeros((16,), jnp.int32)
        ce_big = [(16 * k + lanes) // 8 for k in range(4)]
        ce_small = [(16 * k + lanes) % 8 for k in range(4)]

        def group_body(g, carry):
            for u in range(_GBUF):
                s = g * _GBUF + u
                tb = u % _SBUF
                wait_gather(s, u)

                @pl.when(s >= _SBUF)
                def _():
                    wait_store(tb)

                @plsc.parallel_loop(0, 128, 1, unroll=16)
                def _(b):
                    idxb = zeros16 + b
                    for k in range(4):
                        v = rows_v[u, b, pl.ds(16 * k, 16)]
                        plsc.store_scatter(
                            tile_v.at[tb], [ce_big[k], ce_small[k], idxb], v
                        )

                issue_store(s, tb)

                @pl.when(s + _GBUF < seq)
                def _():
                    issue_gather(s + _GBUF, u)

            return carry

        lax.fori_loop(0, seq // _GBUF, group_body, 0)

        for tb in range(_SBUF):
            wait_store(tb)

    return emb


def kernel(input, weight):
    batch, seq = input.shape
    out5 = _build(batch, seq)(input.T.astype(jnp.int32), weight)
    return out5.transpose(2, 4, 0, 1, 3).reshape(batch, seq, EMBEDDING_DIM)

# --- scband reference (transcript-rebuilt; emitter-appended) ---
"""Pipeline reference for scband-input-embedding-42408507081240 (READ-ONLY COPY).

The authoritative reference and input builder live on the scoring server;
editing this copy changes nothing except your own understanding.
"""

import jax, jax.numpy as jnp
import numpy as np

NUM_EMBEDDINGS = 1000000
EMBEDDING_DIM = 64
BATCH = 4096
SEQ_LEN = 200


def setup_inputs(seed: int = 0) -> dict:
    key = jax.random.key(seed)
    k_idx, k_w = jax.random.split(key)
    input_ids = jax.random.randint(k_idx, (BATCH, SEQ_LEN), 0, NUM_EMBEDDINGS, dtype=jnp.int64 if jax.config.jax_enable_x64 else jnp.int32)
    weight = jax.random.normal(k_w, (NUM_EMBEDDINGS, EMBEDDING_DIM), dtype=jnp.float32)
    return {"input": input_ids, "weight": weight}


def reference(input, weight):
    # Faithful translation of: return self.weight[input]
    return jnp.take(weight, input, axis=0)

if __name__ == "__main__":
    import jax
    _d = setup_inputs()
    print(jax.jit(kernel)(*tuple(_d.values())))

</pallas_src>

<mosaic_0001>
#map = affine_map<(d0, d1) -> (0, 0)>
#map1 = affine_map<(d0, d1) -> (0, 0, 0, 0, 0)>
module attributes {stable_mosaic.version = 14 : i64} {
  func.func @emb(%arg0: i32, %arg1: i32, %arg2: memref<200x4096xi32, #tpu.memory_space<hbm>>, %arg3: memref<1000000x64xf32, #tpu.memory_space<hbm>>, %arg4: memref<200x8x32x8x128xf32, #tpu.memory_space<hbm>>, %arg5: memref<200x128xi32, #tpu.memory_space<vmem>>, %arg6: memref<4x128x64xf32, #tpu.memory_space<vmem>>, %arg7: memref<2x8x8x129xf32, #tpu.memory_space<vmem>>, %arg8: memref<4x!tpu.dma_semaphore, #tpu.memory_space<semaphore_mem>>, %arg9: memref<2x!tpu.dma_semaphore, #tpu.memory_space<semaphore_mem>>) attributes {dimension_semantics = [#tpu.dimension_semantics<core_parallel>, #tpu.dimension_semantics<subcore_parallel>], iteration_bounds = array<i64: 2, 16>, scalar_prefetch = 0 : i64, scratch_operands = 5 : i64, tpu.core_type = #tpu.core_type<sc_vector_subcore>, window_params = [{transform_indices = #map}, {transform_indices = #map}, {transform_indices = #map1}]} {
    %mul3A = arith.constant 2 : i32
    %mul3A_0 = arith.muli %arg1, %mul3A : i32
    %add3A = arith.addi %mul3A_0, %arg0 : i32
    %mul3A_1 = arith.constant 128 : i32
    %mul3A_2 = arith.muli %add3A, %mul3A_1 : i32
    "tpu.region"() ({
      %run_scoped3A = tpu.sem_alloc : memref<!tpu.dma_semaphore, #tpu.memory_space<semaphore_mem>>
      %dma_start3A_343 = arith.constant 0 : i32
      %dma_start3A_344 = tpu.memref_slice %arg2[%dma_start3A_343, %mul3A_2] : memref<200x4096xi32, #tpu.memory_space<hbm>> -> memref<200x128xi32, #tpu.memory_space<hbm>>
      %dma_start3A_345 = arith.constant 0 : i32
      %dma_start3A_346 = tpu.memref_slice %arg2[%dma_start3A_345, %mul3A_2] : memref<200x4096xi32, #tpu.memory_space<hbm>> -> memref<200x128xi32, #tpu.memory_space<hbm>>
      tpu.enqueue_dma source(%dma_start3A_346 : memref<200x128xi32, #tpu.memory_space<hbm>>) target(%arg5 : memref<200x128xi32, #tpu.memory_space<vmem>>) target_semaphore(%run_scoped3A : memref<!tpu.dma_semaphore, #tpu.memory_space<semaphore_mem>>)
      %dma_wait3A_347 = arith.constant 0 : i32
      %dma_wait3A_348 = tpu.memref_slice %arg2[%dma_wait3A_347, %mul3A_2] : memref<200x4096xi32, #tpu.memory_space<hbm>> -> memref<200x128xi32, #tpu.memory_space<hbm>>
      %dma_wait3A_349 = arith.constant 0 : i32
      %dma_wait3A_350 = tpu.memref_slice %arg2[%dma_wait3A_349, %mul3A_2] : memref<200x4096xi32, #tpu.memory_space<hbm>> -> memref<200x128xi32, #tpu.memory_space<hbm>>
      tpu.wait_dma2 semaphore(%run_scoped3A : memref<!tpu.dma_semaphore, #tpu.memory_space<semaphore_mem>>) src(%dma_wait3A_350 : memref<200x128xi32, #tpu.memory_space<hbm>>) dst(%arg5 : memref<200x128xi32, #tpu.memory_space<vmem>>)
      tpu.yield
    }) : () -> ()
    %dma_start3A = arith.constant 0 : i32
    %dma_start3A_3 = arith.constant 0 : i32
    %dma_start3A_4 = arith.constant 0 : i32
    %dma_start3A_5 = arith.constant 0 : i32
    %dma_start3A_6 = arith.constant 0 : i32
    %dma_start3A_7 = tpu.memref_slice %arg6[%dma_start3A_3, %dma_start3A_5, %dma_start3A_6] : memref<4x128x64xf32, #tpu.memory_space<vmem>> -> memref<1x128x64xf32, #tpu.memory_space<vmem>>
    %dma_start3A_8 = tpu.memref_squeeze %dma_start3A_7 : memref<1x128x64xf32, #tpu.memory_space<vmem>> -> memref<128x64xf32, #tpu.memory_space<vmem>>
    %dma_start3A_9 = arith.constant 0 : i32
    %dma_start3A_10 = tpu.memref_slice %arg5[%dma_start3A, %dma_start3A_9] : memref<200x128xi32, #tpu.memory_space<vmem>> -> memref<1x128xi32, #tpu.memory_space<vmem>>
    %dma_start3A_11 = tpu.memref_squeeze %dma_start3A_10 : memref<1x128xi32, #tpu.memory_space<vmem>> -> memref<128xi32, #tpu.memory_space<vmem>>
    %dma_start3A_12 = arith.constant 0 : i32
    %dma_start3A_13 = arith.constant 0 : i32
    %dma_start3A_14 = tpu.memref_slice %arg3[%dma_start3A_12, %dma_start3A_13] : memref<1000000x64xf32, #tpu.memory_space<hbm>> -> memref<1000000x64xf32, #tpu.memory_space<hbm>>
    %dma_start3A_15 = tpu.memref_slice %arg8[%dma_start3A_4] : memref<4x!tpu.dma_semaphore, #tpu.memory_space<semaphore_mem>> -> memref<1x!tpu.dma_semaphore, #tpu.memory_space<semaphore_mem>>
    %dma_start3A_16 = tpu.memref_squeeze %dma_start3A_15 : memref<1x!tpu.dma_semaphore, #tpu.memory_space<semaphore_mem>> -> memref<!tpu.dma_semaphore, #tpu.memory_space<semaphore_mem>>
    tpu.enqueue_indirect_dma source(%dma_start3A_14 : memref<1000000x64xf32, #tpu.memory_space<hbm>>) target(%dma_start3A_8 : memref<128x64xf32, #tpu.memory_space<vmem>>) offsets(%dma_start3A_11 : memref<128xi32, #tpu.memory_space<vmem>>) semaphore(%dma_start3A_16 : memref<!tpu.dma_semaphore, #tpu.memory_space<semaphore_mem>>)
    %dma_start3A_17 = arith.constant 1 : i32
    %dma_start3A_18 = arith.constant 1 : i32
    %dma_start3A_19 = arith.constant 1 : i32
    %dma_start3A_20 = arith.constant 0 : i32
    %dma_start3A_21 = arith.constant 0 : i32
    %dma_start3A_22 = tpu.memref_slice %arg6[%dma_start3A_18, %dma_start3A_20, %dma_start3A_21] : memref<4x128x64xf32, #tpu.memory_space<vmem>> -> memref<1x128x64xf32, #tpu.memory_space<vmem>>
    %dma_start3A_23 = tpu.memref_squeeze %dma_start3A_22 : memref<1x128x64xf32, #tpu.memory_space<vmem>> -> memref<128x64xf32, #tpu.memory_space<vmem>>
    %dma_start3A_24 = arith.constant 0 : i32
    %dma_start3A_25 = tpu.memref_slice %arg5[%dma_start3A_17, %dma_start3A_24] : memref<200x128xi32, #tpu.memory_space<vmem>> -> memref<1x128xi32, #tpu.memory_space<vmem>>
    %dma_start3A_26 = tpu.memref_squeeze %dma_start3A_25 : memref<1x128xi32, #tpu.memory_space<vmem>> -> memref<128xi32, #tpu.memory_space<vmem>>
    %dma_start3A_27 = arith.constant 0 : i32
    %dma_start3A_28 = arith.constant 0 : i32
    %dma_start3A_29 = tpu.memref_slice %arg3[%dma_start3A_27, %dma_start3A_28] : memref<1000000x64xf32, #tpu.memory_space<hbm>> -> memref<1000000x64xf32, #tpu.memory_space<hbm>>
    %dma_start3A_30 = tpu.memref_slice %arg8[%dma_start3A_19] : memref<4x!tpu.dma_semaphore, #tpu.memory_space<semaphore_mem>> -> memref<1x!tpu.dma_semaphore, #tpu.memory_space<semaphore_mem>>
    %dma_start3A_31 = tpu.memref_squeeze %dma_start3A_30 : memref<1x!tpu.dma_semaphore, #tpu.memory_space<semaphore_mem>> -> memref<!tpu.dma_semaphore, #tpu.memory_space<semaphore_mem>>
    tpu.enqueue_indirect_dma source(%dma_start3A_29 : memref<1000000x64xf32, #tpu.memory_space<hbm>>) target(%dma_start3A_23 : memref<128x64xf32, #tpu.memory_space<vmem>>) offsets(%dma_start3A_26 : memref<128xi32, #tpu.memory_space<vmem>>) semaphore(%dma_start3A_31 : memref<!tpu.dma_semaphore, #tpu.memory_space<semaphore_mem>>)
    %dma_start3A_32 = arith.constant 2 : i32
    %dma_start3A_33 = arith.constant 2 : i32
    %dma_start3A_34 = arith.constant 2 : i32
    %dma_start3A_35 = arith.constant 0 : i32
    %dma_start3A_36 = arith.constant 0 : i32
    %dma_start3A_37 = tpu.memref_slice %arg6[%dma_start3A_33, %dma_start3A_35, %dma_start3A_36] : memref<4x128x64xf32, #tpu.memory_space<vmem>> -> memref<1x128x64xf32, #tpu.memory_space<vmem>>
    %dma_start3A_38 = tpu.memref_squeeze %dma_start3A_37 : memref<1x128x64xf32, #tpu.memory_space<vmem>> -> memref<128x64xf32, #tpu.memory_space<vmem>>
    %dma_start3A_39 = arith.constant 0 : i32
    %dma_start3A_40 = tpu.memref_slice %arg5[%dma_start3A_32, %dma_start3A_39] : memref<200x128xi32, #tpu.memory_space<vmem>> -> memref<1x128xi32, #tpu.memory_space<vmem>>
    %dma_start3A_41 = tpu.memref_squeeze %dma_start3A_40 : memref<1x128xi32, #tpu.memory_space<vmem>> -> memref<128xi32, #tpu.memory_space<vmem>>
    %dma_start3A_42 = arith.constant 0 : i32
    %dma_start3A_43 = arith.constant 0 : i32
    %dma_start3A_44 = tpu.memref_slice %arg3[%dma_start3A_42, %dma_start3A_43] : memref<1000000x64xf32, #tpu.memory_space<hbm>> -> memref<1000000x64xf32, #tpu.memory_space<hbm>>
    %dma_start3A_45 = tpu.memref_slice %arg8[%dma_start3A_34] : memref<4x!tpu.dma_semaphore, #tpu.memory_space<semaphore_mem>> -> memref<1x!tpu.dma_semaphore, #tpu.memory_space<semaphore_mem>>
    %dma_start3A_46 = tpu.memref_squeeze %dma_start3A_45 : memref<1x!tpu.dma_semaphore, #tpu.memory_space<semaphore_mem>> -> memref<!tpu.dma_semaphore, #tpu.memory_space<semaphore_mem>>
    tpu.enqueue_indirect_dma source(%dma_start3A_44 : memref<1000000x64xf32, #tpu.memory_space<hbm>>) target(%dma_start3A_38 : memref<128x64xf32, #tpu.memory_space<vmem>>) offsets(%dma_start3A_41 : memref<128xi32, #tpu.memory_space<vmem>>) semaphore(%dma_start3A_46 : memref<!tpu.dma_semaphore, #tpu.memory_space<semaphore_mem>>)
    %dma_start3A_47 = arith.constant 3 : i32
    %dma_start3A_48 = arith.constant 3 : i32
    %dma_start3A_49 = arith.constant 3 : i32
    %dma_start3A_50 = arith.constant 0 : i32
    %dma_start3A_51 = arith.constant 0 : i32
    %dma_start3A_52 = tpu.memref_slice %arg6[%dma_start3A_48, %dma_start3A_50, %dma_start3A_51] : memref<4x128x64xf32, #tpu.memory_space<vmem>> -> memref<1x128x64xf32, #tpu.memory_space<vmem>>
    %dma_start3A_53 = tpu.memref_squeeze %dma_start3A_52 : memref<1x128x64xf32, #tpu.memory_space<vmem>> -> memref<128x64xf32, #tpu.memory_space<vmem>>
    %dma_start3A_54 = arith.constant 0 : i32
    %dma_start3A_55 = tpu.memref_slice %arg5[%dma_start3A_47, %dma_start3A_54] : memref<200x128xi32, #tpu.memory_space<vmem>> -> memref<1x128xi32, #tpu.memory_space<vmem>>
    %dma_start3A_56 = tpu.memref_squeeze %dma_start3A_55 : memref<1x128xi32, #tpu.memory_space<vmem>> -> memref<128xi32, #tpu.memory_space<vmem>>
    %dma_start3A_57 = arith.constant 0 : i32
    %dma_start3A_58 = arith.constant 0 : i32
    %dma_start3A_59 = tpu.memref_slice %arg3[%dma_start3A_57, %dma_start3A_58] : memref<1000000x64xf32, #tpu.memory_space<hbm>> -> memref<1000000x64xf32, #tpu.memory_space<hbm>>
    %dma_start3A_60 = tpu.memref_slice %arg8[%dma_start3A_49] : memref<4x!tpu.dma_semaphore, #tpu.memory_space<semaphore_mem>> -> memref<1x!tpu.dma_semaphore, #tpu.memory_space<semaphore_mem>>
    %dma_start3A_61 = tpu.memref_squeeze %dma_start3A_60 : memref<1x!tpu.dma_semaphore, #tpu.memory_space<semaphore_mem>> -> memref<!tpu.dma_semaphore, #tpu.memory_space<semaphore_mem>>
    tpu.enqueue_indirect_dma source(%dma_start3A_59 : memref<1000000x64xf32, #tpu.memory_space<hbm>>) target(%dma_start3A_53 : memref<128x64xf32, #tpu.memory_space<vmem>>) offsets(%dma_start3A_56 : memref<128xi32, #tpu.memory_space<vmem>>) semaphore(%dma_start3A_61 : memref<!tpu.dma_semaphore, #tpu.memory_space<semaphore_mem>>)
    %iota3A = tpu.iota {dimensions = array<i32: 0>} : vector<16xi32>
    %broadcast_in_dim3A = arith.constant 0 : i32
    %broadcast_in_dim3A_62 = vector.broadcast %broadcast_in_dim3A : i32 to vector<16xi32>
    %add3A_63 = arith.constant 0 : i32
    %add3A_64 = vector.broadcast %add3A_63 : i32 to vector<16xi32>
    %add3A_65 = arith.addi %add3A_64, %iota3A : vector<16xi32>
    %jit3A = arith.constant 8 : i32
    %div3A = vector.broadcast %jit3A : i32 to vector<16xi32>
    %div3A_66 = arith.divsi %add3A_65, %div3A : vector<16xi32>
    %sign3A = arith.constant 0 : i32
    %sign3A_67 = vector.broadcast %sign3A : i32 to vector<16xi32>
    %sign3A_68 = arith.cmpi sgt, %add3A_65, %sign3A_67 : vector<16xi32>
    %sign3A_69 = arith.extui %sign3A_68 : vector<16xi1> to vector<16xi32>
    %sign3A_70 = arith.constant 0 : i32
    %sign3A_71 = vector.broadcast %sign3A_70 : i32 to vector<16xi32>
    %sign3A_72 = arith.cmpi slt, %add3A_65, %sign3A_71 : vector<16xi32>
    %sign3A_73 = arith.extui %sign3A_72 : vector<16xi1> to vector<16xi32>
    %sign3A_74 = arith.subi %sign3A_69, %sign3A_73 : vector<16xi32>
    %sign3A_75 = arith.constant 0 : i32
    %sign3A_76 = arith.cmpi sgt, %jit3A, %sign3A_75 : i32
    %sign3A_77 = arith.extui %sign3A_76 : i1 to i32
    %sign3A_78 = arith.constant 0 : i32
    %sign3A_79 = arith.cmpi slt, %jit3A, %sign3A_78 : i32
    %sign3A_80 = arith.extui %sign3A_79 : i1 to i32
    %sign3A_81 = arith.subi %sign3A_77, %sign3A_80 : i32
    %ne3A = vector.broadcast %sign3A_81 : i32 to vector<16xi32>
    %ne3A_82 = arith.cmpi ne, %sign3A_74, %ne3A : vector<16xi32>
    %rem3A = vector.broadcast %jit3A : i32 to vector<16xi32>
    %rem3A_83 = arith.remsi %add3A_65, %rem3A : vector<16xi32>
    %ne3A_84 = arith.constant 0 : i32
    %ne3A_85 = vector.broadcast %ne3A_84 : i32 to vector<16xi32>
    %ne3A_86 = arith.cmpi ne, %rem3A_83, %ne3A_85 : vector<16xi32>
    %and3A = arith.andi %ne3A_82, %ne3A_86 : vector<16xi1>
    %sub3A = arith.constant 1 : i32
    %sub3A_87 = vector.broadcast %sub3A : i32 to vector<16xi32>
    %sub3A_88 = arith.subi %div3A_66, %sub3A_87 : vector<16xi32>
    %select_n3A = arith.select %and3A, %sub3A_88, %div3A_66 : vector<16xi1>, vector<16xi32>
    %add3A_89 = arith.constant 16 : i32
    %add3A_90 = vector.broadcast %add3A_89 : i32 to vector<16xi32>
    %add3A_91 = arith.addi %add3A_90, %iota3A : vector<16xi32>
    %jit3A_92 = arith.constant 8 : i32
    %div3A_93 = vector.broadcast %jit3A_92 : i32 to vector<16xi32>
    %div3A_94 = arith.divsi %add3A_91, %div3A_93 : vector<16xi32>
    %sign3A_95 = arith.constant 0 : i32
    %sign3A_96 = vector.broadcast %sign3A_95 : i32 to vector<16xi32>
    %sign3A_97 = arith.cmpi sgt, %add3A_91, %sign3A_96 : vector<16xi32>
    %sign3A_98 = arith.extui %sign3A_97 : vector<16xi1> to vector<16xi32>
    %sign3A_99 = arith.constant 0 : i32
    %sign3A_100 = vector.broadcast %sign3A_99 : i32 to vector<16xi32>
    %sign3A_101 = arith.cmpi slt, %add3A_91, %sign3A_100 : vector<16xi32>
    %sign3A_102 = arith.extui %sign3A_101 : vector<16xi1> to vector<16xi32>
    %sign3A_103 = arith.subi %sign3A_98, %sign3A_102 : vector<16xi32>
    %sign3A_104 = arith.constant 0 : i32
    %sign3A_105 = arith.cmpi sgt, %jit3A_92, %sign3A_104 : i32
    %sign3A_106 = arith.extui %sign3A_105 : i1 to i32
    %sign3A_107 = arith.constant 0 : i32
    %sign3A_108 = arith.cmpi slt, %jit3A_92, %sign3A_107 : i32
    %sign3A_109 = arith.extui %sign3A_108 : i1 to i32
    %sign3A_110 = arith.subi %sign3A_106, %sign3A_109 : i32
    %ne3A_111 = vector.broadcast %sign3A_110 : i32 to vector<16xi32>
    %ne3A_112 = arith.cmpi ne, %sign3A_103, %ne3A_111 : vector<16xi32>
    %rem3A_113 = vector.broadcast %jit3A_92 : i32 to vector<16xi32>
    %rem3A_114 = arith.remsi %add3A_91, %rem3A_113 : vector<16xi32>
    %ne3A_115 = arith.constant 0 : i32
    %ne3A_116 = vector.broadcast %ne3A_115 : i32 to vector<16xi32>
    %ne3A_117 = arith.cmpi ne, %rem3A_114, %ne3A_116 : vector<16xi32>
    %and3A_118 = arith.andi %ne3A_112, %ne3A_117 : vector<16xi1>
    %sub3A_119 = arith.constant 1 : i32
    %sub3A_120 = vector.broadcast %sub3A_119 : i32 to vector<16xi32>
    %sub3A_121 = arith.subi %div3A_94, %sub3A_120 : vector<16xi32>
    %select_n3A_122 = arith.select %and3A_118, %sub3A_121, %div3A_94 : vector<16xi1>, vector<16xi32>
    %add3A_123 = arith.constant 32 : i32
    %add3A_124 = vector.broadcast %add3A_123 : i32 to vector<16xi32>
    %add3A_125 = arith.addi %add3A_124, %iota3A : vector<16xi32>
    %jit3A_126 = arith.constant 8 : i32
    %div3A_127 = vector.broadcast %jit3A_126 : i32 to vector<16xi32>
    %div3A_128 = arith.divsi %add3A_125, %div3A_127 : vector<16xi32>
    %sign3A_129 = arith.constant 0 : i32
    %sign3A_130 = vector.broadcast %sign3A_129 : i32 to vector<16xi32>
    %sign3A_131 = arith.cmpi sgt, %add3A_125, %sign3A_130 : vector<16xi32>
    %sign3A_132 = arith.extui %sign3A_131 : vector<16xi1> to vector<16xi32>
    %sign3A_133 = arith.constant 0 : i32
    %sign3A_134 = vector.broadcast %sign3A_133 : i32 to vector<16xi32>
    %sign3A_135 = arith.cmpi slt, %add3A_125, %sign3A_134 : vector<16xi32>
    %sign3A_136 = arith.extui %sign3A_135 : vector<16xi1> to vector<16xi32>
    %sign3A_137 = arith.subi %sign3A_132, %sign3A_136 : vector<16xi32>
    %sign3A_138 = arith.constant 0 : i32
    %sign3A_139 = arith.cmpi sgt, %jit3A_126, %sign3A_138 : i32
    %sign3A_140 = arith.extui %sign3A_139 : i1 to i32
    %sign3A_141 = arith.constant 0 : i32
    %sign3A_142 = arith.cmpi slt, %jit3A_126, %sign3A_141 : i32
    %sign3A_143 = arith.extui %sign3A_142 : i1 to i32
    %sign3A_144 = arith.subi %sign3A_140, %sign3A_143 : i32
    %ne3A_145 = vector.broadcast %sign3A_144 : i32 to vector<16xi32>
    %ne3A_146 = arith.cmpi ne, %sign3A_137, %ne3A_145 : vector<16xi32>
    %rem3A_147 = vector.broadcast %jit3A_126 : i32 to vector<16xi32>
    %rem3A_148 = arith.remsi %add3A_125, %rem3A_147 : vector<16xi32>
    %ne3A_149 = arith.constant 0 : i32
    %ne3A_150 = vector.broadcast %ne3A_149 : i32 to vector<16xi32>
    %ne3A_151 = arith.cmpi ne, %rem3A_148, %ne3A_150 : vector<16xi32>
    %and3A_152 = arith.andi %ne3A_146, %ne3A_151 : vector<16xi1>
    %sub3A_153 = arith.constant 1 : i32
    %sub3A_154 = vector.broadcast %sub3A_153 : i32 to vector<16xi32>
    %sub3A_155 = arith.subi %div3A_128, %sub3A_154 : vector<16xi32>
    %select_n3A_156 = arith.select %and3A_152, %sub3A_155, %div3A_128 : vector<16xi1>, vector<16xi32>
    %add3A_157 = arith.constant 48 : i32
    %add3A_158 = vector.broadcast %add3A_157 : i32 to vector<16xi32>
    %add3A_159 = arith.addi %add3A_158, %iota3A : vector<16xi32>
    %jit3A_160 = arith.constant 8 : i32
    %div3A_161 = vector.broadcast %jit3A_160 : i32 to vector<16xi32>
    %div3A_162 = arith.divsi %add3A_159, %div3A_161 : vector<16xi32>
    %sign3A_163 = arith.constant 0 : i32
    %sign3A_164 = vector.broadcast %sign3A_163 : i32 to vector<16xi32>
    %sign3A_165 = arith.cmpi sgt, %add3A_159, %sign3A_164 : vector<16xi32>
    %sign3A_166 = arith.extui %sign3A_165 : vector<16xi1> to vector<16xi32>
    %sign3A_167 = arith.constant 0 : i32
    %sign3A_168 = vector.broadcast %sign3A_167 : i32 to vector<16xi32>
    %sign3A_169 = arith.cmpi slt, %add3A_159, %sign3A_168 : vector<16xi32>
    %sign3A_170 = arith.extui %sign3A_169 : vector<16xi1> to vector<16xi32>
    %sign3A_171 = arith.subi %sign3A_166, %sign3A_170 : vector<16xi32>
    %sign3A_172 = arith.constant 0 : i32
    %sign3A_173 = arith.cmpi sgt, %jit3A_160, %sign3A_172 : i32
    %sign3A_174 = arith.extui %sign3A_173 : i1 to i32
    %sign3A_175 = arith.constant 0 : i32
    %sign3A_176 = arith.cmpi slt, %jit3A_160, %sign3A_175 : i32
    %sign3A_177 = arith.extui %sign3A_176 : i1 to i32
    %sign3A_178 = arith.subi %sign3A_174, %sign3A_177 : i32
    %ne3A_179 = vector.broadcast %sign3A_178 : i32 to vector<16xi32>
    %ne3A_180 = arith.cmpi ne, %sign3A_171, %ne3A_179 : vector<16xi32>
    %rem3A_181 = vector.broadcast %jit3A_160 : i32 to vector<16xi32>
    %rem3A_182 = arith.remsi %add3A_159, %rem3A_181 : vector<16xi32>
    %ne3A_183 = arith.constant 0 : i32
    %ne3A_184 = vector.broadcast %ne3A_183 : i32 to vector<16xi32>
    %ne3A_185 = arith.cmpi ne, %rem3A_182, %ne3A_184 : vector<16xi32>
    %and3A_186 = arith.andi %ne3A_180, %ne3A_185 : vector<16xi1>
    %sub3A_187 = arith.constant 1 : i32
    %sub3A_188 = vector.broadcast %sub3A_187 : i32 to vector<16xi32>
    %sub3A_189 = arith.subi %div3A_162, %sub3A_188 : vector<16xi32>
    %select_n3A_190 = arith.select %and3A_186, %sub3A_189, %div3A_162 : vector<16xi1>, vector<16xi32>
    %add3A_191 = arith.constant 0 : i32
    %add3A_192 = vector.broadcast %add3A_191 : i32 to vector<16xi32>
    %add3A_193 = arith.addi %add3A_192, %iota3A : vector<16xi32>
    %jit3A_194 = arith.constant 8 : i32
    %eq3A = arith.constant 0 : i32
    %eq3A_195 = arith.cmpi eq, %jit3A_194, %eq3A : i32
    %jit3A_196 = arith.constant 1 : i32
    %select_n3A_197 = arith.select %eq3A_195, %jit3A_196, %jit3A_194 : i32
    %rem3A_198 = vector.broadcast %select_n3A_197 : i32 to vector<16xi32>
    %rem3A_199 = arith.remsi %add3A_193, %rem3A_198 : vector<16xi32>
    %ne3A_200 = arith.constant 0 : i32
    %ne3A_201 = vector.broadcast %ne3A_200 : i32 to vector<16xi32>
    %ne3A_202 = arith.cmpi ne, %rem3A_199, %ne3A_201 : vector<16xi32>
    %lt3A = arith.constant 0 : i32
    %lt3A_203 = vector.broadcast %lt3A : i32 to vector<16xi32>
    %lt3A_204 = arith.cmpi slt, %rem3A_199, %lt3A_203 : vector<16xi32>
    %lt3A_205 = arith.constant 0 : i32
    %lt3A_206 = arith.cmpi slt, %select_n3A_197, %lt3A_205 : i32
    %ne3A_207 = vector.broadcast %lt3A_206 : i1 to vector<16xi1>
    %ne3A_208 = vector.broadcast %ne3A_207 : vector<16xi1> to vector<16xi1>
    %ne3A_209 = arith.xori %lt3A_204, %ne3A_208 : vector<16xi1>
    %and3A_210 = arith.andi %ne3A_209, %ne3A_202 : vector<16xi1>
    %add3A_211 = vector.broadcast %select_n3A_197 : i32 to vector<16xi32>
    %add3A_212 = arith.addi %rem3A_199, %add3A_211 : vector<16xi32>
    %select_n3A_213 = arith.select %and3A_210, %add3A_212, %rem3A_199 : vector<16xi1>, vector<16xi32>
    %add3A_214 = arith.constant 16 : i32
    %add3A_215 = vector.broadcast %add3A_214 : i32 to vector<16xi32>
    %add3A_216 = arith.addi %add3A_215, %iota3A : vector<16xi32>
    %jit3A_217 = arith.constant 8 : i32
    %eq3A_218 = arith.constant 0 : i32
    %eq3A_219 = arith.cmpi eq, %jit3A_217, %eq3A_218 : i32
    %jit3A_220 = arith.constant 1 : i32
    %select_n3A_221 = arith.select %eq3A_219, %jit3A_220, %jit3A_217 : i32
    %rem3A_222 = vector.broadcast %select_n3A_221 : i32 to vector<16xi32>
    %rem3A_223 = arith.remsi %add3A_216, %rem3A_222 : vector<16xi32>
    %ne3A_224 = arith.constant 0 : i32
    %ne3A_225 = vector.broadcast %ne3A_224 : i32 to vector<16xi32>
    %ne3A_226 = arith.cmpi ne, %rem3A_223, %ne3A_225 : vector<16xi32>
    %lt3A_227 = arith.constant 0 : i32
    %lt3A_228 = vector.broadcast %lt3A_227 : i32 to vector<16xi32>
    %lt3A_229 = arith.cmpi slt, %rem3A_223, %lt3A_228 : vector<16xi32>
    %lt3A_230 = arith.constant 0 : i32
    %lt3A_231 = arith.cmpi slt, %select_n3A_221, %lt3A_230 : i32
    %ne3A_232 = vector.broadcast %lt3A_231 : i1 to vector<16xi1>
    %ne3A_233 = vector.broadcast %ne3A_232 : vector<16xi1> to vector<16xi1>
    %ne3A_234 = arith.xori %lt3A_229, %ne3A_233 : vector<16xi1>
    %and3A_235 = arith.andi %ne3A_234, %ne3A_226 : vector<16xi1>
    %add3A_236 = vector.broadcast %select_n3A_221 : i32 to vector<16xi32>
    %add3A_237 = arith.addi %rem3A_223, %add3A_236 : vector<16xi32>
    %select_n3A_238 = arith.select %and3A_235, %add3A_237, %rem3A_223 : vector<16xi1>, vector<16xi32>
    %add3A_239 = arith.constant 32 : i32
    %add3A_240 = vector.broadcast %add3A_239 : i32 to vector<16xi32>
    %add3A_241 = arith.addi %add3A_240, %iota3A : vector<16xi32>
    %jit3A_242 = arith.constant 8 : i32
    %eq3A_243 = arith.constant 0 : i32
    %eq3A_244 = arith.cmpi eq, %jit3A_242, %eq3A_243 : i32
    %jit3A_245 = arith.constant 1 : i32
    %select_n3A_246 = arith.select %eq3A_244, %jit3A_245, %jit3A_242 : i32
    %rem3A_247 = vector.broadcast %select_n3A_246 : i32 to vector<16xi32>
    %rem3A_248 = arith.remsi %add3A_241, %rem3A_247 : vector<16xi32>
    %ne3A_249 = arith.constant 0 : i32
    %ne3A_250 = vector.broadcast %ne3A_249 : i32 to vector<16xi32>
    %ne3A_251 = arith.cmpi ne, %rem3A_248, %ne3A_250 : vector<16xi32>
    %lt3A_252 = arith.constant 0 : i32
    %lt3A_253 = vector.broadcast %lt3A_252 : i32 to vector<16xi32>
    %lt3A_254 = arith.cmpi slt, %rem3A_248, %lt3A_253 : vector<16xi32>
    %lt3A_255 = arith.constant 0 : i32
    %lt3A_256 = arith.cmpi slt, %select_n3A_246, %lt3A_255 : i32
    %ne3A_257 = vector.broadcast %lt3A_256 : i1 to vector<16xi1>
    %ne3A_258 = vector.broadcast %ne3A_257 : vector<16xi1> to vector<16xi1>
    %ne3A_259 = arith.xori %lt3A_254, %ne3A_258 : vector<16xi1>
    %and3A_260 = arith.andi %ne3A_259, %ne3A_251 : vector<16xi1>
    %add3A_261 = vector.broadcast %select_n3A_246 : i32 to vector<16xi32>
    %add3A_262 = arith.addi %rem3A_248, %add3A_261 : vector<16xi32>
    %select_n3A_263 = arith.select %and3A_260, %add3A_262, %rem3A_248 : vector<16xi1>, vector<16xi32>
    %add3A_264 = arith.constant 48 : i32
    %add3A_265 = vector.broadcast %add3A_264 : i32 to vector<16xi32>
    %add3A_266 = arith.addi %add3A_265, %iota3A : vector<16xi32>
    %jit3A_267 = arith.constant 8 : i32
    %eq3A_268 = arith.constant 0 : i32
    %eq3A_269 = arith.cmpi eq, %jit3A_267, %eq3A_268 : i32
    %jit3A_270 = arith.constant 1 : i32
    %select_n3A_271 = arith.select %eq3A_269, %jit3A_270, %jit3A_267 : i32
    %rem3A_272 = vector.broadcast %select_n3A_271 : i32 to vector<16xi32>
    %rem3A_273 = arith.remsi %add3A_266, %rem3A_272 : vector<16xi32>
    %ne3A_274 = arith.constant 0 : i32
    %ne3A_275 = vector.broadcast %ne3A_274 : i32 to vector<16xi32>
    %ne3A_276 = arith.cmpi ne, %rem3A_273, %ne3A_275 : vector<16xi32>
    %lt3A_277 = arith.constant 0 : i32
    %lt3A_278 = vector.broadcast %lt3A_277 : i32 to vector<16xi32>
    %lt3A_279 = arith.cmpi slt, %rem3A_273, %lt3A_278 : vector<16xi32>
    %lt3A_280 = arith.constant 0 : i32
    %lt3A_281 = arith.cmpi slt, %select_n3A_271, %lt3A_280 : i32
    %ne3A_282 = vector.broadcast %lt3A_281 : i1 to vector<16xi1>
    %ne3A_283 = vector.broadcast %ne3A_282 : vector<16xi1> to vector<16xi1>
    %ne3A_284 = arith.xori %lt3A_279, %ne3A_283 : vector<16xi1>
    %and3A_285 = arith.andi %ne3A_284, %ne3A_276 : vector<16xi1>
    %add3A_286 = vector.broadcast %select_n3A_271 : i32 to vector<16xi32>
    %add3A_287 = arith.addi %rem3A_273, %add3A_286 : vector<16xi32>
    %select_n3A_288 = arith.select %and3A_285, %add3A_287, %rem3A_273 : vector<16xi1>, vector<16xi32>
    %scan3A = arith.constant 0 : i32
    %scan3A_289 = arith.constant 0 : i32
    %scan3A_290 = arith.constant 50 : i32
    %scan3A_291 = arith.addi %scan3A_289, %scan3A_290 : i32
    %scan3A_292 = arith.constant 1 : i32
    scf.for %scan3A_343 = %scan3A_289 to %scan3A_291 step %scan3A_292  : i32 {
      %mul3A_344 = arith.constant 4 : i32
      %mul3A_345 = arith.muli %scan3A_343, %mul3A_344 : i32
      %add3A_346 = arith.constant 0 : i32
      %add3A_347 = arith.addi %mul3A_345, %add3A_346 : i32
      %dma_wait3A_348 = arith.constant 0 : i32
      %dma_wait3A_349 = arith.constant 0 : i32
      %dma_wait3A_350 = arith.constant 0 : i32
      %dma_wait3A_351 = arith.constant 0 : i32
      %dma_wait3A_352 = tpu.memref_slice %arg6[%dma_wait3A_348, %dma_wait3A_350, %dma_wait3A_351] : memref<4x128x64xf32, #tpu.memory_space<vmem>> -> memref<1x128x64xf32, #tpu.memory_space<vmem>>
      %dma_wait3A_353 = tpu.memref_squeeze %dma_wait3A_352 : memref<1x128x64xf32, #tpu.memory_space<vmem>> -> memref<128x64xf32, #tpu.memory_space<vmem>>
      %dma_wait3A_354 = arith.constant 0 : i32
      %dma_wait3A_355 = tpu.memref_slice %arg5[%add3A_347, %dma_wait3A_354] : memref<200x128xi32, #tpu.memory_space<vmem>> -> memref<1x128xi32, #tpu.memory_space<vmem>>
      %dma_wait3A_356 = tpu.memref_squeeze %dma_wait3A_355 : memref<1x128xi32, #tpu.memory_space<vmem>> -> memref<128xi32, #tpu.memory_space<vmem>>
      %dma_wait3A_357 = arith.constant 0 : i32
      %dma_wait3A_358 = arith.constant 0 : i32
      %dma_wait3A_359 = tpu.memref_slice %arg3[%dma_wait3A_357, %dma_wait3A_358] : memref<1000000x64xf32, #tpu.memory_space<hbm>> -> memref<1000000x64xf32, #tpu.memory_space<hbm>>
      %dma_wait3A_360 = tpu.memref_slice %arg8[%dma_wait3A_349] : memref<4x!tpu.dma_semaphore, #tpu.memory_space<semaphore_mem>> -> memref<1x!tpu.dma_semaphore, #tpu.memory_space<semaphore_mem>>
      %dma_wait3A_361 = tpu.memref_squeeze %dma_wait3A_360 : memref<1x!tpu.dma_semaphore, #tpu.memory_space<semaphore_mem>> -> memref<!tpu.dma_semaphore, #tpu.memory_space<semaphore_mem>>
      tpu.wait_indirect_dma semaphore(%dma_wait3A_361 : memref<!tpu.dma_semaphore, #tpu.memory_space<semaphore_mem>>) src(%dma_wait3A_359 : memref<1000000x64xf32, #tpu.memory_space<hbm>>) dst(%dma_wait3A_353 : memref<128x64xf32, #tpu.memory_space<vmem>>)
      %ge3A = arith.constant 2 : i32
      %ge3A_362 = arith.cmpi sge, %add3A_347, %ge3A : i32
      %convert_element_type3A = arith.extui %ge3A_362 : i1 to i32
      %cond3A = arith.constant 0 : i32
      %cond3A_363 = arith.cmpi ne, %convert_element_type3A, %cond3A : i32
      scf.if %cond3A_363 {
        %dma_wait3A_568 = arith.constant 0 : i32
        %dma_wait3A_569 = arith.constant 0 : i32
        %dma_wait3A_570 = arith.constant 0 : i32
        %dma_wait3A_571 = arith.constant 0 : i32
        %dma_wait3A_572 = arith.constant 0 : i32
        %dma_wait3A_573 = arith.constant 0 : i32
        %dma_wait3A_574 = tpu.memref_slice %arg7[%dma_wait3A_568, %dma_wait3A_571, %dma_wait3A_572, %dma_wait3A_573] : memref<2x8x8x129xf32, #tpu.memory_space<vmem>> -> memref<1x8x8x128xf32, #tpu.memory_space<vmem>>
        %dma_wait3A_575 = tpu.memref_squeeze %dma_wait3A_574 : memref<1x8x8x128xf32, #tpu.memory_space<vmem>> -> memref<8x8x128xf32, #tpu.memory_space<vmem>>
        %dma_wait3A_576 = arith.constant 0 : i32
        %dma_wait3A_577 = arith.constant 0 : i32
        %dma_wait3A_578 = arith.constant 0 : i32
        %dma_wait3A_579 = tpu.memref_slice %arg4[%dma_wait3A_569, %dma_wait3A_576, %add3A, %dma_wait3A_577, %dma_wait3A_578] : memref<200x8x32x8x128xf32, #tpu.memory_space<hbm>> -> memref<1x8x1x8x128xf32, #tpu.memory_space<hbm>>
        %dma_wait3A_580 = tpu.memref_squeeze %dma_wait3A_579 : memref<1x8x1x8x128xf32, #tpu.memory_space<hbm>> -> memref<8x8x128xf32, #tpu.memory_space<hbm>>
        %dma_wait3A_581 = tpu.memref_slice %arg9[%dma_wait3A_570] : memref<2x!tpu.dma_semaphore, #tpu.memory_space<semaphore_mem>> -> memref<1x!tpu.dma_semaphore, #tpu.memory_space<semaphore_mem>>
        %dma_wait3A_582 = tpu.memref_squeeze %dma_wait3A_581 : memref<1x!tpu.dma_semaphore, #tpu.memory_space<semaphore_mem>> -> memref<!tpu.dma_semaphore, #tpu.memory_space<semaphore_mem>>
        %dma_wait3A_583 = arith.constant 0 : i32
        %dma_wait3A_584 = arith.constant 0 : i32
        %dma_wait3A_585 = arith.constant 0 : i32
        %dma_wait3A_586 = tpu.memref_slice %arg4[%dma_wait3A_569, %dma_wait3A_583, %add3A, %dma_wait3A_584, %dma_wait3A_585] : memref<200x8x32x8x128xf32, #tpu.memory_space<hbm>> -> memref<1x8x1x8x128xf32, #tpu.memory_space<hbm>>
        %dma_wait3A_587 = tpu.memref_squeeze %dma_wait3A_586 : memref<1x8x1x8x128xf32, #tpu.memory_space<hbm>> -> memref<8x8x128xf32, #tpu.memory_space<hbm>>
        %dma_wait3A_588 = arith.constant 0 : i32
        %dma_wait3A_589 = arith.constant 0 : i32
        %dma_wait3A_590 = arith.constant 0 : i32
        %dma_wait3A_591 = tpu.memref_slice %arg7[%dma_wait3A_568, %dma_wait3A_588, %dma_wait3A_589, %dma_wait3A_590] : memref<2x8x8x129xf32, #tpu.memory_space<vmem>> -> memref<1x8x8x128xf32, #tpu.memory_space<vmem>>
        %dma_wait3A_592 = tpu.memref_squeeze %dma_wait3A_591 : memref<1x8x8x128xf32, #tpu.memory_space<vmem>> -> memref<8x8x128xf32, #tpu.memory_space<vmem>>
        tpu.wait_dma2 semaphore(%dma_wait3A_582 : memref<!tpu.dma_semaphore, #tpu.memory_space<semaphore_mem>>) src(%dma_wait3A_592 : memref<8x8x128xf32, #tpu.memory_space<vmem>>) dst(%dma_wait3A_587 : memref<8x8x128xf32, #tpu.memory_space<hbm>>)
      } else {
      }
      %parallel_loop3A = arith.constant 0 : i32
      %parallel_loop3A_364 = arith.constant 128 : i32
      %parallel_loop3A_365 = arith.constant 1 : i32
      scf.for %parallel_loop3A_568 = %parallel_loop3A to %parallel_loop3A_364 step %parallel_loop3A_365  : i32 {
        %parallel_loop3A_569 = vector.broadcast %parallel_loop3A_568 : i32 to vector<16xi32>
        %parallel_loop3A_570 = arith.addi %broadcast_in_dim3A_62, %parallel_loop3A_569 : vector<16xi32>
        %parallel_loop3A_571 = arith.constant 0 : i32
        %parallel_loop3A_572 = arith.index_cast %parallel_loop3A_571 : i32 to index
        %parallel_loop3A_573 = arith.index_cast %parallel_loop3A_568 : i32 to index
        %parallel_loop3A_574 = arith.constant 0 : index
        %parallel_loop3A_575 = tpu.vector_load %arg6[%parallel_loop3A_572, %parallel_loop3A_573, %parallel_loop3A_574] {strides = array<i32>} : memref<4x128x64xf32, #tpu.memory_space<vmem>>, vector<16xf32>,
        %parallel_loop3A_576 = arith.constant 0 : i32
        %parallel_loop3A_577 = arith.constant 0 : i32
        %parallel_loop3A_578 = arith.constant 0 : i32
        %parallel_loop3A_579 = arith.constant 0 : i32
        %parallel_loop3A_580 = tpu.memref_slice %arg7[%parallel_loop3A_576, %parallel_loop3A_577, %parallel_loop3A_578, %parallel_loop3A_579] : memref<2x8x8x129xf32, #tpu.memory_space<vmem>> -> memref<1x8x8x129xf32, #tpu.memory_space<vmem>>
        %parallel_loop3A_581 = tpu.memref_squeeze %parallel_loop3A_580 : memref<1x8x8x129xf32, #tpu.memory_space<vmem>> -> memref<8x8x129xf32, #tpu.memory_space<vmem>>
        tpu.vector_store_idx %parallel_loop3A_581[%select_n3A, %select_n3A_213, %parallel_loop3A_570], %parallel_loop3A_575 : memref<8x8x129xf32, #tpu.memory_space<vmem>>[vector<16xi32>, vector<16xi32>, vector<16xi32>], vector<16xf32>,
        %parallel_loop3A_582 = arith.constant 0 : i32
        %parallel_loop3A_583 = arith.index_cast %parallel_loop3A_582 : i32 to index
        %parallel_loop3A_584 = arith.index_cast %parallel_loop3A_568 : i32 to index
        %parallel_loop3A_585 = arith.constant 16 : index
        %parallel_loop3A_586 = tpu.vector_load %arg6[%parallel_loop3A_583, %parallel_loop3A_584, %parallel_loop3A_585] {strides = array<i32>} : memref<4x128x64xf32, #tpu.memory_space<vmem>>, vector<16xf32>,
        %parallel_loop3A_587 = arith.constant 0 : i32
        %parallel_loop3A_588 = arith.constant 0 : i32
        %parallel_loop3A_589 = arith.constant 0 : i32
        %parallel_loop3A_590 = arith.constant 0 : i32
        %parallel_loop3A_591 = tpu.memref_slice %arg7[%parallel_loop3A_587, %parallel_loop3A_588, %parallel_loop3A_589, %parallel_loop3A_590] : memref<2x8x8x129xf32, #tpu.memory_space<vmem>> -> memref<1x8x8x129xf32, #tpu.memory_space<vmem>>
        %parallel_loop3A_592 = tpu.memref_squeeze %parallel_loop3A_591 : memref<1x8x8x129xf32, #tpu.memory_space<vmem>> -> memref<8x8x129xf32, #tpu.memory_space<vmem>>
        tpu.vector_store_idx %parallel_loop3A_592[%select_n3A_122, %select_n3A_238, %parallel_loop3A_570], %parallel_loop3A_586 : memref<8x8x129xf32, #tpu.memory_space<vmem>>[vector<16xi32>, vector<16xi32>, vector<16xi32>], vector<16xf32>,
        %parallel_loop3A_593 = arith.constant 0 : i32
        %parallel_loop3A_594 = arith.index_cast %parallel_loop3A_593 : i32 to index
        %parallel_loop3A_595 = arith.index_cast %parallel_loop3A_568 : i32 to index
        %parallel_loop3A_596 = arith.constant 32 : index
        %parallel_loop3A_597 = tpu.vector_load %arg6[%parallel_loop3A_594, %parallel_loop3A_595, %parallel_loop3A_596] {strides = array<i32>} : memref<4x128x64xf32, #tpu.memory_space<vmem>>, vector<16xf32>,
        %parallel_loop3A_598 = arith.constant 0 : i32
        %parallel_loop3A_599 = arith.constant 0 : i32
        %parallel_loop3A_600 = arith.constant 0 : i32
        %parallel_loop3A_601 = arith.constant 0 : i32
        %parallel_loop3A_602 = tpu.memref_slice %arg7[%parallel_loop3A_598, %parallel_loop3A_599, %parallel_loop3A_600, %parallel_loop3A_601] : memref<2x8x8x129xf32, #tpu.memory_space<vmem>> -> memref<1x8x8x129xf32, #tpu.memory_space<vmem>>
        %parallel_loop3A_603 = tpu.memref_squeeze %parallel_loop3A_602 : memref<1x8x8x129xf32, #tpu.memory_space<vmem>> -> memref<8x8x129xf32, #tpu.memory_space<vmem>>
        tpu.vector_store_idx %parallel_loop3A_603[%select_n3A_156, %select_n3A_263, %parallel_loop3A_570], %parallel_loop3A_597 : memref<8x8x129xf32, #tpu.memory_space<vmem>>[vector<16xi32>, vector<16xi32>, vector<16xi32>], vector<16xf32>,
        %parallel_loop3A_604 = arith.constant 0 : i32
        %parallel_loop3A_605 = arith.index_cast %parallel_loop3A_604 : i32 to index
        %parallel_loop3A_606 = arith.index_cast %parallel_loop3A_568 : i32 to index
        %parallel_loop3A_607 = arith.constant 48 : index
        %parallel_loop3A_608 = tpu.vector_load %arg6[%parallel_loop3A_605, %parallel_loop3A_606, %parallel_loop3A_607] {strides = array<i32>} : memref<4x128x64xf32, #tpu.memory_space<vmem>>, vector<16xf32>,
        %parallel_loop3A_609 = arith.constant 0 : i32
        %parallel_loop3A_610 = arith.constant 0 : i32
        %parallel_loop3A_611 = arith.constant 0 : i32
        %parallel_loop3A_612 = arith.constant 0 : i32
        %parallel_loop3A_613 = tpu.memref_slice %arg7[%parallel_loop3A_609, %parallel_loop3A_610, %parallel_loop3A_611, %parallel_loop3A_612] : memref<2x8x8x129xf32, #tpu.memory_space<vmem>> -> memref<1x8x8x129xf32, #tpu.memory_space<vmem>>
        %parallel_loop3A_614 = tpu.memref_squeeze %parallel_loop3A_613 : memref<1x8x8x129xf32, #tpu.memory_space<vmem>> -> memref<8x8x129xf32, #tpu.memory_space<vmem>>
        tpu.vector_store_idx %parallel_loop3A_614[%select_n3A_190, %select_n3A_288, %parallel_loop3A_570], %parallel_loop3A_608 : memref<8x8x129xf32, #tpu.memory_space<vmem>>[vector<16xi32>, vector<16xi32>, vector<16xi32>], vector<16xf32>,
      } {sc.loop_unroll_factor = 16 : i64, sc.parallel_access}
      %dma_start3A_366 = arith.constant 0 : i32
      %dma_start3A_367 = arith.constant 0 : i32
      %dma_start3A_368 = arith.constant 0 : i32
      %dma_start3A_369 = arith.constant 0 : i32
      %dma_start3A_370 = arith.constant 0 : i32
      %dma_start3A_371 = tpu.memref_slice %arg7[%dma_start3A_366, %dma_start3A_368, %dma_start3A_369, %dma_start3A_370] : memref<2x8x8x129xf32, #tpu.memory_space<vmem>> -> memref<1x8x8x128xf32, #tpu.memory_space<vmem>>
      %dma_start3A_372 = tpu.memref_squeeze %dma_start3A_371 : memref<1x8x8x128xf32, #tpu.memory_space<vmem>> -> memref<8x8x128xf32, #tpu.memory_space<vmem>>
      %dma_start3A_373 = arith.constant 0 : i32
      %dma_start3A_374 = arith.constant 0 : i32
      %dma_start3A_375 = arith.constant 0 : i32
      %dma_start3A_376 = tpu.memref_slice %arg4[%add3A_347, %dma_start3A_373, %add3A, %dma_start3A_374, %dma_start3A_375] : memref<200x8x32x8x128xf32, #tpu.memory_space<hbm>> -> memref<1x8x1x8x128xf32, #tpu.memory_space<hbm>>
      %dma_start3A_377 = tpu.memref_squeeze %dma_start3A_376 : memref<1x8x1x8x128xf32, #tpu.memory_space<hbm>> -> memref<8x8x128xf32, #tpu.memory_space<hbm>>
      %dma_start3A_378 = tpu.memref_slice %arg9[%dma_start3A_367] : memref<2x!tpu.dma_semaphore, #tpu.memory_space<semaphore_mem>> -> memref<1x!tpu.dma_semaphore, #tpu.memory_space<semaphore_mem>>
      %dma_start3A_379 = tpu.memref_squeeze %dma_start3A_378 : memref<1x!tpu.dma_semaphore, #tpu.memory_space<semaphore_mem>> -> memref<!tpu.dma_semaphore, #tpu.memory_space<semaphore_mem>>
      %dma_start3A_380 = arith.constant 0 : i32
      %dma_start3A_381 = arith.constant 0 : i32
      %dma_start3A_382 = arith.constant 0 : i32
      %dma_start3A_383 = tpu.memref_slice %arg4[%add3A_347, %dma_start3A_380, %add3A, %dma_start3A_381, %dma_start3A_382] : memref<200x8x32x8x128xf32, #tpu.memory_space<hbm>> -> memref<1x8x1x8x128xf32, #tpu.memory_space<hbm>>
      %dma_start3A_384 = tpu.memref_squeeze %dma_start3A_383 : memref<1x8x1x8x128xf32, #tpu.memory_space<hbm>> -> memref<8x8x128xf32, #tpu.memory_space<hbm>>
      %dma_start3A_385 = arith.constant 0 : i32
      %dma_start3A_386 = arith.constant 0 : i32
      %dma_start3A_387 = arith.constant 0 : i32
      %dma_start3A_388 = tpu.memref_slice %arg7[%dma_start3A_366, %dma_start3A_385, %dma_start3A_386, %dma_start3A_387] : memref<2x8x8x129xf32, #tpu.memory_space<vmem>> -> memref<1x8x8x128xf32, #tpu.memory_space<vmem>>
      %dma_start3A_389 = tpu.memref_squeeze %dma_start3A_388 : memref<1x8x8x128xf32, #tpu.memory_space<vmem>> -> memref<8x8x128xf32, #tpu.memory_space<vmem>>
      tpu.enqueue_dma source(%dma_start3A_389 : memref<8x8x128xf32, #tpu.memory_space<vmem>>) target(%dma_start3A_384 : memref<8x8x128xf32, #tpu.memory_space<hbm>>) target_semaphore(%dma_start3A_379 : memref<!tpu.dma_semaphore, #tpu.memory_space<semaphore_mem>>)
      %add3A_390 = arith.constant 4 : i32
      %add3A_391 = arith.addi %add3A_347, %add3A_390 : i32
      %lt3A_392 = arith.constant 200 : i32
      %lt3A_393 = arith.cmpi slt, %add3A_391, %lt3A_392 : i32
      %convert_element_type3A_394 = arith.extui %lt3A_393 : i1 to i32
      %cond3A_395 = arith.constant 0 : i32
      %cond3A_396 = arith.cmpi ne, %convert_element_type3A_394, %cond3A_395 : i32
      scf.if %cond3A_396 {
        %add3A_568 = arith.constant 4 : i32
        %add3A_569 = arith.addi %add3A_347, %add3A_568 : i32
        %dma_start3A_570 = arith.constant 0 : i32
        %dma_start3A_571 = arith.constant 0 : i32
        %dma_start3A_572 = arith.constant 0 : i32
        %dma_start3A_573 = arith.constant 0 : i32
        %dma_start3A_574 = tpu.memref_slice %arg6[%dma_start3A_570, %dma_start3A_572, %dma_start3A_573] : memref<4x128x64xf32, #tpu.memory_space<vmem>> -> memref<1x128x64xf32, #tpu.memory_space<vmem>>
        %dma_start3A_575 = tpu.memref_squeeze %dma_start3A_574 : memref<1x128x64xf32, #tpu.memory_space<vmem>> -> memref<128x64xf32, #tpu.memory_space<vmem>>
        %dma_start3A_576 = arith.constant 0 : i32
        %dma_start3A_577 = tpu.memref_slice %arg5[%add3A_569, %dma_start3A_576] : memref<200x128xi32, #tpu.memory_space<vmem>> -> memref<1x128xi32, #tpu.memory_space<vmem>>
        %dma_start3A_578 = tpu.memref_squeeze %dma_start3A_577 : memref<1x128xi32, #tpu.memory_space<vmem>> -> memref<128xi32, #tpu.memory_space<vmem>>
        %dma_start3A_579 = arith.constant 0 : i32
        %dma_start3A_580 = arith.constant 0 : i32
        %dma_start3A_581 = tpu.memref_slice %arg3[%dma_start3A_579, %dma_start3A_580] : memref<1000000x64xf32, #tpu.memory_space<hbm>> -> memref<1000000x64xf32, #tpu.memory_space<hbm>>
        %dma_start3A_582 = tpu.memref_slice %arg8[%dma_start3A_571] : memref<4x!tpu.dma_semaphore, #tpu.memory_space<semaphore_mem>> -> memref<1x!tpu.dma_semaphore, #tpu.memory_space<semaphore_mem>>
        %dma_start3A_583 = tpu.memref_squeeze %dma_start3A_582 : memref<1x!tpu.dma_semaphore, #tpu.memory_space<semaphore_mem>> -> memref<!tpu.dma_semaphore, #tpu.memory_space<semaphore_mem>>
        tpu.enqueue_indirect_dma source(%dma_start3A_581 : memref<1000000x64xf32, #tpu.memory_space<hbm>>) target(%dma_start3A_575 : memref<128x64xf32, #tpu.memory_space<vmem>>) offsets(%dma_start3A_578 : memref<128xi32, #tpu.memory_space<vmem>>) semaphore(%dma_start3A_583 : memref<!tpu.dma_semaphore, #tpu.memory_space<semaphore_mem>>)
      } else {
      }
      %mul3A_397 = arith.constant 4 : i32
      %mul3A_398 = arith.muli %scan3A_343, %mul3A_397 : i32
      %add3A_399 = arith.constant 1 : i32
      %add3A_400 = arith.addi %mul3A_398, %add3A_399 : i32
      %dma_wait3A_401 = arith.constant 1 : i32
      %dma_wait3A_402 = arith.constant 1 : i32
      %dma_wait3A_403 = arith.constant 0 : i32
      %dma_wait3A_404 = arith.constant 0 : i32
      %dma_wait3A_405 = tpu.memref_slice %arg6[%dma_wait3A_401, %dma_wait3A_403, %dma_wait3A_404] : memref<4x128x64xf32, #tpu.memory_space<vmem>> -> memref<1x128x64xf32, #tpu.memory_space<vmem>>
      %dma_wait3A_406 = tpu.memref_squeeze %dma_wait3A_405 : memref<1x128x64xf32, #tpu.memory_space<vmem>> -> memref<128x64xf32, #tpu.memory_space<vmem>>
      %dma_wait3A_407 = arith.constant 0 : i32
      %dma_wait3A_408 = tpu.memref_slice %arg5[%add3A_400, %dma_wait3A_407] : memref<200x128xi32, #tpu.memory_space<vmem>> -> memref<1x128xi32, #tpu.memory_space<vmem>>
      %dma_wait3A_409 = tpu.memref_squeeze %dma_wait3A_408 : memref<1x128xi32, #tpu.memory_space<vmem>> -> memref<128xi32, #tpu.memory_space<vmem>>
      %dma_wait3A_410 = arith.constant 0 : i32
      %dma_wait3A_411 = arith.constant 0 : i32
      %dma_wait3A_412 = tpu.memref_slice %arg3[%dma_wait3A_410, %dma_wait3A_411] : memref<1000000x64xf32, #tpu.memory_space<hbm>> -> memref<1000000x64xf32, #tpu.memory_space<hbm>>
      %dma_wait3A_413 = tpu.memref_slice %arg8[%dma_wait3A_402] : memref<4x!tpu.dma_semaphore, #tpu.memory_space<semaphore_mem>> -> memref<1x!tpu.dma_semaphore, #tpu.memory_space<semaphore_mem>>
      %dma_wait3A_414 = tpu.memref_squeeze %dma_wait3A_413 : memref<1x!tpu.dma_semaphore, #tpu.memory_space<semaphore_mem>> -> memref<!tpu.dma_semaphore, #tpu.memory_space<semaphore_mem>>
      tpu.wait_indirect_dma semaphore(%dma_wait3A_414 : memref<!tpu.dma_semaphore, #tpu.memory_space<semaphore_mem>>) src(%dma_wait3A_412 : memref<1000000x64xf32, #tpu.memory_space<hbm>>) dst(%dma_wait3A_406 : memref<128x64xf32, #tpu.memory_space<vmem>>)
      %ge3A_415 = arith.constant 2 : i32
      %ge3A_416 = arith.cmpi sge, %add3A_400, %ge3A_415 : i32
      %convert_element_type3A_417 = arith.extui %ge3A_416 : i1 to i32
      %cond3A_418 = arith.constant 0 : i32
      %cond3A_419 = arith.cmpi ne, %convert_element_type3A_417, %cond3A_418 : i32
      scf.if %cond3A_419 {
        %dma_wait3A_568 = arith.constant 1 : i32
        %dma_wait3A_569 = arith.constant 0 : i32
        %dma_wait3A_570 = arith.constant 1 : i32
        %dma_wait3A_571 = arith.constant 0 : i32
        %dma_wait3A_572 = arith.constant 0 : i32
        %dma_wait3A_573 = arith.constant 0 : i32
        %dma_wait3A_574 = tpu.memref_slice %arg7[%dma_wait3A_568, %dma_wait3A_571, %dma_wait3A_572, %dma_wait3A_573] : memref<2x8x8x129xf32, #tpu.memory_space<vmem>> -> memref<1x8x8x128xf32, #tpu.memory_space<vmem>>
        %dma_wait3A_575 = tpu.memref_squeeze %dma_wait3A_574 : memref<1x8x8x128xf32, #tpu.memory_space<vmem>> -> memref<8x8x128xf32, #tpu.memory_space<vmem>>
        %dma_wait3A_576 = arith.constant 0 : i32
        %dma_wait3A_577 = arith.constant 0 : i32
        %dma_wait3A_578 = arith.constant 0 : i32
        %dma_wait3A_579 = tpu.memref_slice %arg4[%dma_wait3A_569, %dma_wait3A_576, %add3A, %dma_wait3A_577, %dma_wait3A_578] : memref<200x8x32x8x128xf32, #tpu.memory_space<hbm>> -> memref<1x8x1x8x128xf32, #tpu.memory_space<hbm>>
        %dma_wait3A_580 = tpu.memref_squeeze %dma_wait3A_579 : memref<1x8x1x8x128xf32, #tpu.memory_space<hbm>> -> memref<8x8x128xf32, #tpu.memory_space<hbm>>
        %dma_wait3A_581 = tpu.memref_slice %arg9[%dma_wait3A_570] : memref<2x!tpu.dma_semaphore, #tpu.memory_space<semaphore_mem>> -> memref<1x!tpu.dma_semaphore, #tpu.memory_space<semaphore_mem>>
        %dma_wait3A_582 = tpu.memref_squeeze %dma_wait3A_581 : memref<1x!tpu.dma_semaphore, #tpu.memory_space<semaphore_mem>> -> memref<!tpu.dma_semaphore, #tpu.memory_space<semaphore_mem>>
        %dma_wait3A_583 = arith.constant 0 : i32
        %dma_wait3A_584 = arith.constant 0 : i32
        %dma_wait3A_585 = arith.constant 0 : i32
        %dma_wait3A_586 = tpu.memref_slice %arg4[%dma_wait3A_569, %dma_wait3A_583, %add3A, %dma_wait3A_584, %dma_wait3A_585] : memref<200x8x32x8x128xf32, #tpu.memory_space<hbm>> -> memref<1x8x1x8x128xf32, #tpu.memory_space<hbm>>
        %dma_wait3A_587 = tpu.memref_squeeze %dma_wait3A_586 : memref<1x8x1x8x128xf32, #tpu.memory_space<hbm>> -> memref<8x8x128xf32, #tpu.memory_space<hbm>>
        %dma_wait3A_588 = arith.constant 0 : i32
        %dma_wait3A_589 = arith.constant 0 : i32
        %dma_wait3A_590 = arith.constant 0 : i32
        %dma_wait3A_591 = tpu.memref_slice %arg7[%dma_wait3A_568, %dma_wait3A_588, %dma_wait3A_589, %dma_wait3A_590] : memref<2x8x8x129xf32, #tpu.memory_space<vmem>> -> memref<1x8x8x128xf32, #tpu.memory_space<vmem>>
        %dma_wait3A_592 = tpu.memref_squeeze %dma_wait3A_591 : memref<1x8x8x128xf32, #tpu.memory_space<vmem>> -> memref<8x8x128xf32, #tpu.memory_space<vmem>>
        tpu.wait_dma2 semaphore(%dma_wait3A_582 : memref<!tpu.dma_semaphore, #tpu.memory_space<semaphore_mem>>) src(%dma_wait3A_592 : memref<8x8x128xf32, #tpu.memory_space<vmem>>) dst(%dma_wait3A_587 : memref<8x8x128xf32, #tpu.memory_space<hbm>>)
      } else {
      }
      %parallel_loop3A_420 = arith.constant 0 : i32
      %parallel_loop3A_421 = arith.constant 128 : i32
      %parallel_loop3A_422 = arith.constant 1 : i32
      scf.for %parallel_loop3A_568 = %parallel_loop3A_420 to %parallel_loop3A_421 step %parallel_loop3A_422  : i32 {
        %parallel_loop3A_569 = vector.broadcast %parallel_loop3A_568 : i32 to vector<16xi32>
        %parallel_loop3A_570 = arith.addi %broadcast_in_dim3A_62, %parallel_loop3A_569 : vector<16xi32>
        %parallel_loop3A_571 = arith.constant 1 : i32
        %parallel_loop3A_572 = arith.index_cast %parallel_loop3A_571 : i32 to index
        %parallel_loop3A_573 = arith.index_cast %parallel_loop3A_568 : i32 to index
        %parallel_loop3A_574 = arith.constant 0 : index
        %parallel_loop3A_575 = tpu.vector_load %arg6[%parallel_loop3A_572, %parallel_loop3A_573, %parallel_loop3A_574] {strides = array<i32>} : memref<4x128x64xf32, #tpu.memory_space<vmem>>, vector<16xf32>,
        %parallel_loop3A_576 = arith.constant 1 : i32
        %parallel_loop3A_577 = arith.constant 0 : i32
        %parallel_loop3A_578 = arith.constant 0 : i32
        %parallel_loop3A_579 = arith.constant 0 : i32
        %parallel_loop3A_580 = tpu.memref_slice %arg7[%parallel_loop3A_576, %parallel_loop3A_577, %parallel_loop3A_578, %parallel_loop3A_579] : memref<2x8x8x129xf32, #tpu.memory_space<vmem>> -> memref<1x8x8x129xf32, #tpu.memory_space<vmem>>
        %parallel_loop3A_581 = tpu.memref_squeeze %parallel_loop3A_580 : memref<1x8x8x129xf32, #tpu.memory_space<vmem>> -> memref<8x8x129xf32, #tpu.memory_space<vmem>>
        tpu.vector_store_idx %parallel_loop3A_581[%select_n3A, %select_n3A_213, %parallel_loop3A_570], %parallel_loop3A_575 : memref<8x8x129xf32, #tpu.memory_space<vmem>>[vector<16xi32>, vector<16xi32>, vector<16xi32>], vector<16xf32>,
        %parallel_loop3A_582 = arith.constant 1 : i32
        %parallel_loop3A_583 = arith.index_cast %parallel_loop3A_582 : i32 to index
        %parallel_loop3A_584 = arith.index_cast %parallel_loop3A_568 : i32 to index
        %parallel_loop3A_585 = arith.constant 16 : index
        %parallel_loop3A_586 = tpu.vector_load %arg6[%parallel_loop3A_583, %parallel_loop3A_584, %parallel_loop3A_585] {strides = array<i32>} : memref<4x128x64xf32, #tpu.memory_space<vmem>>, vector<16xf32>,
        %parallel_loop3A_587 = arith.constant 1 : i32
        %parallel_loop3A_588 = arith.constant 0 : i32
        %parallel_loop3A_589 = arith.constant 0 : i32
        %parallel_loop3A_590 = arith.constant 0 : i32
        %parallel_loop3A_591 = tpu.memref_slice %arg7[%parallel_loop3A_587, %parallel_loop3A_588, %parallel_loop3A_589, %parallel_loop3A_590] : memref<2x8x8x129xf32, #tpu.memory_space<vmem>> -> memref<1x8x8x129xf32, #tpu.memory_space<vmem>>
        %parallel_loop3A_592 = tpu.memref_squeeze %parallel_loop3A_591 : memref<1x8x8x129xf32, #tpu.memory_space<vmem>> -> memref<8x8x129xf32, #tpu.memory_space<vmem>>
        tpu.vector_store_idx %parallel_loop3A_592[%select_n3A_122, %select_n3A_238, %parallel_loop3A_570], %parallel_loop3A_586 : memref<8x8x129xf32, #tpu.memory_space<vmem>>[vector<16xi32>, vector<16xi32>, vector<16xi32>], vector<16xf32>,
        %parallel_loop3A_593 = arith.constant 1 : i32
        %parallel_loop3A_594 = arith.index_cast %parallel_loop3A_593 : i32 to index
        %parallel_loop3A_595 = arith.index_cast %parallel_loop3A_568 : i32 to index
        %parallel_loop3A_596 = arith.constant 32 : index
        %parallel_loop3A_597 = tpu.vector_load %arg6[%parallel_loop3A_594, %parallel_loop3A_595, %parallel_loop3A_596] {strides = array<i32>} : memref<4x128x64xf32, #tpu.memory_space<vmem>>, vector<16xf32>,
        %parallel_loop3A_598 = arith.constant 1 : i32
        %parallel_loop3A_599 = arith.constant 0 : i32
        %parallel_loop3A_600 = arith.constant 0 : i32
        %parallel_loop3A_601 = arith.constant 0 : i32
        %parallel_loop3A_602 = tpu.memref_slice %arg7[%parallel_loop3A_598, %parallel_loop3A_599, %parallel_loop3A_600, %parallel_loop3A_601] : memref<2x8x8x129xf32, #tpu.memory_space<vmem>> -> memref<1x8x8x129xf32, #tpu.memory_space<vmem>>
        %parallel_loop3A_603 = tpu.memref_squeeze %parallel_loop3A_602 : memref<1x8x8x129xf32, #tpu.memory_space<vmem>> -> memref<8x8x129xf32, #tpu.memory_space<vmem>>
        tpu.vector_store_idx %parallel_loop3A_603[%select_n3A_156, %select_n3A_263, %parallel_loop3A_570], %parallel_loop3A_597 : memref<8x8x129xf32, #tpu.memory_space<vmem>>[vector<16xi32>, vector<16xi32>, vector<16xi32>], vector<16xf32>,
        %parallel_loop3A_604 = arith.constant 1 : i32
        %parallel_loop3A_605 = arith.index_cast %parallel_loop3A_604 : i32 to index
        %parallel_loop3A_606 = arith.index_cast %parallel_loop3A_568 : i32 to index
        %parallel_loop3A_607 = arith.constant 48 : index
        %parallel_loop3A_608 = tpu.vector_load %arg6[%parallel_loop3A_605, %parallel_loop3A_606, %parallel_loop3A_607] {strides = array<i32>} : memref<4x128x64xf32, #tpu.memory_space<vmem>>, vector<16xf32>,
        %parallel_loop3A_609 = arith.constant 1 : i32
        %parallel_loop3A_610 = arith.constant 0 : i32
        %parallel_loop3A_611 = arith.constant 0 : i32
        %parallel_loop3A_612 = arith.constant 0 : i32
        %parallel_loop3A_613 = tpu.memref_slice %arg7[%parallel_loop3A_609, %parallel_loop3A_610, %parallel_loop3A_611, %parallel_loop3A_612] : memref<2x8x8x129xf32, #tpu.memory_space<vmem>> -> memref<1x8x8x129xf32, #tpu.memory_space<vmem>>
        %parallel_loop3A_614 = tpu.memref_squeeze %parallel_loop3A_613 : memref<1x8x8x129xf32, #tpu.memory_space<vmem>> -> memref<8x8x129xf32, #tpu.memory_space<vmem>>
        tpu.vector_store_idx %parallel_loop3A_614[%select_n3A_190, %select_n3A_288, %parallel_loop3A_570], %parallel_loop3A_608 : memref<8x8x129xf32, #tpu.memory_space<vmem>>[vector<16xi32>, vector<16xi32>, vector<16xi32>], vector<16xf32>,
      } {sc.loop_unroll_factor = 16 : i64, sc.parallel_access}
      %dma_start3A_423 = arith.constant 1 : i32
      %dma_start3A_424 = arith.constant 1 : i32
      %dma_start3A_425 = arith.constant 0 : i32
      %dma_start3A_426 = arith.constant 0 : i32
      %dma_start3A_427 = arith.constant 0 : i32
      %dma_start3A_428 = tpu.memref_slice %arg7[%dma_start3A_423, %dma_start3A_425, %dma_start3A_426, %dma_start3A_427] : memref<2x8x8x129xf32, #tpu.memory_space<vmem>> -> memref<1x8x8x128xf32, #tpu.memory_space<vmem>>
      %dma_start3A_429 = tpu.memref_squeeze %dma_start3A_428 : memref<1x8x8x128xf32, #tpu.memory_space<vmem>> -> memref<8x8x128xf32, #tpu.memory_space<vmem>>
      %dma_start3A_430 = arith.constant 0 : i32
      %dma_start3A_431 = arith.constant 0 : i32
      %dma_start3A_432 = arith.constant 0 : i32
      %dma_start3A_433 = tpu.memref_slice %arg4[%add3A_400, %dma_start3A_430, %add3A, %dma_start3A_431, %dma_start3A_432] : memref<200x8x32x8x128xf32, #tpu.memory_space<hbm>> -> memref<1x8x1x8x128xf32, #tpu.memory_space<hbm>>
      %dma_start3A_434 = tpu.memref_squeeze %dma_start3A_433 : memref<1x8x1x8x128xf32, #tpu.memory_space<hbm>> -> memref<8x8x128xf32, #tpu.memory_space<hbm>>
      %dma_start3A_435 = tpu.memref_slice %arg9[%dma_start3A_424] : memref<2x!tpu.dma_semaphore, #tpu.memory_space<semaphore_mem>> -> memref<1x!tpu.dma_semaphore, #tpu.memory_space<semaphore_mem>>
      %dma_start3A_436 = tpu.memref_squeeze %dma_start3A_435 : memref<1x!tpu.dma_semaphore, #tpu.memory_space<semaphore_mem>> -> memref<!tpu.dma_semaphore, #tpu.memory_space<semaphore_mem>>
      %dma_start3A_437 = arith.constant 0 : i32
      %dma_start3A_438 = arith.constant 0 : i32
      %dma_start3A_439 = arith.constant 0 : i32
      %dma_start3A_440 = tpu.memref_slice %arg4[%add3A_400, %dma_start3A_437, %add3A, %dma_start3A_438, %dma_start3A_439] : memref<200x8x32x8x128xf32, #tpu.memory_space<hbm>> -> memref<1x8x1x8x128xf32, #tpu.memory_space<hbm>>
      %dma_start3A_441 = tpu.memref_squeeze %dma_start3A_440 : memref<1x8x1x8x128xf32, #tpu.memory_space<hbm>> -> memref<8x8x128xf32, #tpu.memory_space<hbm>>
      %dma_start3A_442 = arith.constant 0 : i32
      %dma_start3A_443 = arith.constant 0 : i32
      %dma_start3A_444 = arith.constant 0 : i32
      %dma_start3A_445 = tpu.memref_slice %arg7[%dma_start3A_423, %dma_start3A_442, %dma_start3A_443, %dma_start3A_444] : memref<2x8x8x129xf32, #tpu.memory_space<vmem>> -> memref<1x8x8x128xf32, #tpu.memory_space<vmem>>
      %dma_start3A_446 = tpu.memref_squeeze %dma_start3A_445 : memref<1x8x8x128xf32, #tpu.memory_space<vmem>> -> memref<8x8x128xf32, #tpu.memory_space<vmem>>
      tpu.enqueue_dma source(%dma_start3A_446 : memref<8x8x128xf32, #tpu.memory_space<vmem>>) target(%dma_start3A_441 : memref<8x8x128xf32, #tpu.memory_space<hbm>>) target_semaphore(%dma_start3A_436 : memref<!tpu.dma_semaphore, #tpu.memory_space<semaphore_mem>>)
      %add3A_447 = arith.constant 4 : i32
      %add3A_448 = arith.addi %add3A_400, %add3A_447 : i32
      %lt3A_449 = arith.constant 200 : i32
      %lt3A_450 = arith.cmpi slt, %add3A_448, %lt3A_449 : i32
      %convert_element_type3A_451 = arith.extui %lt3A_450 : i1 to i32
      %cond3A_452 = arith.constant 0 : i32
      %cond3A_453 = arith.cmpi ne, %convert_element_type3A_451, %cond3A_452 : i32
      scf.if %cond3A_453 {
        %add3A_568 = arith.constant 4 : i32
        %add3A_569 = arith.addi %add3A_400, %add3A_568 : i32
        %dma_start3A_570 = arith.constant 1 : i32
        %dma_start3A_571 = arith.constant 1 : i32
        %dma_start3A_572 = arith.constant 0 : i32
        %dma_start3A_573 = arith.constant 0 : i32
        %dma_start3A_574 = tpu.memref_slice %arg6[%dma_start3A_570, %dma_start3A_572, %dma_start3A_573] : memref<4x128x64xf32, #tpu.memory_space<vmem>> -> memref<1x128x64xf32, #tpu.memory_space<vmem>>
        %dma_start3A_575 = tpu.memref_squeeze %dma_start3A_574 : memref<1x128x64xf32, #tpu.memory_space<vmem>> -> memref<128x64xf32, #tpu.memory_space<vmem>>
        %dma_start3A_576 = arith.constant 0 : i32
        %dma_start3A_577 = tpu.memref_slice %arg5[%add3A_569, %dma_start3A_576] : memref<200x128xi32, #tpu.memory_space<vmem>> -> memref<1x128xi32, #tpu.memory_space<vmem>>
        %dma_start3A_578 = tpu.memref_squeeze %dma_start3A_577 : memref<1x128xi32, #tpu.memory_space<vmem>> -> memref<128xi32, #tpu.memory_space<vmem>>
        %dma_start3A_579 = arith.constant 0 : i32
        %dma_start3A_580 = arith.constant 0 : i32
        %dma_start3A_581 = tpu.memref_slice %arg3[%dma_start3A_579, %dma_start3A_580] : memref<1000000x64xf32, #tpu.memory_space<hbm>> -> memref<1000000x64xf32, #tpu.memory_space<hbm>>
        %dma_start3A_582 = tpu.memref_slice %arg8[%dma_start3A_571] : memref<4x!tpu.dma_semaphore, #tpu.memory_space<semaphore_mem>> -> memref<1x!tpu.dma_semaphore, #tpu.memory_space<semaphore_mem>>
        %dma_start3A_583 = tpu.memref_squeeze %dma_start3A_582 : memref<1x!tpu.dma_semaphore, #tpu.memory_space<semaphore_mem>> -> memref<!tpu.dma_semaphore, #tpu.memory_space<semaphore_mem>>
        tpu.enqueue_indirect_dma source(%dma_start3A_581 : memref<1000000x64xf32, #tpu.memory_space<hbm>>) target(%dma_start3A_575 : memref<128x64xf32, #tpu.memory_space<vmem>>) offsets(%dma_start3A_578 : memref<128xi32, #tpu.memory_space<vmem>>) semaphore(%dma_start3A_583 : memref<!tpu.dma_semaphore, #tpu.memory_space<semaphore_mem>>)
      } else {
      }
      %mul3A_454 = arith.constant 4 : i32
      %mul3A_455 = arith.muli %scan3A_343, %mul3A_454 : i32
      %add3A_456 = arith.constant 2 : i32
      %add3A_457 = arith.addi %mul3A_455, %add3A_456 : i32
      %dma_wait3A_458 = arith.constant 2 : i32
      %dma_wait3A_459 = arith.constant 2 : i32
      %dma_wait3A_460 = arith.constant 0 : i32
      %dma_wait3A_461 = arith.constant 0 : i32
      %dma_wait3A_462 = tpu.memref_slice %arg6[%dma_wait3A_458, %dma_wait3A_460, %dma_wait3A_461] : memref<4x128x64xf32, #tpu.memory_space<vmem>> -> memref<1x128x64xf32, #tpu.memory_space<vmem>>
      %dma_wait3A_463 = tpu.memref_squeeze %dma_wait3A_462 : memref<1x128x64xf32, #tpu.memory_space<vmem>> -> memref<128x64xf32, #tpu.memory_space<vmem>>
      %dma_wait3A_464 = arith.constant 0 : i32
      %dma_wait3A_465 = tpu.memref_slice %arg5[%add3A_457, %dma_wait3A_464] : memref<200x128xi32, #tpu.memory_space<vmem>> -> memref<1x128xi32, #tpu.memory_space<vmem>>
      %dma_wait3A_466 = tpu.memref_squeeze %dma_wait3A_465 : memref<1x128xi32, #tpu.memory_space<vmem>> -> memref<128xi32, #tpu.memory_space<vmem>>
      %dma_wait3A_467 = arith.constant 0 : i32
      %dma_wait3A_468 = arith.constant 0 : i32
      %dma_wait3A_469 = tpu.memref_slice %arg3[%dma_wait3A_467, %dma_wait3A_468] : memref<1000000x64xf32, #tpu.memory_space<hbm>> -> memref<1000000x64xf32, #tpu.memory_space<hbm>>
      %dma_wait3A_470 = tpu.memref_slice %arg8[%dma_wait3A_459] : memref<4x!tpu.dma_semaphore, #tpu.memory_space<semaphore_mem>> -> memref<1x!tpu.dma_semaphore, #tpu.memory_space<semaphore_mem>>
      %dma_wait3A_471 = tpu.memref_squeeze %dma_wait3A_470 : memref<1x!tpu.dma_semaphore, #tpu.memory_space<semaphore_mem>> -> memref<!tpu.dma_semaphore, #tpu.memory_space<semaphore_mem>>
      tpu.wait_indirect_dma semaphore(%dma_wait3A_471 : memref<!tpu.dma_semaphore, #tpu.memory_space<semaphore_mem>>) src(%dma_wait3A_469 : memref<1000000x64xf32, #tpu.memory_space<hbm>>) dst(%dma_wait3A_463 : memref<128x64xf32, #tpu.memory_space<vmem>>)
      %ge3A_472 = arith.constant 2 : i32
      %ge3A_473 = arith.cmpi sge, %add3A_457, %ge3A_472 : i32
      %convert_element_type3A_474 = arith.extui %ge3A_473 : i1 to i32
      %cond3A_475 = arith.constant 0 : i32
      %cond3A_476 = arith.cmpi ne, %convert_element_type3A_474, %cond3A_475 : i32
      scf.if %cond3A_476 {
        %dma_wait3A_568 = arith.constant 0 : i32
        %dma_wait3A_569 = arith.constant 0 : i32
        %dma_wait3A_570 = arith.constant 0 : i32
        %dma_wait3A_571 = arith.constant 0 : i32
        %dma_wait3A_572 = arith.constant 0 : i32
        %dma_wait3A_573 = arith.constant 0 : i32
        %dma_wait3A_574 = tpu.memref_slice %arg7[%dma_wait3A_568, %dma_wait3A_571, %dma_wait3A_572, %dma_wait3A_573] : memref<2x8x8x129xf32, #tpu.memory_space<vmem>> -> memref<1x8x8x128xf32, #tpu.memory_space<vmem>>
        %dma_wait3A_575 = tpu.memref_squeeze %dma_wait3A_574 : memref<1x8x8x128xf32, #tpu.memory_space<vmem>> -> memref<8x8x128xf32, #tpu.memory_space<vmem>>
        %dma_wait3A_576 = arith.constant 0 : i32
        %dma_wait3A_577 = arith.constant 0 : i32
        %dma_wait3A_578 = arith.constant 0 : i32
        %dma_wait3A_579 = tpu.memref_slice %arg4[%dma_wait3A_569, %dma_wait3A_576, %add3A, %dma_wait3A_577, %dma_wait3A_578] : memref<200x8x32x8x128xf32, #tpu.memory_space<hbm>> -> memref<1x8x1x8x128xf32, #tpu.memory_space<hbm>>
        %dma_wait3A_580 = tpu.memref_squeeze %dma_wait3A_579 : memref<1x8x1x8x128xf32, #tpu.memory_space<hbm>> -> memref<8x8x128xf32, #tpu.memory_space<hbm>>
        %dma_wait3A_581 = tpu.memref_slice %arg9[%dma_wait3A_570] : memref<2x!tpu.dma_semaphore, #tpu.memory_space<semaphore_mem>> -> memref<1x!tpu.dma_semaphore, #tpu.memory_space<semaphore_mem>>
        %dma_wait3A_582 = tpu.memref_squeeze %dma_wait3A_581 : memref<1x!tpu.dma_semaphore, #tpu.memory_space<semaphore_mem>> -> memref<!tpu.dma_semaphore, #tpu.memory_space<semaphore_mem>>
        %dma_wait3A_583 = arith.constant 0 : i32
        %dma_wait3A_584 = arith.constant 0 : i32
        %dma_wait3A_585 = arith.constant 0 : i32
        %dma_wait3A_586 = tpu.memref_slice %arg4[%dma_wait3A_569, %dma_wait3A_583, %add3A, %dma_wait3A_584, %dma_wait3A_585] : memref<200x8x32x8x128xf32, #tpu.memory_space<hbm>> -> memref<1x8x1x8x128xf32, #tpu.memory_space<hbm>>
        %dma_wait3A_587 = tpu.memref_squeeze %dma_wait3A_586 : memref<1x8x1x8x128xf32, #tpu.memory_space<hbm>> -> memref<8x8x128xf32, #tpu.memory_space<hbm>>
        %dma_wait3A_588 = arith.constant 0 : i32
        %dma_wait3A_589 = arith.constant 0 : i32
        %dma_wait3A_590 = arith.constant 0 : i32
        %dma_wait3A_591 = tpu.memref_slice %arg7[%dma_wait3A_568, %dma_wait3A_588, %dma_wait3A_589, %dma_wait3A_590] : memref<2x8x8x129xf32, #tpu.memory_space<vmem>> -> memref<1x8x8x128xf32, #tpu.memory_space<vmem>>
        %dma_wait3A_592 = tpu.memref_squeeze %dma_wait3A_591 : memref<1x8x8x128xf32, #tpu.memory_space<vmem>> -> memref<8x8x128xf32, #tpu.memory_space<vmem>>
        tpu.wait_dma2 semaphore(%dma_wait3A_582 : memref<!tpu.dma_semaphore, #tpu.memory_space<semaphore_mem>>) src(%dma_wait3A_592 : memref<8x8x128xf32, #tpu.memory_space<vmem>>) dst(%dma_wait3A_587 : memref<8x8x128xf32, #tpu.memory_space<hbm>>)
      } else {
      }
      %parallel_loop3A_477 = arith.constant 0 : i32
      %parallel_loop3A_478 = arith.constant 128 : i32
      %parallel_loop3A_479 = arith.constant 1 : i32
      scf.for %parallel_loop3A_568 = %parallel_loop3A_477 to %parallel_loop3A_478 step %parallel_loop3A_479  : i32 {
        %parallel_loop3A_569 = vector.broadcast %parallel_loop3A_568 : i32 to vector<16xi32>
        %parallel_loop3A_570 = arith.addi %broadcast_in_dim3A_62, %parallel_loop3A_569 : vector<16xi32>
        %parallel_loop3A_571 = arith.constant 2 : i32
        %parallel_loop3A_572 = arith.index_cast %parallel_loop3A_571 : i32 to index
        %parallel_loop3A_573 = arith.index_cast %parallel_loop3A_568 : i32 to index
        %parallel_loop3A_574 = arith.constant 0 : index
        %parallel_loop3A_575 = tpu.vector_load %arg6[%parallel_loop3A_572, %parallel_loop3A_573, %parallel_loop3A_574] {strides = array<i32>} : memref<4x128x64xf32, #tpu.memory_space<vmem>>, vector<16xf32>,
        %parallel_loop3A_576 = arith.constant 0 : i32
        %parallel_loop3A_577 = arith.constant 0 : i32
        %parallel_loop3A_578 = arith.constant 0 : i32
        %parallel_loop3A_579 = arith.constant 0 : i32
        %parallel_loop3A_580 = tpu.memref_slice %arg7[%parallel_loop3A_576, %parallel_loop3A_577, %parallel_loop3A_578, %parallel_loop3A_579] : memref<2x8x8x129xf32, #tpu.memory_space<vmem>> -> memref<1x8x8x129xf32, #tpu.memory_space<vmem>>
        %parallel_loop3A_581 = tpu.memref_squeeze %parallel_loop3A_580 : memref<1x8x8x129xf32, #tpu.memory_space<vmem>> -> memref<8x8x129xf32, #tpu.memory_space<vmem>>
        tpu.vector_store_idx %parallel_loop3A_581[%select_n3A, %select_n3A_213, %parallel_loop3A_570], %parallel_loop3A_575 : memref<8x8x129xf32, #tpu.memory_space<vmem>>[vector<16xi32>, vector<16xi32>, vector<16xi32>], vector<16xf32>,
        %parallel_loop3A_582 = arith.constant 2 : i32
        %parallel_loop3A_583 = arith.index_cast %parallel_loop3A_582 : i32 to index
        %parallel_loop3A_584 = arith.index_cast %parallel_loop3A_568 : i32 to index
        %parallel_loop3A_585 = arith.constant 16 : index
        %parallel_loop3A_586 = tpu.vector_load %arg6[%parallel_loop3A_583, %parallel_loop3A_584, %parallel_loop3A_585] {strides = array<i32>} : memref<4x128x64xf32, #tpu.memory_space<vmem>>, vector<16xf32>,
        %parallel_loop3A_587 = arith.constant 0 : i32
        %parallel_loop3A_588 = arith.constant 0 : i32
        %parallel_loop3A_589 = arith.constant 0 : i32
        %parallel_loop3A_590 = arith.constant 0 : i32
        %parallel_loop3A_591 = tpu.memref_slice %arg7[%parallel_loop3A_587, %parallel_loop3A_588, %parallel_loop3A_589, %parallel_loop3A_590] : memref<2x8x8x129xf32, #tpu.memory_space<vmem>> -> memref<1x8x8x129xf32, #tpu.memory_space<vmem>>
        %parallel_loop3A_592 = tpu.memref_squeeze %parallel_loop3A_591 : memref<1x8x8x129xf32, #tpu.memory_space<vmem>> -> memref<8x8x129xf32, #tpu.memory_space<vmem>>
        tpu.vector_store_idx %parallel_loop3A_592[%select_n3A_122, %select_n3A_238, %parallel_loop3A_570], %parallel_loop3A_586 : memref<8x8x129xf32, #tpu.memory_space<vmem>>[vector<16xi32>, vector<16xi32>, vector<16xi32>], vector<16xf32>,
        %parallel_loop3A_593 = arith.constant 2 : i32
        %parallel_loop3A_594 = arith.index_cast %parallel_loop3A_593 : i32 to index
        %parallel_loop3A_595 = arith.index_cast %parallel_loop3A_568 : i32 to index
        %parallel_loop3A_596 = arith.constant 32 : index
        %parallel_loop3A_597 = tpu.vector_load %arg6[%parallel_loop3A_594, %parallel_loop3A_595, %parallel_loop3A_596] {strides = array<i32>} : memref<4x128x64xf32, #tpu.memory_space<vmem>>, vector<16xf32>,
        %parallel_loop3A_598 = arith.constant 0 : i32
        %parallel_loop3A_599 = arith.constant 0 : i32
        %parallel_loop3A_600 = arith.constant 0 : i32
        %parallel_loop3A_601 = arith.constant 0 : i32
        %parallel_loop3A_602 = tpu.memref_slice %arg7[%parallel_loop3A_598, %parallel_loop3A_599, %parallel_loop3A_600, %parallel_loop3A_601] : memref<2x8x8x129xf32, #tpu.memory_space<vmem>> -> memref<1x8x8x129xf32, #tpu.memory_space<vmem>>
        %parallel_loop3A_603 = tpu.memref_squeeze %parallel_loop3A_602 : memref<1x8x8x129xf32, #tpu.memory_space<vmem>> -> memref<8x8x129xf32, #tpu.memory_space<vmem>>
        tpu.vector_store_idx %parallel_loop3A_603[%select_n3A_156, %select_n3A_263, %parallel_loop3A_570], %parallel_loop3A_597 : memref<8x8x129xf32, #tpu.memory_space<vmem>>[vector<16xi32>, vector<16xi32>, vector<16xi32>], vector<16xf32>,
        %parallel_loop3A_604 = arith.constant 2 : i32
        %parallel_loop3A_605 = arith.index_cast %parallel_loop3A_604 : i32 to index
        %parallel_loop3A_606 = arith.index_cast %parallel_loop3A_568 : i32 to index
        %parallel_loop3A_607 = arith.constant 48 : index
        %parallel_loop3A_608 = tpu.vector_load %arg6[%parallel_loop3A_605, %parallel_loop3A_606, %parallel_loop3A_607] {strides = array<i32>} : memref<4x128x64xf32, #tpu.memory_space<vmem>>, vector<16xf32>,
        %parallel_loop3A_609 = arith.constant 0 : i32
        %parallel_loop3A_610 = arith.constant 0 : i32
        %parallel_loop3A_611 = arith.constant 0 : i32
        %parallel_loop3A_612 = arith.constant 0 : i32
        %parallel_loop3A_613 = tpu.memref_slice %arg7[%parallel_loop3A_609, %parallel_loop3A_610, %parallel_loop3A_611, %parallel_loop3A_612] : memref<2x8x8x129xf32, #tpu.memory_space<vmem>> -> memref<1x8x8x129xf32, #tpu.memory_space<vmem>>
        %parallel_loop3A_614 = tpu.memref_squeeze %parallel_loop3A_613 : memref<1x8x8x129xf32, #tpu.memory_space<vmem>> -> memref<8x8x129xf32, #tpu.memory_space<vmem>>
        tpu.vector_store_idx %parallel_loop3A_614[%select_n3A_190, %select_n3A_288, %parallel_loop3A_570], %parallel_loop3A_608 : memref<8x8x129xf32, #tpu.memory_space<vmem>>[vector<16xi32>, vector<16xi32>, vector<16xi32>], vector<16xf32>,
      } {sc.loop_unroll_factor = 16 : i64, sc.parallel_access}
      %dma_start3A_480 = arith.constant 0 : i32
      %dma_start3A_481 = arith.constant 0 : i32
      %dma_start3A_482 = arith.constant 0 : i32
      %dma_start3A_483 = arith.constant 0 : i32
      %dma_start3A_484 = arith.constant 0 : i32
      %dma_start3A_485 = tpu.memref_slice %arg7[%dma_start3A_480, %dma_start3A_482, %dma_start3A_483, %dma_start3A_484] : memref<2x8x8x129xf32, #tpu.memory_space<vmem>> -> memref<1x8x8x128xf32, #tpu.memory_space<vmem>>
      %dma_start3A_486 = tpu.memref_squeeze %dma_start3A_485 : memref<1x8x8x128xf32, #tpu.memory_space<vmem>> -> memref<8x8x128xf32, #tpu.memory_space<vmem>>
      %dma_start3A_487 = arith.constant 0 : i32
      %dma_start3A_488 = arith.constant 0 : i32
      %dma_start3A_489 = arith.constant 0 : i32
      %dma_start3A_490 = tpu.memref_slice %arg4[%add3A_457, %dma_start3A_487, %add3A, %dma_start3A_488, %dma_start3A_489] : memref<200x8x32x8x128xf32, #tpu.memory_space<hbm>> -> memref<1x8x1x8x128xf32, #tpu.memory_space<hbm>>
      %dma_start3A_491 = tpu.memref_squeeze %dma_start3A_490 : memref<1x8x1x8x128xf32, #tpu.memory_space<hbm>> -> memref<8x8x128xf32, #tpu.memory_space<hbm>>
      %dma_start3A_492 = tpu.memref_slice %arg9[%dma_start3A_481] : memref<2x!tpu.dma_semaphore, #tpu.memory_space<semaphore_mem>> -> memref<1x!tpu.dma_semaphore, #tpu.memory_space<semaphore_mem>>
      %dma_start3A_493 = tpu.memref_squeeze %dma_start3A_492 : memref<1x!tpu.dma_semaphore, #tpu.memory_space<semaphore_mem>> -> memref<!tpu.dma_semaphore, #tpu.memory_space<semaphore_mem>>
      %dma_start3A_494 = arith.constant 0 : i32
      %dma_start3A_495 = arith.constant 0 : i32
      %dma_start3A_496 = arith.constant 0 : i32
      %dma_start3A_497 = tpu.memref_slice %arg4[%add3A_457, %dma_start3A_494, %add3A, %dma_start3A_495, %dma_start3A_496] : memref<200x8x32x8x128xf32, #tpu.memory_space<hbm>> -> memref<1x8x1x8x128xf32, #tpu.memory_space<hbm>>
      %dma_start3A_498 = tpu.memref_squeeze %dma_start3A_497 : memref<1x8x1x8x128xf32, #tpu.memory_space<hbm>> -> memref<8x8x128xf32, #tpu.memory_space<hbm>>
      %dma_start3A_499 = arith.constant 0 : i32
      %dma_start3A_500 = arith.constant 0 : i32
      %dma_start3A_501 = arith.constant 0 : i32
      %dma_start3A_502 = tpu.memref_slice %arg7[%dma_start3A_480, %dma_start3A_499, %dma_start3A_500, %dma_start3A_501] : memref<2x8x8x129xf32, #tpu.memory_space<vmem>> -> memref<1x8x8x128xf32, #tpu.memory_space<vmem>>
      %dma_start3A_503 = tpu.memref_squeeze %dma_start3A_502 : memref<1x8x8x128xf32, #tpu.memory_space<vmem>> -> memref<8x8x128xf32, #tpu.memory_space<vmem>>
      tpu.enqueue_dma source(%dma_start3A_503 : memref<8x8x128xf32, #tpu.memory_space<vmem>>) target(%dma_start3A_498 : memref<8x8x128xf32, #tpu.memory_space<hbm>>) target_semaphore(%dma_start3A_493 : memref<!tpu.dma_semaphore, #tpu.memory_space<semaphore_mem>>)
      %add3A_504 = arith.constant 4 : i32
      %add3A_505 = arith.addi %add3A_457, %add3A_504 : i32
      %lt3A_506 = arith.constant 200 : i32
      %lt3A_507 = arith.cmpi slt, %add3A_505, %lt3A_506 : i32
      %convert_element_type3A_508 = arith.extui %lt3A_507 : i1 to i32
      %cond3A_509 = arith.constant 0 : i32
      %cond3A_510 = arith.cmpi ne, %convert_element_type3A_508, %cond3A_509 : i32
      scf.if %cond3A_510 {
        %add3A_568 = arith.constant 4 : i32
        %add3A_569 = arith.addi %add3A_457, %add3A_568 : i32
        %dma_start3A_570 = arith.constant 2 : i32
        %dma_start3A_571 = arith.constant 2 : i32
        %dma_start3A_572 = arith.constant 0 : i32
        %dma_start3A_573 = arith.constant 0 : i32
        %dma_start3A_574 = tpu.memref_slice %arg6[%dma_start3A_570, %dma_start3A_572, %dma_start3A_573] : memref<4x128x64xf32, #tpu.memory_space<vmem>> -> memref<1x128x64xf32, #tpu.memory_space<vmem>>
        %dma_start3A_575 = tpu.memref_squeeze %dma_start3A_574 : memref<1x128x64xf32, #tpu.memory_space<vmem>> -> memref<128x64xf32, #tpu.memory_space<vmem>>
        %dma_start3A_576 = arith.constant 0 : i32
        %dma_start3A_577 = tpu.memref_slice %arg5[%add3A_569, %dma_start3A_576] : memref<200x128xi32, #tpu.memory_space<vmem>> -> memref<1x128xi32, #tpu.memory_space<vmem>>
        %dma_start3A_578 = tpu.memref_squeeze %dma_start3A_577 : memref<1x128xi32, #tpu.memory_space<vmem>> -> memref<128xi32, #tpu.memory_space<vmem>>
        %dma_start3A_579 = arith.constant 0 : i32
        %dma_start3A_580 = arith.constant 0 : i32
        %dma_start3A_581 = tpu.memref_slice %arg3[%dma_start3A_579, %dma_start3A_580] : memref<1000000x64xf32, #tpu.memory_space<hbm>> -> memref<1000000x64xf32, #tpu.memory_space<hbm>>
        %dma_start3A_582 = tpu.memref_slice %arg8[%dma_start3A_571] : memref<4x!tpu.dma_semaphore, #tpu.memory_space<semaphore_mem>> -> memref<1x!tpu.dma_semaphore, #tpu.memory_space<semaphore_mem>>
        %dma_start3A_583 = tpu.memref_squeeze %dma_start3A_582 : memref<1x!tpu.dma_semaphore, #tpu.memory_space<semaphore_mem>> -> memref<!tpu.dma_semaphore, #tpu.memory_space<semaphore_mem>>
        tpu.enqueue_indirect_dma source(%dma_start3A_581 : memref<1000000x64xf32, #tpu.memory_space<hbm>>) target(%dma_start3A_575 : memref<128x64xf32, #tpu.memory_space<vmem>>) offsets(%dma_start3A_578 : memref<128xi32, #tpu.memory_space<vmem>>) semaphore(%dma_start3A_583 : memref<!tpu.dma_semaphore, #tpu.memory_space<semaphore_mem>>)
      } else {
      }
      %mul3A_511 = arith.constant 4 : i32
      %mul3A_512 = arith.muli %scan3A_343, %mul3A_511 : i32
      %add3A_513 = arith.constant 3 : i32
      %add3A_514 = arith.addi %mul3A_512, %add3A_513 : i32
      %dma_wait3A_515 = arith.constant 3 : i32
      %dma_wait3A_516 = arith.constant 3 : i32
      %dma_wait3A_517 = arith.constant 0 : i32
      %dma_wait3A_518 = arith.constant 0 : i32
      %dma_wait3A_519 = tpu.memref_slice %arg6[%dma_wait3A_515, %dma_wait3A_517, %dma_wait3A_518] : memref<4x128x64xf32, #tpu.memory_space<vmem>> -> memref<1x128x64xf32, #tpu.memory_space<vmem>>
      %dma_wait3A_520 = tpu.memref_squeeze %dma_wait3A_519 : memref<1x128x64xf32, #tpu.memory_space<vmem>> -> memref<128x64xf32, #tpu.memory_space<vmem>>
      %dma_wait3A_521 = arith.constant 0 : i32
      %dma_wait3A_522 = tpu.memref_slice %arg5[%add3A_514, %dma_wait3A_521] : memref<200x128xi32, #tpu.memory_space<vmem>> -> memref<1x128xi32, #tpu.memory_space<vmem>>
      %dma_wait3A_523 = tpu.memref_squeeze %dma_wait3A_522 : memref<1x128xi32, #tpu.memory_space<vmem>> -> memref<128xi32, #tpu.memory_space<vmem>>
      %dma_wait3A_524 = arith.constant 0 : i32
      %dma_wait3A_525 = arith.constant 0 : i32
      %dma_wait3A_526 = tpu.memref_slice %arg3[%dma_wait3A_524, %dma_wait3A_525] : memref<1000000x64xf32, #tpu.memory_space<hbm>> -> memref<1000000x64xf32, #tpu.memory_space<hbm>>
      %dma_wait3A_527 = tpu.memref_slice %arg8[%dma_wait3A_516] : memref<4x!tpu.dma_semaphore, #tpu.memory_space<semaphore_mem>> -> memref<1x!tpu.dma_semaphore, #tpu.memory_space<semaphore_mem>>
      %dma_wait3A_528 = tpu.memref_squeeze %dma_wait3A_527 : memref<1x!tpu.dma_semaphore, #tpu.memory_space<semaphore_mem>> -> memref<!tpu.dma_semaphore, #tpu.memory_space<semaphore_mem>>
      tpu.wait_indirect_dma semaphore(%dma_wait3A_528 : memref<!tpu.dma_semaphore, #tpu.memory_space<semaphore_mem>>) src(%dma_wait3A_526 : memref<1000000x64xf32, #tpu.memory_space<hbm>>) dst(%dma_wait3A_520 : memref<128x64xf32, #tpu.memory_space<vmem>>)
      %ge3A_529 = arith.constant 2 : i32
      %ge3A_530 = arith.cmpi sge, %add3A_514, %ge3A_529 : i32
      %convert_element_type3A_531 = arith.extui %ge3A_530 : i1 to i32
      %cond3A_532 = arith.constant 0 : i32
      %cond3A_533 = arith.cmpi ne, %convert_element_type3A_531, %cond3A_532 : i32
      scf.if %cond3A_533 {
        %dma_wait3A_568 = arith.constant 1 : i32
        %dma_wait3A_569 = arith.constant 0 : i32
        %dma_wait3A_570 = arith.constant 1 : i32
        %dma_wait3A_571 = arith.constant 0 : i32
        %dma_wait3A_572 = arith.constant 0 : i32
        %dma_wait3A_573 = arith.constant 0 : i32
        %dma_wait3A_574 = tpu.memref_slice %arg7[%dma_wait3A_568, %dma_wait3A_571, %dma_wait3A_572, %dma_wait3A_573] : memref<2x8x8x129xf32, #tpu.memory_space<vmem>> -> memref<1x8x8x128xf32, #tpu.memory_space<vmem>>
        %dma_wait3A_575 = tpu.memref_squeeze %dma_wait3A_574 : memref<1x8x8x128xf32, #tpu.memory_space<vmem>> -> memref<8x8x128xf32, #tpu.memory_space<vmem>>
        %dma_wait3A_576 = arith.constant 0 : i32
        %dma_wait3A_577 = arith.constant 0 : i32
        %dma_wait3A_578 = arith.constant 0 : i32
        %dma_wait3A_579 = tpu.memref_slice %arg4[%dma_wait3A_569, %dma_wait3A_576, %add3A, %dma_wait3A_577, %dma_wait3A_578] : memref<200x8x32x8x128xf32, #tpu.memory_space<hbm>> -> memref<1x8x1x8x128xf32, #tpu.memory_space<hbm>>
        %dma_wait3A_580 = tpu.memref_squeeze %dma_wait3A_579 : memref<1x8x1x8x128xf32, #tpu.memory_space<hbm>> -> memref<8x8x128xf32, #tpu.memory_space<hbm>>
        %dma_wait3A_581 = tpu.memref_slice %arg9[%dma_wait3A_570] : memref<2x!tpu.dma_semaphore, #tpu.memory_space<semaphore_mem>> -> memref<1x!tpu.dma_semaphore, #tpu.memory_space<semaphore_mem>>
        %dma_wait3A_582 = tpu.memref_squeeze %dma_wait3A_581 : memref<1x!tpu.dma_semaphore, #tpu.memory_space<semaphore_mem>> -> memref<!tpu.dma_semaphore, #tpu.memory_space<semaphore_mem>>
        %dma_wait3A_583 = arith.constant 0 : i32
        %dma_wait3A_584 = arith.constant 0 : i32
        %dma_wait3A_585 = arith.constant 0 : i32
        %dma_wait3A_586 = tpu.memref_slice %arg4[%dma_wait3A_569, %dma_wait3A_583, %add3A, %dma_wait3A_584, %dma_wait3A_585] : memref<200x8x32x8x128xf32, #tpu.memory_space<hbm>> -> memref<1x8x1x8x128xf32, #tpu.memory_space<hbm>>
        %dma_wait3A_587 = tpu.memref_squeeze %dma_wait3A_586 : memref<1x8x1x8x128xf32, #tpu.memory_space<hbm>> -> memref<8x8x128xf32, #tpu.memory_space<hbm>>
        %dma_wait3A_588 = arith.constant 0 : i32
        %dma_wait3A_589 = arith.constant 0 : i32
        %dma_wait3A_590 = arith.constant 0 : i32
        %dma_wait3A_591 = tpu.memref_slice %arg7[%dma_wait3A_568, %dma_wait3A_588, %dma_wait3A_589, %dma_wait3A_590] : memref<2x8x8x129xf32, #tpu.memory_space<vmem>> -> memref<1x8x8x128xf32, #tpu.memory_space<vmem>>
        %dma_wait3A_592 = tpu.memref_squeeze %dma_wait3A_591 : memref<1x8x8x128xf32, #tpu.memory_space<vmem>> -> memref<8x8x128xf32, #tpu.memory_space<vmem>>
        tpu.wait_dma2 semaphore(%dma_wait3A_582 : memref<!tpu.dma_semaphore, #tpu.memory_space<semaphore_mem>>) src(%dma_wait3A_592 : memref<8x8x128xf32, #tpu.memory_space<vmem>>) dst(%dma_wait3A_587 : memref<8x8x128xf32, #tpu.memory_space<hbm>>)
      } else {
      }
      %parallel_loop3A_534 = arith.constant 0 : i32
      %parallel_loop3A_535 = arith.constant 128 : i32
      %parallel_loop3A_536 = arith.constant 1 : i32
      scf.for %parallel_loop3A_568 = %parallel_loop3A_534 to %parallel_loop3A_535 step %parallel_loop3A_536  : i32 {
        %parallel_loop3A_569 = vector.broadcast %parallel_loop3A_568 : i32 to vector<16xi32>
        %parallel_loop3A_570 = arith.addi %broadcast_in_dim3A_62, %parallel_loop3A_569 : vector<16xi32>
        %parallel_loop3A_571 = arith.constant 3 : i32
        %parallel_loop3A_572 = arith.index_cast %parallel_loop3A_571 : i32 to index
        %parallel_loop3A_573 = arith.index_cast %parallel_loop3A_568 : i32 to index
        %parallel_loop3A_574 = arith.constant 0 : index
        %parallel_loop3A_575 = tpu.vector_load %arg6[%parallel_loop3A_572, %parallel_loop3A_573, %parallel_loop3A_574] {strides = array<i32>} : memref<4x128x64xf32, #tpu.memory_space<vmem>>, vector<16xf32>,
        %parallel_loop3A_576 = arith.constant 1 : i32
        %parallel_loop3A_577 = arith.constant 0 : i32
        %parallel_loop3A_578 = arith.constant 0 : i32
        %parallel_loop3A_579 = arith.constant 0 : i32
        %parallel_loop3A_580 = tpu.memref_slice %arg7[%parallel_loop3A_576, %parallel_loop3A_577, %parallel_loop3A_578, %parallel_loop3A_579] : memref<2x8x8x129xf32, #tpu.memory_space<vmem>> -> memref<1x8x8x129xf32, #tpu.memory_space<vmem>>
        %parallel_loop3A_581 = tpu.memref_squeeze %parallel_loop3A_580 : memref<1x8x8x129xf32, #tpu.memory_space<vmem>> -> memref<8x8x129xf32, #tpu.memory_space<vmem>>
        tpu.vector_store_idx %parallel_loop3A_581[%select_n3A, %select_n3A_213, %parallel_loop3A_570], %parallel_loop3A_575 : memref<8x8x129xf32, #tpu.memory_space<vmem>>[vector<16xi32>, vector<16xi32>, vector<16xi32>], vector<16xf32>,
        %parallel_loop3A_582 = arith.constant 3 : i32
        %parallel_loop3A_583 = arith.index_cast %parallel_loop3A_582 : i32 to index
        %parallel_loop3A_584 = arith.index_cast %parallel_loop3A_568 : i32 to index
        %parallel_loop3A_585 = arith.constant 16 : index
        %parallel_loop3A_586 = tpu.vector_load %arg6[%parallel_loop3A_583, %parallel_loop3A_584, %parallel_loop3A_585] {strides = array<i32>} : memref<4x128x64xf32, #tpu.memory_space<vmem>>, vector<16xf32>,
        %parallel_loop3A_587 = arith.constant 1 : i32
        %parallel_loop3A_588 = arith.constant 0 : i32
        %parallel_loop3A_589 = arith.constant 0 : i32
        %parallel_loop3A_590 = arith.constant 0 : i32
        %parallel_loop3A_591 = tpu.memref_slice %arg7[%parallel_loop3A_587, %parallel_loop3A_588, %parallel_loop3A_589, %parallel_loop3A_590] : memref<2x8x8x129xf32, #tpu.memory_space<vmem>> -> memref<1x8x8x129xf32, #tpu.memory_space<vmem>>
        %parallel_loop3A_592 = tpu.memref_squeeze %parallel_loop3A_591 : memref<1x8x8x129xf32, #tpu.memory_space<vmem>> -> memref<8x8x129xf32, #tpu.memory_space<vmem>>
        tpu.vector_store_idx %parallel_loop3A_592[%select_n3A_122, %select_n3A_238, %parallel_loop3A_570], %parallel_loop3A_586 : memref<8x8x129xf32, #tpu.memory_space<vmem>>[vector<16xi32>, vector<16xi32>, vector<16xi32>], vector<16xf32>,
        %parallel_loop3A_593 = arith.constant 3 : i32
        %parallel_loop3A_594 = arith.index_cast %parallel_loop3A_593 : i32 to index
        %parallel_loop3A_595 = arith.index_cast %parallel_loop3A_568 : i32 to index
        %parallel_loop3A_596 = arith.constant 32 : index
        %parallel_loop3A_597 = tpu.vector_load %arg6[%parallel_loop3A_594, %parallel_loop3A_595, %parallel_loop3A_596] {strides = array<i32>} : memref<4x128x64xf32, #tpu.memory_space<vmem>>, vector<16xf32>,
        %parallel_loop3A_598 = arith.constant 1 : i32
        %parallel_loop3A_599 = arith.constant 0 : i32
        %parallel_loop3A_600 = arith.constant 0 : i32
        %parallel_loop3A_601 = arith.constant 0 : i32
        %parallel_loop3A_602 = tpu.memref_slice %arg7[%parallel_loop3A_598, %parallel_loop3A_599, %parallel_loop3A_600, %parallel_loop3A_601] : memref<2x8x8x129xf32, #tpu.memory_space<vmem>> -> memref<1x8x8x129xf32, #tpu.memory_space<vmem>>
        %parallel_loop3A_603 = tpu.memref_squeeze %parallel_loop3A_602 : memref<1x8x8x129xf32, #tpu.memory_space<vmem>> -> memref<8x8x129xf32, #tpu.memory_space<vmem>>
        tpu.vector_store_idx %parallel_loop3A_603[%select_n3A_156, %select_n3A_263, %parallel_loop3A_570], %parallel_loop3A_597 : memref<8x8x129xf32, #tpu.memory_space<vmem>>[vector<16xi32>, vector<16xi32>, vector<16xi32>], vector<16xf32>,
        %parallel_loop3A_604 = arith.constant 3 : i32
        %parallel_loop3A_605 = arith.index_cast %parallel_loop3A_604 : i32 to index
        %parallel_loop3A_606 = arith.index_cast %parallel_loop3A_568 : i32 to index
        %parallel_loop3A_607 = arith.constant 48 : index
        %parallel_loop3A_608 = tpu.vector_load %arg6[%parallel_loop3A_605, %parallel_loop3A_606, %parallel_loop3A_607] {strides = array<i32>} : memref<4x128x64xf32, #tpu.memory_space<vmem>>, vector<16xf32>,
        %parallel_loop3A_609 = arith.constant 1 : i32
        %parallel_loop3A_610 = arith.constant 0 : i32
        %parallel_loop3A_611 = arith.constant 0 : i32
        %parallel_loop3A_612 = arith.constant 0 : i32
        %parallel_loop3A_613 = tpu.memref_slice %arg7[%parallel_loop3A_609, %parallel_loop3A_610, %parallel_loop3A_611, %parallel_loop3A_612] : memref<2x8x8x129xf32, #tpu.memory_space<vmem>> -> memref<1x8x8x129xf32, #tpu.memory_space<vmem>>
        %parallel_loop3A_614 = tpu.memref_squeeze %parallel_loop3A_613 : memref<1x8x8x129xf32, #tpu.memory_space<vmem>> -> memref<8x8x129xf32, #tpu.memory_space<vmem>>
        tpu.vector_store_idx %parallel_loop3A_614[%select_n3A_190, %select_n3A_288, %parallel_loop3A_570], %parallel_loop3A_608 : memref<8x8x129xf32, #tpu.memory_space<vmem>>[vector<16xi32>, vector<16xi32>, vector<16xi32>], vector<16xf32>,
      } {sc.loop_unroll_factor = 16 : i64, sc.parallel_access}
      %dma_start3A_537 = arith.constant 1 : i32
      %dma_start3A_538 = arith.constant 1 : i32
      %dma_start3A_539 = arith.constant 0 : i32
      %dma_start3A_540 = arith.constant 0 : i32
      %dma_start3A_541 = arith.constant 0 : i32
      %dma_start3A_542 = tpu.memref_slice %arg7[%dma_start3A_537, %dma_start3A_539, %dma_start3A_540, %dma_start3A_541] : memref<2x8x8x129xf32, #tpu.memory_space<vmem>> -> memref<1x8x8x128xf32, #tpu.memory_space<vmem>>
      %dma_start3A_543 = tpu.memref_squeeze %dma_start3A_542 : memref<1x8x8x128xf32, #tpu.memory_space<vmem>> -> memref<8x8x128xf32, #tpu.memory_space<vmem>>
      %dma_start3A_544 = arith.constant 0 : i32
      %dma_start3A_545 = arith.constant 0 : i32
      %dma_start3A_546 = arith.constant 0 : i32
      %dma_start3A_547 = tpu.memref_slice %arg4[%add3A_514, %dma_start3A_544, %add3A, %dma_start3A_545, %dma_start3A_546] : memref<200x8x32x8x128xf32, #tpu.memory_space<hbm>> -> memref<1x8x1x8x128xf32, #tpu.memory_space<hbm>>
      %dma_start3A_548 = tpu.memref_squeeze %dma_start3A_547 : memref<1x8x1x8x128xf32, #tpu.memory_space<hbm>> -> memref<8x8x128xf32, #tpu.memory_space<hbm>>
      %dma_start3A_549 = tpu.memref_slice %arg9[%dma_start3A_538] : memref<2x!tpu.dma_semaphore, #tpu.memory_space<semaphore_mem>> -> memref<1x!tpu.dma_semaphore, #tpu.memory_space<semaphore_mem>>
      %dma_start3A_550 = tpu.memref_squeeze %dma_start3A_549 : memref<1x!tpu.dma_semaphore, #tpu.memory_space<semaphore_mem>> -> memref<!tpu.dma_semaphore, #tpu.memory_space<semaphore_mem>>
      %dma_start3A_551 = arith.constant 0 : i32
      %dma_start3A_552 = arith.constant 0 : i32
      %dma_start3A_553 = arith.constant 0 : i32
      %dma_start3A_554 = tpu.memref_slice %arg4[%add3A_514, %dma_start3A_551, %add3A, %dma_start3A_552, %dma_start3A_553] : memref<200x8x32x8x128xf32, #tpu.memory_space<hbm>> -> memref<1x8x1x8x128xf32, #tpu.memory_space<hbm>>
      %dma_start3A_555 = tpu.memref_squeeze %dma_start3A_554 : memref<1x8x1x8x128xf32, #tpu.memory_space<hbm>> -> memref<8x8x128xf32, #tpu.memory_space<hbm>>
      %dma_start3A_556 = arith.constant 0 : i32
      %dma_start3A_557 = arith.constant 0 : i32
      %dma_start3A_558 = arith.constant 0 : i32
      %dma_start3A_559 = tpu.memref_slice %arg7[%dma_start3A_537, %dma_start3A_556, %dma_start3A_557, %dma_start3A_558] : memref<2x8x8x129xf32, #tpu.memory_space<vmem>> -> memref<1x8x8x128xf32, #tpu.memory_space<vmem>>
      %dma_start3A_560 = tpu.memref_squeeze %dma_start3A_559 : memref<1x8x8x128xf32, #tpu.memory_space<vmem>> -> memref<8x8x128xf32, #tpu.memory_space<vmem>>
      tpu.enqueue_dma source(%dma_start3A_560 : memref<8x8x128xf32, #tpu.memory_space<vmem>>) target(%dma_start3A_555 : memref<8x8x128xf32, #tpu.memory_space<hbm>>) target_semaphore(%dma_start3A_550 : memref<!tpu.dma_semaphore, #tpu.memory_space<semaphore_mem>>)
      %add3A_561 = arith.constant 4 : i32
      %add3A_562 = arith.addi %add3A_514, %add3A_561 : i32
      %lt3A_563 = arith.constant 200 : i32
      %lt3A_564 = arith.cmpi slt, %add3A_562, %lt3A_563 : i32
      %convert_element_type3A_565 = arith.extui %lt3A_564 : i1 to i32
      %cond3A_566 = arith.constant 0 : i32
      %cond3A_567 = arith.cmpi ne, %convert_element_type3A_565, %cond3A_566 : i32
      scf.if %cond3A_567 {
        %add3A_568 = arith.constant 4 : i32
        %add3A_569 = arith.addi %add3A_514, %add3A_568 : i32
        %dma_start3A_570 = arith.constant 3 : i32
        %dma_start3A_571 = arith.constant 3 : i32
        %dma_start3A_572 = arith.constant 0 : i32
        %dma_start3A_573 = arith.constant 0 : i32
        %dma_start3A_574 = tpu.memref_slice %arg6[%dma_start3A_570, %dma_start3A_572, %dma_start3A_573] : memref<4x128x64xf32, #tpu.memory_space<vmem>> -> memref<1x128x64xf32, #tpu.memory_space<vmem>>
        %dma_start3A_575 = tpu.memref_squeeze %dma_start3A_574 : memref<1x128x64xf32, #tpu.memory_space<vmem>> -> memref<128x64xf32, #tpu.memory_space<vmem>>
        %dma_start3A_576 = arith.constant 0 : i32
        %dma_start3A_577 = tpu.memref_slice %arg5[%add3A_569, %dma_start3A_576] : memref<200x128xi32, #tpu.memory_space<vmem>> -> memref<1x128xi32, #tpu.memory_space<vmem>>
        %dma_start3A_578 = tpu.memref_squeeze %dma_start3A_577 : memref<1x128xi32, #tpu.memory_space<vmem>> -> memref<128xi32, #tpu.memory_space<vmem>>
        %dma_start3A_579 = arith.constant 0 : i32
        %dma_start3A_580 = arith.constant 0 : i32
        %dma_start3A_581 = tpu.memref_slice %arg3[%dma_start3A_579, %dma_start3A_580] : memref<1000000x64xf32, #tpu.memory_space<hbm>> -> memref<1000000x64xf32, #tpu.memory_space<hbm>>
        %dma_start3A_582 = tpu.memref_slice %arg8[%dma_start3A_571] : memref<4x!tpu.dma_semaphore, #tpu.memory_space<semaphore_mem>> -> memref<1x!tpu.dma_semaphore, #tpu.memory_space<semaphore_mem>>
        %dma_start3A_583 = tpu.memref_squeeze %dma_start3A_582 : memref<1x!tpu.dma_semaphore, #tpu.memory_space<semaphore_mem>> -> memref<!tpu.dma_semaphore, #tpu.memory_space<semaphore_mem>>
        tpu.enqueue_indirect_dma source(%dma_start3A_581 : memref<1000000x64xf32, #tpu.memory_space<hbm>>) target(%dma_start3A_575 : memref<128x64xf32, #tpu.memory_space<vmem>>) offsets(%dma_start3A_578 : memref<128xi32, #tpu.memory_space<vmem>>) semaphore(%dma_start3A_583 : memref<!tpu.dma_semaphore, #tpu.memory_space<semaphore_mem>>)
      } else {
      }
    }
    %scan3A_293 = arith.constant 50 : i32
    %dma_wait3A = arith.constant 0 : i32
    %dma_wait3A_294 = arith.constant 0 : i32
    %dma_wait3A_295 = arith.constant 0 : i32
    %dma_wait3A_296 = arith.constant 0 : i32
    %dma_wait3A_297 = arith.constant 0 : i32
    %dma_wait3A_298 = arith.constant 0 : i32
    %dma_wait3A_299 = tpu.memref_slice %arg7[%dma_wait3A, %dma_wait3A_296, %dma_wait3A_297, %dma_wait3A_298] : memref<2x8x8x129xf32, #tpu.memory_space<vmem>> -> memref<1x8x8x128xf32, #tpu.memory_space<vmem>>
    %dma_wait3A_300 = tpu.memref_squeeze %dma_wait3A_299 : memref<1x8x8x128xf32, #tpu.memory_space<vmem>> -> memref<8x8x128xf32, #tpu.memory_space<vmem>>
    %dma_wait3A_301 = arith.constant 0 : i32
    %dma_wait3A_302 = arith.constant 0 : i32
    %dma_wait3A_303 = arith.constant 0 : i32
    %dma_wait3A_304 = tpu.memref_slice %arg4[%dma_wait3A_294, %dma_wait3A_301, %add3A, %dma_wait3A_302, %dma_wait3A_303] : memref<200x8x32x8x128xf32, #tpu.memory_space<hbm>> -> memref<1x8x1x8x128xf32, #tpu.memory_space<hbm>>
    %dma_wait3A_305 = tpu.memref_squeeze %dma_wait3A_304 : memref<1x8x1x8x128xf32, #tpu.memory_space<hbm>> -> memref<8x8x128xf32, #tpu.memory_space<hbm>>
    %dma_wait3A_306 = tpu.memref_slice %arg9[%dma_wait3A_295] : memref<2x!tpu.dma_semaphore, #tpu.memory_space<semaphore_mem>> -> memref<1x!tpu.dma_semaphore, #tpu.memory_space<semaphore_mem>>
    %dma_wait3A_307 = tpu.memref_squeeze %dma_wait3A_306 : memref<1x!tpu.dma_semaphore, #tpu.memory_space<semaphore_mem>> -> memref<!tpu.dma_semaphore, #tpu.memory_space<semaphore_mem>>
    %dma_wait3A_308 = arith.constant 0 : i32
    %dma_wait3A_309 = arith.constant 0 : i32
    %dma_wait3A_310 = arith.constant 0 : i32
    %dma_wait3A_311 = tpu.memref_slice %arg4[%dma_wait3A_294, %dma_wait3A_308, %add3A, %dma_wait3A_309, %dma_wait3A_310] : memref<200x8x32x8x128xf32, #tpu.memory_space<hbm>> -> memref<1x8x1x8x128xf32, #tpu.memory_space<hbm>>
    %dma_wait3A_312 = tpu.memref_squeeze %dma_wait3A_311 : memref<1x8x1x8x128xf32, #tpu.memory_space<hbm>> -> memref<8x8x128xf32, #tpu.memory_space<hbm>>
    %dma_wait3A_313 = arith.constant 0 : i32
    %dma_wait3A_314 = arith.constant 0 : i32
    %dma_wait3A_315 = arith.constant 0 : i32
    %dma_wait3A_316 = tpu.memref_slice %arg7[%dma_wait3A, %dma_wait3A_313, %dma_wait3A_314, %dma_wait3A_315] : memref<2x8x8x129xf32, #tpu.memory_space<vmem>> -> memref<1x8x8x128xf32, #tpu.memory_space<vmem>>
    %dma_wait3A_317 = tpu.memref_squeeze %dma_wait3A_316 : memref<1x8x8x128xf32, #tpu.memory_space<vmem>> -> memref<8x8x128xf32, #tpu.memory_space<vmem>>
    tpu.wait_dma2 semaphore(%dma_wait3A_307 : memref<!tpu.dma_semaphore, #tpu.memory_space<semaphore_mem>>) src(%dma_wait3A_317 : memref<8x8x128xf32, #tpu.memory_space<vmem>>) dst(%dma_wait3A_312 : memref<8x8x128xf32, #tpu.memory_space<hbm>>)
    %dma_wait3A_318 = arith.constant 1 : i32
    %dma_wait3A_319 = arith.constant 0 : i32
    %dma_wait3A_320 = arith.constant 1 : i32
    %dma_wait3A_321 = arith.constant 0 : i32
    %dma_wait3A_322 = arith.constant 0 : i32
    %dma_wait3A_323 = arith.constant 0 : i32
    %dma_wait3A_324 = tpu.memref_slice %arg7[%dma_wait3A_318, %dma_wait3A_321, %dma_wait3A_322, %dma_wait3A_323] : memref<2x8x8x129xf32, #tpu.memory_space<vmem>> -> memref<1x8x8x128xf32, #tpu.memory_space<vmem>>
    %dma_wait3A_325 = tpu.memref_squeeze %dma_wait3A_324 : memref<1x8x8x128xf32, #tpu.memory_space<vmem>> -> memref<8x8x128xf32, #tpu.memory_space<vmem>>
    %dma_wait3A_326 = arith.constant 0 : i32
    %dma_wait3A_327 = arith.constant 0 : i32
    %dma_wait3A_328 = arith.constant 0 : i32
    %dma_wait3A_329 = tpu.memref_slice %arg4[%dma_wait3A_319, %dma_wait3A_326, %add3A, %dma_wait3A_327, %dma_wait3A_328] : memref<200x8x32x8x128xf32, #tpu.memory_space<hbm>> -> memref<1x8x1x8x128xf32, #tpu.memory_space<hbm>>
    %dma_wait3A_330 = tpu.memref_squeeze %dma_wait3A_329 : memref<1x8x1x8x128xf32, #tpu.memory_space<hbm>> -> memref<8x8x128xf32, #tpu.memory_space<hbm>>
    %dma_wait3A_331 = tpu.memref_slice %arg9[%dma_wait3A_320] : memref<2x!tpu.dma_semaphore, #tpu.memory_space<semaphore_mem>> -> memref<1x!tpu.dma_semaphore, #tpu.memory_space<semaphore_mem>>
    %dma_wait3A_332 = tpu.memref_squeeze %dma_wait3A_331 : memref<1x!tpu.dma_semaphore, #tpu.memory_space<semaphore_mem>> -> memref<!tpu.dma_semaphore, #tpu.memory_space<semaphore_mem>>
    %dma_wait3A_333 = arith.constant 0 : i32
    %dma_wait3A_334 = arith.constant 0 : i32
    %dma_wait3A_335 = arith.constant 0 : i32
    %dma_wait3A_336 = tpu.memref_slice %arg4[%dma_wait3A_319, %dma_wait3A_333, %add3A, %dma_wait3A_334, %dma_wait3A_335] : memref<200x8x32x8x128xf32, #tpu.memory_space<hbm>> -> memref<1x8x1x8x128xf32, #tpu.memory_space<hbm>>
    %dma_wait3A_337 = tpu.memref_squeeze %dma_wait3A_336 : memref<1x8x1x8x128xf32, #tpu.memory_space<hbm>> -> memref<8x8x128xf32, #tpu.memory_space<hbm>>
    %dma_wait3A_338 = arith.constant 0 : i32
    %dma_wait3A_339 = arith.constant 0 : i32
    %dma_wait3A_340 = arith.constant 0 : i32
    %dma_wait3A_341 = tpu.memref_slice %arg7[%dma_wait3A_318, %dma_wait3A_338, %dma_wait3A_339, %dma_wait3A_340] : memref<2x8x8x129xf32, #tpu.memory_space<vmem>> -> memref<1x8x8x128xf32, #tpu.memory_space<vmem>>
    %dma_wait3A_342 = tpu.memref_squeeze %dma_wait3A_341 : memref<1x8x8x128xf32, #tpu.memory_space<vmem>> -> memref<8x8x128xf32, #tpu.memory_space<vmem>>
    tpu.wait_dma2 semaphore(%dma_wait3A_332 : memref<!tpu.dma_semaphore, #tpu.memory_space<semaphore_mem>>) src(%dma_wait3A_342 : memref<8x8x128xf32, #tpu.memory_space<vmem>>) dst(%dma_wait3A_337 : memref<8x8x128xf32, #tpu.memory_space<hbm>>)
    return
  }
}

</mosaic_0001>

<sc_bundles>
// kernel: kernel.3.cloned.1.call-start
scs
__scs_entry_jumppad:
0x0: {  	(pc) =	sbr.rel $0x88, $3  }
0x1: {  	(tag) =	ssettag $0x0;
	lr =	simm.s32 $0x1  }
0x2: {  	[smem:$0x3F9F] =	sst lr;
	_ =	strace $0xD0000000  }
0x3: {  	_ = 	snop  }
0x4: {  	_ = 	snop  }
0x5: {  	_ = 	snop  }
0x6: {  	_ = 	snop  }
0x7: {  	_ = 	snop  }
__scs_overlays_trampoline_lowered:
0x8: {  	[smem:$0x3FAE] =	sst s0  }
0x9: {  	[smem:$0x3FAF] =	sst s1  }
0xa: {  	[smem:$0x3FB0] =	sst s2  }
0xb: {  	[smem:$0x3FB1] =	sst s3  }
0xc: {  	[smem:$0x3FB2] =	sst s4  }
0xd: {  	[smem:$0x3FB3] =	sst s5  }
0xe: {  	[smem:$0x3FB4] =	sst s6  }
0xf: {  	[smem:$0x3FB5] =	sst s7  }
0x10: {  	[smem:$0x3FB6] =	sst s8  }
0x11: {  	[smem:$0x3FB7] =	sst s9;
	s0 =	simm.s32 @!p0 $0x0  }
0x12: {  	s1 =	sld [smem:$0x3F9D];
	s0 =	simm.s32 @p0 $0x1  }
0x13: {  	[smem:$0x3FB8] =	sst s0;
	s0 =	simm.s32 @!p1 $0x0  }
0x14: {  	s2 =	sld [smem:$0x3F9C];
	s0 =	simm.s32 @p1 $0x1  }
0x15: {  	[smem:$0x3FB9] =	sst s0;
	s0 =	simm.s32 @!p2 $0x0  }
0x16: {  	s3 =	sld [smem:$0x3FDB];
	s0 =	simm.s32 @p2 $0x1  }
0x17: {  	s4 =	simm.s32 $0x1BF5;
	[smem:$0x3FBB] =	sst s0  }
0x18: {  	s0 =	sld [smem:$0x3F9E];
	_ =	swait.ge [sflag:s4], $0x0  }
0x19: {  	s7 =	sld [smem:$0x3F9F]  }
0x1a: {  	s8 =	sadd.s32 $0xFFFFE003, lr  }
0x1b: {  	s9 =	sadd.s32 $0xFFFFFEF7, lr;
	s5 =	simm.s32 $0xFFFFFFFF;
	p2 =	slt.u32 s8, $0xFFFFF086  }
0x1c: {  	p1 =	slt.u32 s9, $0xF7A;
	s5 =	simm.s32 @!p2 $0x0  }
0x1d: {  	s5 =	simm.s32 @p1 $0x1;
	p0 =	seq.s32 s7, s2  }
0x1e: {  	s7 =	smul.u32 @!p0 $0xF7A, s2;
	p2 =	seq.s32 @!p0 s5, $0x0  }
0x1f: {  	s9 =	smul.u32 $0xF7A, s1;
	s8 =	simm.s32 @!p0 $0x1BF5;
	p2 =	por !p2, p0  }
0x20: {  	[sflag:s8] =	ssyncset.s32 @!p0 $0xFFFFF086;
	s6 =	sadd.s32 @!p0 s3, s7;
	s7 =	simm.s32 @!p0 $0x108  }
0x21: {  	s3 =	sadd.s32 s3, s9;
	s6 =	sadd.s32 @!p0 $0x88, s6;
	s7 =	simm.s32 @p2 $0x1082  }
0x22: {  	[simem:s7], [sflag:s8] =	dma.local @!p0 [hbm:s6], $0xF7A  }
0x23: {  	s9 =	sor.u32 $0xD0000000, s2;
	s6 =	simm.s32 $0x108;
	_ =	swait.ge @!p0 [sflag:s8], $0x0  }
0x24: {  	s3 =	sadd.s32 $0x88, s3;
	s6 =	simm.s32 @!p1 $0x1082;
	[sflag:s4] =	ssyncset.s32 $0xFFFFF086  }
0x25: {  	[simem:s6], [sflag:s4] =	dma.local [hbm:s3], $0xF7A  }
0x26: {  	[smem:$0x3F9F] =	sst s1;
	(tag) =	ssettag s2;
	_ =	strace s9  }
0x27: {  	s1 =	sld [smem:$0x3FAF]  }
0x28: {  	s2 =	sld [smem:$0x3FB0]  }
0x29: {  	s4 =	sld [smem:$0x3FB2]  }
0x2a: {  	p0 =	seq.s32 s5, $0x0;
	s5 =	sld [smem:$0x3FB3]  }
0x2b: {  	s6 =	sld [smem:$0x3FB4]  }
0x2c: {  	s7 =	sld [smem:$0x3FB5]  }
0x2d: {  	s3 =	simm.s32 $0x108;
	s8 =	sld [smem:$0x3FB6]  }
0x2e: {  	s3 =	simm.s32 @!p0 $0x1082;
	s9 =	sld [smem:$0x3FB7]  }
0x2f: {  	lr =	sadd.s32 s0, s3;
	s0 =	sld [smem:$0x3FAE]  }
0x30: {  	s3 =	sld [smem:$0x3FB1]  }
0x31: {  	[smem:$0x3FBA] =	sst s10  }
0x32: {  	s10 =	sld [smem:$0x3FB8];
	_ =	sdelay $0x3  }
0x33: {  	p0 =	seq.s32 s10, $0x1;
	s10 =	sld [smem:$0x3FBA];
	_ =	sdelay $0x3  }
0x34: {  	[smem:$0x3FBA] =	sst s10  }
0x35: {  	s10 =	sld [smem:$0x3FB9];
	_ =	sdelay $0x3  }
0x36: {  	p1 =	seq.s32 s10, $0x1;
	s10 =	sld [smem:$0x3FBA];
	_ =	sdelay $0x3  }
0x37: {  	[smem:$0x3FBA] =	sst s10  }
0x38: {  	s10 =	sld [smem:$0x3FBB]  }
0x39: {  	_ = 	snop;
	(pc) =	sbr.ind lr, $3  }
0x3a: {  	_ = 	snop  }
0x3b: {  	_ = 	snop  }
0x3c: {  	p2 =	seq.s32 s10, $0x1;
	s10 =	sld [smem:$0x3FBA]  }
0x3d: {  	_ =	shalt  }
0x3e: {  	_ =	shalt  }
0x3f: {  	_ =	shalt  }
0x40: {  	_ =	shalt  }
0x41: {  	_ =	shalt  }
0x42: {  	_ =	shalt  }
0x43: {  	_ =	shalt  }
0x44: {  	_ =	shalt  }
0x45: {  	_ =	shalt  }
0x46: {  	_ =	shalt  }
0x47: {  	_ =	shalt  }
0x48: {  	_ =	shalt  }
0x49: {  	_ =	shalt  }
0x4a: {  	_ =	shalt  }
0x4b: {  	_ =	shalt  }
0x4c: {  	_ =	shalt  }
0x4d: {  	_ =	shalt  }
0x4e: {  	_ =	shalt  }
0x4f: {  	_ =	shalt  }
0x50: {  	_ =	shalt  }
0x51: {  	_ =	shalt  }
0x52: {  	_ =	shalt  }
0x53: {  	_ =	shalt  }
0x54: {  	_ =	shalt  }
0x55: {  	_ =	shalt  }
0x56: {  	_ =	shalt  }
0x57: {  	_ =	shalt  }
0x58: {  	_ =	shalt  }
0x59: {  	_ =	shalt  }
0x5a: {  	_ =	shalt  }
0x5b: {  	_ =	shalt  }
0x5c: {  	_ =	shalt  }
0x5d: {  	_ =	shalt  }
0x5e: {  	_ =	shalt  }
0x5f: {  	_ =	shalt  }
0x60: {  	_ =	shalt  }
0x61: {  	_ =	shalt  }
0x62: {  	_ =	shalt  }
0x63: {  	_ =	shalt  }
0x64: {  	_ =	shalt  }
0x65: {  	_ =	shalt  }
0x66: {  	_ =	shalt  }
0x67: {  	_ =	shalt  }
0x68: {  	_ =	shalt  }
0x69: {  	_ =	shalt  }
0x6a: {  	_ =	shalt  }
0x6b: {  	_ =	shalt  }
0x6c: {  	_ =	shalt  }
0x6d: {  	_ =	shalt  }
0x6e: {  	_ =	shalt  }
0x6f: {  	_ =	shalt  }
0x70: {  	_ =	shalt  }
0x71: {  	_ =	shalt  }
0x72: {  	_ =	shalt  }
0x73: {  	_ =	shalt  }
0x74: {  	_ =	shalt  }
0x75: {  	_ =	shalt  }
0x76: {  	_ =	shalt  }
0x77: {  	_ =	shalt  }
0x78: {  	_ =	shalt  }
0x79: {  	_ =	shalt  }
0x7a: {  	_ =	shalt  }
0x7b: {  	_ =	shalt  }
0x7c: {  	_ =	shalt  }
0x7d: {  	_ =	shalt  }
0x7e: {  	_ =	shalt  }
0x7f: {  	_ =	shalt  }
0x80: {  	_ =	shalt  }
0x81: {  	_ =	shalt  }
0x82: {  	_ =	shalt  }
0x83: {  	_ =	shalt  }
0x84: {  	_ =	shalt  }
0x85: {  	_ =	shalt  }
0x86: {  	_ =	shalt  }
0x87: {  	_ =	shalt  }
.Lfunc_end0:
.L_simem_size_0:
called_computation_lowered:
.L_overlay_start_0:
0x88: {  	s2 =	sld [smem:$0x3FD9]  }
0x89: {  	s3 =	sld [smem:$0x3FFE];
	_ =	sdelay $0x1  }
0x8a: {  	s1 =	srdreg.scid  }
0x8b: {  	s0 =	sand.u32 $0x1, s1  }
0x8c: {  	s17 =	sshll.u32 s0, $0xA;
	s2 =	sadd.s32 s3, s2  }
0x8d: {  	s2 =	sadd.s32 s2, s17  }
0x8e: {  	[smem:$0x3FC6] =	sst s2  }
0x8f: {  	_ = 	snop  }
0x90: {  	s2 =	sld [smem:$0x3FD0];
	(tm) =	ssettm $0x1  }
0x91: {  	s18 =	sld [smem:$0x3FFB];
	_ =	sdelay $0x3  }
0x92: {  	_ =	strace s18  }
0x93: {  	s3 =	sld [smem:$0x3FFC];
	_ =	sdelay $0x3  }
0x94: {  	_ =	strace s3  }
0x95: {  	s3 =	sld [smem:$0x3FFD];
	_ =	sdelay $0x3  }
0x96: {  	_ =	strace s3  }
0x97: {  	_ =	strace $0x8FFFFFFF  }
0x98: {  	s19 =	sld [smem:$0x3FDB];
	_ =	sdelay $0x1  }
0x99: {  	s4 =	simm.s32 $_scs_section_size  }
0x9a: {  	s5 =	simm.s32 $_size__tile_overlayer_lowered;
	s6 =	simm.s32 $_tile_overlayer_lowered  }
0x9b: {  	s22 =	simm.s32 $0x1BFF;
	s21 =	sshll.u32 s6, $0x1;
	s3 =	sadd.s32 s4, s19  }
0x9c: {  	s7 =	simm.s32 $0x0;
	s20 =	sshll.u32 s5, $0x1;
	s5 =	sadd.s32 s21, s3  }
0x9d: {  	[timem:s7], [sflag:s22] =	dma.local [hbm:s5], s20  }
0x9e: {  	_ =	swait.ge [sflag:s22], s20  }
0x9f: {  	s4 =	ssub.s32 $0x0, s20;
	[sflag:s22] =	ssyncset.done $0x0  }
0xa0: {  	[sflag:s22] =	ssyncadd.s32 s4;
	_ =	sdelay $0x1  }
0xa1: {  	s23 =	simm.s32 $0x1B8B  }
0xa2: {  	_ =	swait.ge [sflag:s23], $0x1  }
0xa3: {  	[sflag:s23] =	ssyncset.done $0x0  }
0xa4: {  	s25 =	simm.s32 $0x1B8E;
	s24 =	sld [smem:$0x3FFE];
	[sflag:s23] =	ssyncadd.s32 $0xFFFFFFFF  }
0xa5: {  	s26 =	simm.s32 $execute0_lowered;
	[smem:$0x3FD2] =	sst s25  }
0xa6: {  	s5 =	sshll.u32 s26, $0x1;
	_ =	strace $0x80000046;
	[dreg:$0x1] =	wrdreg $0xFFFFFFFF  }
0xa7: {  	s28 =	simm.s32 $_size_execute0_lowered;
	s3 =	sadd.s32 s3, s5;
	[dreg:$0x0] =	wrdreg $0x0  }
0xa8: {  	s5 =	sshll.u32 s28, $0x1;
	[dreg:$0x2] =	wrdreg s3  }
0xa9: {  	[dreg:$0x3] =	wrdreg s5  }
0xaa: {  	[dreg:$0x4] =	wrdreg $0xC0  }
0xab: {  	_ =	task [dreg:s7], $0x5FFFF  }
0xac: {  	[dreg:$0x1] =	wrdreg $0xFFFFFFFF  }
0xad: {  	[dreg:$0x0] =	wrdreg $0x60  }
0xae: {  	[dreg:$0x2] =	wrdreg s24  }
0xaf: {  	[dreg:$0x3] =	wrdreg s2  }
0xb0: {  	[dreg:$0x4] =	wrdreg $0x9  }
0xb1: {  	_ =	task.clear_ibuf [dreg:s7], $0x5FFFF;
	_ =	strace $0x90000046  }
0xb2: {  	s29 =	simm.s32 $0x9;
	_ =	strace $0x80000048  }
0xb3: {  	_ =	swait.ge [sflag:s29], $0x1  }
0xb4: {  	[sflag:s29] =	ssyncadd.s32 $0xFFFFFFFF  }
0xb5: {  	_ =	strace $0x90000048  }
0xb6: {  	_ =	sfence  }
0xb7: {  	s30 =	sld [smem:$0x0];
	_ =	sdelay $0x2  }
0xb8: {  	s31 =	sshll.u32 s1, $0xD;
	s1 =	sshrl.u32 s1, $0x2  }
0xb9: {  	s3 =	sand.u32 $0x4000, s31;
	s1 =	sadd.s32 s1, s30  }
0xba: {  	s0 =	sor.u32 s3, s0;
	s1 =	sshll.u32 s1, $0x11  }
0xbb: {  	s0 =	sor.u32 s1, s0  }
0xbc: {  	s0 =	sadd.s32 $0x8F2B, s0  }
0xbd: {  	[sflag:s0] =	ssyncadd.remote.s32 $0x1  }
0xbe: {  	_ =	sfence.sel $0xFFFF  }
0xbf: {  	[dreg:$0x0] =	wrdreg $0xFFFFFFFF;
	(pc) =	sbr.abs _section_cstart, $3  }
0xc0: {  	[dreg:$0x1] =	wrdreg $0xFFFFFFFF  }
0xc1: {  	_ =	task.clear_ibuf [dreg:s7], $0x2FFFF;
	_ =	strace $0x9FFFFFFF  }
0xc2: {  	(tm) =	ssettm $0x7FFFFFFF  }
0xc3: {  	_ =	shalt  }
tec
execute0_lowered:
.L_overlay_start_1:
0x0: {  	(tag) =	ssettag $0x1  }
0x1: {  	v0 =	vlaneseq.u32  }
0x2: {  	v12 =	vmul.u32 $0x88, v0  }
0x3: {  	s0 =	rddreg [dreg:$0x0];
	s3 =	simm.s32 $0x0  }
0x4: {  	[smem:$0x7FF] =	sst s3;
	v15 =	vadd.s32 $0x1980, v12  }
0x5: {  	s2 =	rddreg [dreg:$0x1];
	_ =	strace $0x80000047;
	v3 =	vadd.s32 $0x1983, v12;
	[tilespmem:$0x1FED0] =	vst v15  }
0x6: {  	v0 =	vadd.s32 $0x1984, v12;
	[tilespmem:$0x1FEE0] =	vst v3  }
0x7: {  	v4 =	vadd.s32 $0x1985, v12;
	[tilespmem:$0x1FEF0] =	vst v0  }
0x8: {  	v5 =	vor.u32 $0x6, v12;
	[tilespmem:$0x1FF00] =	vst v4  }
0x9: {  	v6 =	vadd.s32 $0x886, v12;
	[tilespmem:$0x1FF10] =	vst v5  }
0xa: {  	v7 =	vadd.s32 $0x1106, v12;
	[tilespmem:$0x1FF20] =	vst v6  }
0xb: {  	v8 =	vadd.s32 $0x1986, v12;
	[tilespmem:$0x1FF30] =	vst v7  }
0xc: {  	v10 =	vadd.s32 $0x887, v12;
	[tilespmem:$0x1FF40] =	vst v8  }
0xd: {  	s1 =	srdreg.scid;
	s4 =	stileid.u32;
	v11 =	vadd.s32 $0x1107, v12;
	[tilespmem:$0x1FF50] =	vst v10  }
0xe: {  	s11 =	simm.s32 $0x80;
	s13 =	simm.s32 $0x7;
	s14 =	simm.s32 $0x6400;
	v9 =	vor.u32 $0x7, v12;
	[tilespmem:$0x1FF60] =	vst v11  }
0xf: {  	s19 =	simm.s32 $0xC400;
	s20 =	simm.s32 $0x1;
	s21 =	simm.s32 $0xE400;
	v32 =	vadd.s32 $0x1987, v12;
	[tilespmem:$0x1FF70] =	vst v9  }
0x10: {  	s22 =	simm.s32 $0x2;
	s23 =	simm.s32 $0x6;
	s24 =	simm.s32 $0x10600;
	v2 =	vor.u32 $0x5, v12;
	[tilespmem:$0x1FF80] =	vst v32  }
0x11: {  	v1 =	vimm.s32 $0x0;
	vm0 =	vcmask $0x300;
	s25 =	simm.s32 $0x3;
	s26 =	simm.s32 $0x5;
	s28 =	simm.s32 $0x4;
	v31 =	vadd.s32 $0x885, v12;
	[tilespmem:$0x1FF90] =	vst v2  }
0x12: {  	s29 =	simm.s32 $0x0;
	s1 =	sand.u32 $0x1, s1;
	s4 =	sshll.u32 s4, $0x1;
	v1 =	vsel vm0, $0x3, v1;
	v13 =	vadd.s32 $0x880, v12;
	v28 =	vor.u32 $0x4, v12;
	[tilespmem:$0x1FFA0] =	vst v31  }
.Ltmp0:
0x13: {  	s8 =	sadd.s32 $0x10000, s2;
	s6 =	sor.u32 s1, s4;
	v14 =	vadd.s32 $0x1100, v12;
	v16 =	vor.u32 $0x1, v12;
	v30 =	vadd.s32 $0x1104, v12;
	[tilespmem:$0x1FFB0] =	vst v28;
	(pc) =	sbr.rel .LBB2_1-.Ltmp0, $4  }
0x14: {  	s9 =	sadd.s32 $0x18000, s2;
	s1 =	ssub.s32 $0x2, s1;
	s4 =	sshll.u32 s6, $0x4;
	v17 =	vadd.s32 $0x881, v12;
	v18 =	vadd.s32 $0x1101, v12;
	v29 =	vadd.s32 $0x884, v12;
	[tilespmem:$0x1FFC0] =	vst v30  }
0x15: {  	s5 =	sshrl.u32 s1, $0x1;
	v19 =	vadd.s32 $0x1981, v12;
	s6 =	sshll.u32 s6, $0x7;
	v20 =	vor.u32 $0x2, v12;
	v23 =	vadd.s32 $0x1982, v12;
	s7 =	sadd.s32 s4, s0;
	[tilespmem:$0x1FFD0] =	vst v29  }
0x16: {  	v21 =	vadd.s32 $0x882, v12;
	v22 =	vadd.s32 $0x1102, v12;
	v24 =	vor.u32 $0x3, v12;
	s4 =	sadd.s32 $0xF42A00, s0;
	s30 =	ssub.s32 s1, s5;
	[tilespmem:$0x1FFE0] =	vst v23;
	s31 =	sadd.s32 $0x600, s7  }
0x17: {  	v25 =	vadd.s32 $0x883, v12;
	v26 =	vadd.s32 $0x1103, v12;
	v27 =	vadd.s32 $0x1105, v12;
	[tilespmem:$0x1FFF0] =	vst v14;
	s7 =	sadd.s32 $0x8000, s2;
	s10 =	smax.u32 s30, $0x1;
	[dreg:$0x3] =	wrdreg s31  }
.LBB2_24:
0x18: {  	s29 =	sadd.s32 $0x1, s29  }
0x19: {  	_ =	swait.ge [sflag:s26], $0x2000;
	p0 =	sne.s32 s29, s10  }
.Ltmp1:
0x1a: {  	[sflag:s26] =	ssyncset.done $0x0;
	(pc) =	sbr.rel @!p0 .LBB2_25-.Ltmp1, $4  }
0x1b: {  	[sflag:s26] =	ssyncadd.s32 $0xFFFFE000  }
0x1c: {  	_ =	swait.ge [sflag:s23], $0x2000  }
0x1d: {  	[sflag:s23] =	ssyncset.done $0x0  }
0x1e: {  	[sflag:s23] =	ssyncadd.s32 $0xFFFFE000  }
.LBB2_1:
0x1f: {  	s0 =	rddreg [dreg:$0x3];
	s1 =	simm.s32 $0x1000  }
0x20: {  	[tilespmem:s3], [sflag:$0x7] =	stream.strided.gather [hbm4b:s0+s11], $0x6400, s1, s11, $0x38;
	[tilespmem:$0x12800] =	vst v63  }
0x21: {  	_ =	swait.ge [sflag:s13], $0x6400  }
0x22: {  	[sflag:s13] =	ssyncset.done $0x0  }
0x23: {  	[sflag:s13] =	ssyncadd.s32 $0xFFFF9C00  }
0x24: {  	[tilespmem:s14], [sflag:$0x1] =	stream.indirect.gather [hbm4b:s4+s11], $0x40, s3, s11, $0xb8;
	[tilespmem:$0x12800] =	vst v63  }
0x25: {  	s16 =	simm.s32 $0x8400  }
0x26: {  	[tilespmem:s16], [sflag:$0x2] =	stream.indirect.gather [hbm4b:s4+s11], $0x40, s11, s11, $0xb8;
	[tilespmem:$0x12800] =	vst v63  }
0x27: {  	s17 =	simm.s32 $0x100;
	s18 =	simm.s32 $0xA400  }
0x28: {  	[tilespmem:s18], [sflag:$0x3] =	stream.indirect.gather [hbm4b:s4+s11], $0x40, s17, s11, $0xb8;
	[tilespmem:$0x12800] =	vst v63  }
0x29: {  	s31 =	simm.s32 $0x180;
	s30 =	simm.s32 $0x0  }
0x2a: {  	[tilespmem:s19], [sflag:$0x4] =	stream.indirect.gather [hbm4b:s4+s11], $0x40, s31, s11, $0xb8;
	[tilespmem:$0x12800] =	vst v63  }
.LBB2_2:
0x2b: {  	s0 =	simm.s32 $0x0;
	s15 =	simm.s32 $0x1;
	s16 =	simm.s32 $0x2  }
0x2c: {  	s12 =	simm.s32 $0x4;
	_ =	swait.ge [sflag:s20], $0x2000;
	v34 =	vmov s15;
	s15 =	simm.s32 $0x9  }
0x2d: {  	p0 =	seq.s32 s30, $0x0;
	v33 =	vmov s0;
	v35 =	vmov s16;
	[sflag:s20] =	ssyncset.done $0x0;
	v42 =	vmov s15;
	s15 =	simm.s32 $0xF  }
0x2e: {  	v37 =	vmov s12;
	s12 =	simm.s32 $0x8;
	s0 =	simm.s32 @!p0 $0x5;
	v33 =	vshrl.u32 v33, $0x3;
	[sflag:s20] =	ssyncadd.s32 $0xFFFFE000;
	v45 =	vmov s15  }
0x2f: {  	s16 =	simm.s32 $0xA;
	v41 =	vmov s12;
	v33 =	vshll.u32 v33, v1;
	_ =	swait.ge @!p0 [sflag:s0], $0x2000;
	v45 =	vshrl.u32 v45, $0x3  }
0x30: {  	v43 =	vmov s16;
	[sflag:s0] =	ssyncset.done @!p0 $0x0;
	v33 =	vbroadcast v33, $0x0;
	v7 =	vshll.u32 v45, v1  }
0x31: {  	v34 =	vshrl.u32 v34, $0x3;
	v35 =	vshrl.u32 v35, $0x3;
	[sflag:s0] =	ssyncadd.s32 @!p0 $0xFFFFE000;
	s0 =	simm.s32 $0x6600;
	v55 =	vbroadcast v7, $0x0  }
0x32: {  	v54 =	vshrl.u32 v42, $0x3;
	v56 =	vshrl.u32 v43, $0x3;
	v42 =	vld [tilespmem:s0+$0xFFFFFE00];
	v43 =	vadd.s32 v12, v33  }
0x33: {  	s1 =	simm.s32 $0x3;
	v53 =	vshrl.u32 v41, $0x3;
	v8 =	vshll.u32 v35, v1;
	v35 =	vld [tilespmem:s0+$0x1C0];
	v41 =	vadd.s32 v9, v55  }
0x34: {  	s17 =	simm.s32 $0x5;
	s18 =	simm.s32 $0x6;
	v36 =	vmov s1;
	v34 =	vshll.u32 v34, v1  }
0x35: {  	s5 =	simm.s32 $0x7;
	v38 =	vmov s17;
	v39 =	vmov s18;
	v47 =	vbroadcast v34, $0x0  }
0x36: {  	v40 =	vmov s5;
	s17 =	simm.s32 $0xB;
	v36 =	vshrl.u32 v36, $0x3;
	v46 =	vbroadcast v8, $0x0  }
0x37: {  	v44 =	vmov s17;
	v10 =	vshll.u32 v36, v1;
	v36 =	vld [tilespmem:s0+$0xFFFFFE40];
	v57 =	vadd.s32 v16, v47;
	[tilespmem:v43+s21+$0x0] =	vst.idx.msk $0xffff, v42  }
0x38: {  	v37 =	vshrl.u32 v37, $0x3;
	v52 =	vshrl.u32 v40, $0x3;
	v40 =	vld [tilespmem:s0+$0xFFFFFE80];
	v58 =	vadd.s32 v20, v46;
	[tilespmem:v41+s21+$0x0] =	vst.idx.msk $0xffff, v35  }
0x39: {  	v38 =	vshrl.u32 v38, $0x3;
	v11 =	vshll.u32 v37, v1;
	v45 =	vbroadcast v10, $0x0;
	v0 =	vld [tilespmem:$0x1FF50]  }
0x3a: {  	v38 =	vshll.u32 v38, v1;
	v6 =	vbroadcast v11, $0x0;
	v34 =	vshrl.u32 v44, $0x3;
	v44 =	vld [tilespmem:s0+$0xFFFFFEC0]  }
0x3b: {  	v51 =	vshrl.u32 v39, $0x3;
	v60 =	vld [tilespmem:s0+$0xFFFFFF00];
	v7 =	vbroadcast v38, $0x0;
	v59 =	vadd.s32 v24, v45  }
0x3c: {  	v8 =	vshll.u32 v51, v1;
	v61 =	vadd.s32 v28, v6;
	v51 =	vld [tilespmem:s0+$0x1D0];
	[tilespmem:v57+s21+$0x0] =	vst.idx.msk $0xffff, v36  }
0x3d: {  	v36 =	vld [tilespmem:s0+$0xFFFFFF40];
	v57 =	vadd.s32 v2, v7;
	[tilespmem:v58+s21+$0x0] =	vst.idx.msk $0xffff, v40  }
0x3e: {  	v10 =	vshll.u32 v52, v1;
	v3 =	vld [tilespmem:$0x1FF10];
	v52 =	vadd.s32 v0, v55;
	_ =	sdelay $0x1  }
0x3f: {  	[tilespmem:v59+s21+$0x0] =	vst.idx.msk $0xffff, v44  }
0x40: {  	s18 =	simm.s32 $0xC;
	s5 =	simm.s32 $0xD;
	s12 =	simm.s32 $0xE;
	v5 =	vbroadcast v8, $0x0;
	[tilespmem:v61+s21+$0x0] =	vst.idx.msk $0xffff, v60  }
0x41: {  	v48 =	vmov s18;
	v49 =	vmov s5;
	v50 =	vmov s12;
	[tilespmem:v57+s21+$0x0] =	vst.idx.msk $0xffff, v36  }
0x42: {  	v11 =	vshll.u32 v53, v1;
	v8 =	vbroadcast v10, $0x0;
	v37 =	vld [tilespmem:s0+$0xFFFFFF80];
	v40 =	vadd.s32 v3, v5;
	[tilespmem:v52+s21+$0x0] =	vst.idx.msk $0xffff, v51  }
0x43: {  	v48 =	vshrl.u32 v48, $0x3;
	v10 =	vbroadcast v11, $0x0;
	v41 =	vshll.u32 v54, v1;
	v4 =	vld [tilespmem:$0x1FF60]  }
0x44: {  	v38 =	vshll.u32 v56, v1;
	v42 =	vld [tilespmem:s0+$0xFFFFFFC0];
	v43 =	vadd.s32 v9, v8;
	v9 =	vbroadcast v41, $0x0  }
0x45: {  	v49 =	vshrl.u32 v49, $0x3;
	v11 =	vbroadcast v38, $0x0;
	v59 =	vld [tilespmem:s0+$0x0];
	v44 =	vadd.s32 v12, v10  }
0x46: {  	v50 =	vshrl.u32 v50, $0x3;
	v34 =	vshll.u32 v34, v1;
	v56 =	vld [tilespmem:s0+$0x40];
	v61 =	vadd.s32 v16, v9  }
0x47: {  	v39 =	vshll.u32 v48, v1;
	v34 =	vbroadcast v34, $0x0;
	v52 =	vld [tilespmem:s0+$0x80];
	[tilespmem:v40+s21+$0x0] =	vst.idx.msk $0xffff, v37;
	v40 =	vadd.s32 v20, v11  }
0x48: {  	v35 =	vbroadcast v39, $0x0;
	v41 =	vshll.u32 v49, v1;
	v48 =	vld [tilespmem:s0+$0x1E0];
	v51 =	vadd.s32 v4, v55  }
0x49: {  	v49 =	vld [tilespmem:s0+$0xC0];
	v36 =	vbroadcast v41, $0x0;
	[tilespmem:v43+s21+$0x0] =	vst.idx.msk $0xffff, v42;
	v42 =	vadd.s32 v24, v34;
	v43 =	vshll.u32 v50, v1  }
0x4a: {  	[tilespmem:v44+s21+$0x0] =	vst.idx.msk $0xffff, v59;
	v50 =	vld [tilespmem:s0+$0x100];
	v44 =	vadd.s32 v28, v35;
	v37 =	vbroadcast v43, $0x0  }
0x4b: {  	v58 =	vadd.s32 v2, v36;
	[tilespmem:v61+s21+$0x0] =	vst.idx.msk $0xffff, v56;
	v56 =	vld [tilespmem:s0+$0x140]  }
0x4c: {  	v38 =	vld [tilespmem:s0+$0x180];
	v39 =	vadd.s32 v3, v37;
	[tilespmem:v40+s21+$0x0] =	vst.idx.msk $0xffff, v52  }
0x4d: {  	v41 =	vadd.s32 v17, v47;
	v40 =	vld [tilespmem:s0+$0xFFFFFE50];
	[tilespmem:v51+s21+$0x0] =	vst.idx.msk $0xffff, v48  }
0x4e: {  	[tilespmem:v42+s21+$0x0] =	vst.idx.msk $0xffff, v49;
	v51 =	vadd.s32 v32, v55;
	v48 =	vld [tilespmem:s0+$0x1F0]  }
0x4f: {  	[tilespmem:v44+s21+$0x0] =	vst.idx.msk $0xffff, v50  }
0x50: {  	v43 =	vadd.s32 v21, v46;
	v42 =	vld [tilespmem:s0+$0xFFFFFE90];
	[tilespmem:v58+s21+$0x0] =	vst.idx.msk $0xffff, v56  }
0x51: {  	v61 =	vadd.s32 v25, v45;
	v44 =	vld [tilespmem:s0+$0xFFFFFED0];
	[tilespmem:v39+s21+$0x0] =	vst.idx.msk $0xffff, v38  }
0x52: {  	v62 =	vld [tilespmem:s0+$0xFFFFFF10];
	[tilespmem:v41+s21+$0x0] =	vst.idx.msk $0xffff, v40  }
0x53: {  	v63 =	vadd.s32 v29, v6;
	v38 =	vld [tilespmem:s0+$0xFFFFFF50];
	[tilespmem:v51+s21+$0x0] =	vst.idx.msk $0xffff, v48  }
0x54: {  	v39 =	vadd.s32 v31, v7;
	v3 =	vld [tilespmem:$0x1FF20]  }
0x55: {  	[tilespmem:v43+s21+$0x0] =	vst.idx.msk $0xffff, v42;
	v42 =	vld [tilespmem:s0+$0xFFFFFFD0];
	v43 =	vadd.s32 v0, v8  }
0x56: {  	v60 =	vadd.s32 v13, v10;
	[tilespmem:v61+s21+$0x0] =	vst.idx.msk $0xffff, v44;
	v44 =	vld [tilespmem:s0+$0x10];
	_ =	sdelay $0x1  }
0x57: {  	[tilespmem:v63+s21+$0x0] =	vst.idx.msk $0xffff, v62;
	v61 =	vld [tilespmem:s0+$0x50];
	v62 =	vadd.s32 v17, v9  }
0x58: {  	[tilespmem:v39+s21+$0x0] =	vst.idx.msk $0xffff, v38;
	v63 =	vld [tilespmem:s0+$0x90];
	v38 =	vadd.s32 v21, v11  }
0x59: {  	v40 =	vld [tilespmem:s0+$0xFFFFFF90];
	v41 =	vadd.s32 v3, v5;
	[tilespmem:v43+s21+$0x0] =	vst.idx.msk $0xffff, v42  }
0x5a: {  	[tilespmem:v60+s21+$0x0] =	vst.idx.msk $0xffff, v44;
	v43 =	vld [tilespmem:s0+$0x150];
	v44 =	vadd.s32 v31, v36  }
0x5b: {  	v54 =	vld [tilespmem:s0+$0x190];
	v60 =	vadd.s32 v3, v37  }
0x5c: {  	[tilespmem:v62+s21+$0x0] =	vst.idx.msk $0xffff, v61;
	v61 =	vld [tilespmem:s0+$0xFFFFFE10];
	v62 =	vadd.s32 v13, v33  }
0x5d: {  	[tilespmem:v38+s21+$0x0] =	vst.idx.msk $0xffff, v63;
	v63 =	vld [tilespmem:s0+$0xFFFFFE60];
	v38 =	vadd.s32 v18, v47  }
0x5e: {  	v39 =	vld [tilespmem:s0+$0xD0];
	[tilespmem:v41+s21+$0x0] =	vst.idx.msk $0xffff, v40;
	v40 =	vadd.s32 v25, v34  }
0x5f: {  	v42 =	vadd.s32 v29, v35;
	v41 =	vld [tilespmem:s0+$0x110];
	[tilespmem:v44+s21+$0x0] =	vst.idx.msk $0xffff, v43  }
0x60: {  	v43 =	vld [tilespmem:s0+$0xFFFFFF20];
	v44 =	vadd.s32 v30, v6;
	[tilespmem:v60+s21+$0x0] =	vst.idx.msk $0xffff, v54  }
0x61: {  	[tilespmem:v62+s21+$0x0] =	vst.idx.msk $0xffff, v61;
	v60 =	vld [tilespmem:s0+$0xFFFFFF60]  }
0x62: {  	v61 =	vadd.s32 v27, v7;
	[tilespmem:v38+s21+$0x0] =	vst.idx.msk $0xffff, v63;
	v54 =	vld [tilespmem:s0+$0xA0]  }
0x63: {  	[tilespmem:v40+s21+$0x0] =	vst.idx.msk $0xffff, v39;
	v39 =	vld [tilespmem:s0+$0xFFFFFEA0];
	v40 =	vadd.s32 v22, v46  }
0x64: {  	[tilespmem:v42+s21+$0x0] =	vst.idx.msk $0xffff, v41;
	v41 =	vld [tilespmem:s0+$0xFFFFFEE0];
	v42 =	vadd.s32 v26, v45  }
0x65: {  	v0 =	vld [tilespmem:$0x1FF30];
	[tilespmem:v44+s21+$0x0] =	vst.idx.msk $0xffff, v43;
	v44 =	vadd.s32 v22, v11  }
0x66: {  	v57 =	vadd.s32 v26, v34;
	v56 =	vld [tilespmem:s0+$0xE0]  }
0x67: {  	v51 =	vadd.s32 v30, v35;
	[tilespmem:v61+s21+$0x0] =	vst.idx.msk $0xffff, v60;
	v48 =	vld [tilespmem:s0+$0x120]  }
0x68: {  	v38 =	vld [tilespmem:s0+$0xFFFFFFE0];
	[tilespmem:v40+s21+$0x0] =	vst.idx.msk $0xffff, v39;
	v39 =	vadd.s32 v4, v8  }
0x69: {  	[tilespmem:v42+s21+$0x0] =	vst.idx.msk $0xffff, v41;
	v40 =	vld [tilespmem:s0+$0x20];
	v41 =	vadd.s32 v14, v10  }
0x6a: {  	v43 =	vadd.s32 v18, v9;
	v42 =	vld [tilespmem:s0+$0x60];
	[tilespmem:v44+s21+$0x0] =	vst.idx.msk $0xffff, v54  }
0x6b: {  	v62 =	vld [tilespmem:s0+$0xFFFFFFA0];
	v63 =	vadd.s32 v0, v5;
	[tilespmem:v57+s21+$0x0] =	vst.idx.msk $0xffff, v56  }
0x6c: {  	[tilespmem:v51+s21+$0x0] =	vst.idx.msk $0xffff, v48  }
0x6d: {  	[tilespmem:v39+s21+$0x0] =	vst.idx.msk $0xffff, v38  }
0x6e: {  	v49 =	vld [tilespmem:s0+$0x160];
	[tilespmem:v41+s21+$0x0] =	vst.idx.msk $0xffff, v40  }
0x6f: {  	v50 =	vld [tilespmem:s0+$0x1A0];
	v4 =	vadd.s32 v27, v36;
	[tilespmem:v43+s21+$0x0] =	vst.idx.msk $0xffff, v42  }
0x70: {  	v60 =	vld [tilespmem:s0+$0xFFFFFE20];
	v41 =	vadd.s32 v0, v37;
	[tilespmem:v63+s21+$0x0] =	vst.idx.msk $0xffff, v62  }
0x71: {  	v39 =	vadd.s32 v14, v33;
	v29 =	vld [tilespmem:$0x1FEE0];
	_ =	sdelay $0x1  }
0x72: {  	v54 =	vld [tilespmem:s0+$0xFFFFFE70]  }
0x73: {  	v47 =	vadd.s32 v19, v47;
	v56 =	vld [tilespmem:s0+$0xFFFFFEB0];
	[tilespmem:v4+s21+$0x0] =	vst.idx.msk $0xffff, v49  }
0x74: {  	v42 =	vadd.s32 v23, v46;
	v31 =	vld [tilespmem:$0x1FEF0];
	[tilespmem:v41+s21+$0x0] =	vst.idx.msk $0xffff, v50  }
0x75: {  	v59 =	vld [tilespmem:s0+$0xFFFFFEF0];
	[tilespmem:v39+s21+$0x0] =	vst.idx.msk $0xffff, v60;
	v40 =	vadd.s32 v29, v45  }
0x76: {  	s16 =	simm.s32 $0x10;
	s18 =	simm.s32 $0x12;
	s15 =	simm.s32 $0x15;
	v30 =	vmov v32;
	v32 =	vld [tilespmem:$0x1FF00]  }
0x77: {  	s12 =	simm.s32 $0x14;
	v2 =	vmov s15;
	v55 =	vmov s18;
	s18 =	simm.s32 $0x18;
	v63 =	vmov s16  }
0x78: {  	s5 =	simm.s32 $0x13;
	v53 =	vmov s18;
	v44 =	vmov s12;
	s12 =	simm.s32 $0x1A;
	v61 =	vshrl.u32 v63, $0x3;
	v63 =	vld [tilespmem:s0+$0xFFFFFF30];
	[tilespmem:v47+s21+$0x0] =	vst.idx.msk $0xffff, v54  }
0x79: {  	v55 =	vshrl.u32 v55, $0x3;
	v0 =	vmov s5;
	v46 =	vmov s12;
	v28 =	vld [tilespmem:$0x1FF40];
	[tilespmem:v42+s21+$0x0] =	vst.idx.msk $0xffff, v56  }
0x7a: {  	s17 =	simm.s32 $0x11;
	v38 =	vshrl.u32 v44, $0x3;
	v44 =	vadd.s32 v23, v11;
	s16 =	simm.s32 $0x16;
	v4 =	vadd.s32 v31, v6;
	v6 =	vld [tilespmem:s0+$0xFFFFFF70];
	[tilespmem:v40+s21+$0x0] =	vst.idx.msk $0xffff, v59  }
0x7b: {  	s18 =	simm.s32 $0x1E;
	v62 =	vmov s17;
	s17 =	simm.s32 $0x17;
	v43 =	vmov s16;
	s16 =	simm.s32 $0x1C;
	v7 =	vadd.s32 v32, v7;
	v15 =	vld [tilespmem:$0x1FED0]  }
0x7c: {  	s15 =	simm.s32 $0x1B;
	v58 =	vld [tilespmem:s0+$0xFFFFFFF0];
	v52 =	vmov s17;
	s17 =	simm.s32 $0x1D;
	v49 =	vmov s18;
	v51 =	vmov s16  }
0x7d: {  	v57 =	vld [tilespmem:s0+$0xFFFFFFB0];
	v48 =	vmov s17;
	v50 =	vmov s15;
	v41 =	vshrl.u32 v2, $0x3  }
0x7e: {  	s5 =	simm.s32 $0x19;
	v39 =	vshrl.u32 v43, $0x3;
	v43 =	vld [tilespmem:s0+$0xB0];
	v54 =	vshll.u32 v61, v1;
	v61 =	vadd.s32 v30, v8  }
0x7f: {  	v45 =	vmov s5;
	v56 =	vshrl.u32 v62, $0x3;
	v42 =	vld [tilespmem:s0+$0x70];
	v60 =	vadd.s32 v28, v5;
	[tilespmem:v4+s21+$0x0] =	vst.idx.msk $0xffff, v63  }
0x80: {  	s31 =	sshll.u32 s30, $0xB;
	s1 =	simm.s32 $0x20;
	s12 =	simm.s32 $0x1F;
	v59 =	vld [tilespmem:s0+$0x30];
	v40 =	vshrl.u32 v0, $0x3;
	v63 =	vadd.s32 v19, v9;
	[tilespmem:v7+s21+$0x0] =	vst.idx.msk $0xffff, v6;
	v62 =	vadd.s32 v15, v10  }
.LBB2_3:
0x81: {  	v9 =	vld [tilespmem:s0+$0xF0]  }
0x82: {  	v11 =	vld [tilespmem:s0+$0x170]  }
0x83: {  	v4 =	vld [tilespmem:s0+$0x1B0]  }
0x84: {  	v6 =	vld [tilespmem:s0+$0xFFFFFE30]  }
0x85: {  	v0 =	vld [tilespmem:$0x1FF70]  }
0x86: {  	v34 =	vadd.s32 v29, v34;
	v2 =	vld [tilespmem:$0x1FF50]  }
0x87: {  	v3 =	vld [tilespmem:$0x1FF10];
	[tilespmem:v60+s21+$0x0] =	vst.idx.msk $0xffff, v57  }
0x88: {  	v36 =	vadd.s32 v32, v36;
	v5 =	vshll.u32 v56, v1;
	[tilespmem:v61+s21+$0x0] =	vst.idx.msk $0xffff, v58;
	v58 =	vld [tilespmem:s0+$0x130]  }
0x89: {  	v37 =	vadd.s32 v28, v37;
	v60 =	vshrl.u32 v45, $0x3;
	[tilespmem:v62+s21+$0x0] =	vst.idx.msk $0xffff, v59;
	s0 =	sadd.s32 $0x400, s0;
	v45 =	vbroadcast v5, $0x0;
	v5 =	vld [tilespmem:$0x1FFB0]  }
0x8a: {  	v47 =	vshrl.u32 v52, $0x3;
	v8 =	vmov s12;
	v35 =	vadd.s32 v31, v35;
	[tilespmem:v44+s21+$0x0] =	vst.idx.msk $0xffff, v43;
	v44 =	vld [tilespmem:s0+$0x1C0]  }
0x8b: {  	v7 =	vadd.s32 v15, v33;
	v33 =	vbroadcast v54, $0x0;
	v40 =	vshll.u32 v40, v1;
	[tilespmem:v34+s21+$0x0] =	vst.idx.msk $0xffff, v9;
	v34 =	vld [tilespmem:s0+$0xFFFFFE00]  }
0x8c: {  	v52 =	vshrl.u32 v8, $0x3;
	v8 =	vshll.u32 v55, v1;
	v40 =	vbroadcast v40, $0x0;
	[tilespmem:v63+s21+$0x0] =	vst.idx.msk $0xffff, v42;
	v63 =	vld [tilespmem:s0+$0xFFFFFE40]  }
0x8d: {  	v10 =	vshll.u32 v52, v1;
	v9 =	vadd.s32 v12, v33;
	[tilespmem:v36+s21+$0x0] =	vst.idx.msk $0xffff, v11;
	v36 =	vld [tilespmem:s0+$0xFFFFFE80]  }
0x8e: {  	v59 =	vshrl.u32 v46, $0x3;
	v46 =	vbroadcast v8, $0x0;
	v57 =	vadd.s32 v24, v40;
	[tilespmem:v37+s21+$0x0] =	vst.idx.msk $0xffff, v4;
	v37 =	vld [tilespmem:s0+$0xFFFFFEC0]  }
0x8f: {  	v61 =	vbroadcast v10, $0x0;
	v56 =	vld [tilespmem:s0+$0xFFFFFF00];
	v10 =	vadd.s32 v16, v45  }
0x90: {  	v53 =	vshrl.u32 v53, $0x3;
	[tilespmem:v7+s21+$0x0] =	vst.idx.msk $0xffff, v6;
	v4 =	vld [tilespmem:$0x1FF90];
	v11 =	vadd.s32 v20, v46  }
0x91: {  	v38 =	vshll.u32 v38, v1;
	v50 =	vshrl.u32 v50, $0x3;
	v7 =	vld [tilespmem:s0+$0x40];
	v54 =	vadd.s32 v0, v61;
	[tilespmem:v35+s21+$0x0] =	vst.idx.msk $0xffff, v58  }
0x92: {  	v41 =	vshll.u32 v41, v1;
	v39 =	vshll.u32 v39, v1;
	v38 =	vbroadcast v38, $0x0;
	v52 =	vld [tilespmem:s0+$0x80];
	[tilespmem:v9+s21+$0x0] =	vst.idx.msk $0xffff, v34  }
0x93: {  	v48 =	vshrl.u32 v48, $0x3;
	v41 =	vbroadcast v41, $0x0;
	v60 =	vshll.u32 v60, v1;
	v35 =	vld [tilespmem:s0+$0xFFFFFF40];
	[tilespmem:v57+s21+$0x0] =	vst.idx.msk $0xffff, v37  }
0x94: {  	v39 =	vbroadcast v39, $0x0;
	v8 =	vadd.s32 v5, v38;
	v9 =	vshll.u32 v47, v1;
	v37 =	vld [tilespmem:s0+$0xFFFFFFC0];
	[tilespmem:v10+s21+$0x0] =	vst.idx.msk $0xffff, v63  }
0x95: {  	v62 =	vadd.s32 v4, v41;
	v42 =	vbroadcast v9, $0x0;
	v10 =	vshll.u32 v53, v1;
	[tilespmem:v11+s21+$0x0] =	vst.idx.msk $0xffff, v36;
	v36 =	vld [tilespmem:s0+$0xFFFFFF80]  }
0x96: {  	[tilespmem:v54+s21+$0x0] =	vst.idx.msk $0xffff, v44;
	v11 =	vadd.s32 v3, v39;
	v44 =	vbroadcast v60, $0x0;
	v60 =	vshll.u32 v48, v1;
	v48 =	vld [tilespmem:s0+$0xC0]  }
0x97: {  	v51 =	vshrl.u32 v51, $0x3;
	v55 =	vadd.s32 v2, v61;
	v54 =	vld [tilespmem:s0+$0x1D0];
	v43 =	vbroadcast v10, $0x0  }
0x98: {  	v6 =	vshll.u32 v59, v1;
	v9 =	vshll.u32 v50, v1;
	v53 =	vadd.s32 v0, v42;
	v0 =	vld [tilespmem:$0x1FF60]  }
0x99: {  	v49 =	vshrl.u32 v49, $0x3;
	v10 =	vshll.u32 v51, v1;
	[tilespmem:v8+s21+$0x0] =	vst.idx.msk $0xffff, v56;
	v56 =	vld [tilespmem:s0+$0x0];
	v63 =	vadd.s32 v12, v43  }
0x9a: {  	v34 =	vbroadcast v9, $0x0;
	v9 =	vld [tilespmem:s0+$0x180];
	v8 =	vadd.s32 v16, v44;
	[tilespmem:v62+s21+$0x0] =	vst.idx.msk $0xffff, v35;
	v35 =	vbroadcast v10, $0x0  }
0x9b: {  	v47 =	vbroadcast v6, $0x0;
	v62 =	vshll.u32 v49, v1;
	v49 =	vld [tilespmem:s0+$0xFFFFFED0];
	[tilespmem:v11+s21+$0x0] =	vst.idx.msk $0xffff, v36  }
0x9c: {  	[tilespmem:v55+s21+$0x0] =	vst.idx.msk $0xffff, v54;
	v6 =	vadd.s32 v5, v35;
	v5 =	vld [tilespmem:$0x1FFD0]  }
0x9d: {  	v11 =	vadd.s32 v20, v47;
	v50 =	vld [tilespmem:s0+$0x1E0];
	[tilespmem:v53+s21+$0x0] =	vst.idx.msk $0xffff, v37  }
0x9e: {  	v51 =	vadd.s32 v0, v61;
	[tilespmem:v63+s21+$0x0] =	vst.idx.msk $0xffff, v56;
	v63 =	vld [tilespmem:s0+$0x100]  }
0x9f: {  	v36 =	vbroadcast v60, $0x0;
	v53 =	vadd.s32 v24, v34;
	[tilespmem:v8+s21+$0x0] =	vst.idx.msk $0xffff, v7;
	v7 =	vld [tilespmem:s0+$0x140]  }
0xa0: {  	v37 =	vbroadcast v62, $0x0;
	v56 =	vld [tilespmem:s0+$0xFFFFFF10]  }
0xa1: {  	v8 =	vadd.s32 v4, v36;
	v4 =	vld [tilespmem:$0x1FFA0]  }
0xa2: {  	v10 =	vadd.s32 v3, v37;
	v3 =	vld [tilespmem:$0x1FF20];
	[tilespmem:v11+s21+$0x0] =	vst.idx.msk $0xffff, v52  }
0xa3: {  	v60 =	vadd.s32 v17, v45;
	v11 =	vld [tilespmem:s0+$0xFFFFFE50];
	[tilespmem:v51+s21+$0x0] =	vst.idx.msk $0xffff, v50  }
0xa4: {  	v62 =	vadd.s32 v21, v46;
	v51 =	vadd.s32 v30, v61;
	[tilespmem:v53+s21+$0x0] =	vst.idx.msk $0xffff, v48;
	v61 =	vld [tilespmem:s0+$0xFFFFFE90]  }
0xa5: {  	v50 =	vld [tilespmem:s0+$0x1F0];
	[tilespmem:v6+s21+$0x0] =	vst.idx.msk $0xffff, v63  }
0xa6: {  	v63 =	vadd.s32 v25, v40;
	[tilespmem:v8+s21+$0x0] =	vst.idx.msk $0xffff, v7;
	v7 =	vld [tilespmem:s0+$0x50]  }
0xa7: {  	v8 =	vadd.s32 v5, v38;
	[tilespmem:v10+s21+$0x0] =	vst.idx.msk $0xffff, v9;
	v9 =	vld [tilespmem:s0+$0xFFFFFF50]  }
0xa8: {  	v10 =	vadd.s32 v4, v41;
	[tilespmem:v60+s21+$0x0] =	vst.idx.msk $0xffff, v11;
	v11 =	vld [tilespmem:s0+$0xFFFFFF90]  }
0xa9: {  	v60 =	vadd.s32 v3, v39;
	v54 =	vld [tilespmem:s0+$0x190];
	[tilespmem:v62+s21+$0x0] =	vst.idx.msk $0xffff, v61  }
0xaa: {  	v61 =	vld [tilespmem:s0+$0xFFFFFFD0];
	v62 =	vadd.s32 v2, v42;
	[tilespmem:v51+s21+$0x0] =	vst.idx.msk $0xffff, v50  }
0xab: {  	v6 =	vadd.s32 v13, v43;
	[tilespmem:v63+s21+$0x0] =	vst.idx.msk $0xffff, v49;
	v63 =	vld [tilespmem:s0+$0x10]  }
0xac: {  	v2 =	vld [tilespmem:$0x1FF30];
	[tilespmem:v8+s21+$0x0] =	vst.idx.msk $0xffff, v56;
	v8 =	vadd.s32 v17, v44  }
0xad: {  	[tilespmem:v10+s21+$0x0] =	vst.idx.msk $0xffff, v9;
	v9 =	vld [tilespmem:s0+$0x90];
	v10 =	vadd.s32 v21, v47  }
0xae: {  	[tilespmem:v60+s21+$0x0] =	vst.idx.msk $0xffff, v11;
	v11 =	vld [tilespmem:s0+$0xD0];
	v60 =	vadd.s32 v25, v34  }
0xaf: {  	[tilespmem:v62+s21+$0x0] =	vst.idx.msk $0xffff, v61;
	v61 =	vld [tilespmem:s0+$0x110];
	v62 =	vadd.s32 v5, v35  }
0xb0: {  	v5 =	vadd.s32 v4, v36;
	[tilespmem:v6+s21+$0x0] =	vst.idx.msk $0xffff, v63;
	v63 =	vld [tilespmem:s0+$0x150]  }
0xb1: {  	[tilespmem:v8+s21+$0x0] =	vst.idx.msk $0xffff, v7;
	v6 =	vadd.s32 v3, v37;
	v3 =	vld [tilespmem:$0x1FFC0]  }
0xb2: {  	v7 =	vld [tilespmem:s0+$0xFFFFFE10];
	v8 =	vadd.s32 v13, v33;
	[tilespmem:v10+s21+$0x0] =	vst.idx.msk $0xffff, v9  }
0xb3: {  	v9 =	vld [tilespmem:s0+$0xFFFFFE60];
	v10 =	vadd.s32 v18, v45;
	[tilespmem:v60+s21+$0x0] =	vst.idx.msk $0xffff, v11  }
0xb4: {  	v11 =	vld [tilespmem:s0+$0xFFFFFEA0];
	v60 =	vadd.s32 v22, v46;
	[tilespmem:v62+s21+$0x0] =	vst.idx.msk $0xffff, v61  }
0xb5: {  	v61 =	vld [tilespmem:s0+$0xFFFFFEE0];
	v62 =	vadd.s32 v26, v40;
	[tilespmem:v5+s21+$0x0] =	vst.idx.msk $0xffff, v63  }
0xb6: {  	v63 =	vld [tilespmem:s0+$0xFFFFFF20];
	v4 =	vadd.s32 v3, v38;
	[tilespmem:v6+s21+$0x0] =	vst.idx.msk $0xffff, v54  }
0xb7: {  	[tilespmem:v8+s21+$0x0] =	vst.idx.msk $0xffff, v7;
	v5 =	vld [tilespmem:s0+$0xFFFFFF60];
	v6 =	vadd.s32 v27, v41  }
0xb8: {  	v7 =	vld [tilespmem:s0+$0xFFFFFFA0];
	v8 =	vadd.s32 v2, v39;
	[tilespmem:v10+s21+$0x0] =	vst.idx.msk $0xffff, v9  }
0xb9: {  	v9 =	vld [tilespmem:s0+$0xFFFFFFE0];
	v10 =	vadd.s32 v0, v42;
	[tilespmem:v60+s21+$0x0] =	vst.idx.msk $0xffff, v11  }
0xba: {  	v59 =	vadd.s32 v2, v37;
	v49 =	vld [tilespmem:s0+$0x1A0];
	[tilespmem:v62+s21+$0x0] =	vst.idx.msk $0xffff, v61  }
0xbb: {  	v11 =	vld [tilespmem:s0+$0x20];
	v60 =	vadd.s32 v14, v43;
	[tilespmem:v4+s21+$0x0] =	vst.idx.msk $0xffff, v63  }
0xbc: {  	v2 =	vadd.s32 v19, v45;
	v54 =	vld [tilespmem:s0+$0xFFFFFE70];
	[tilespmem:v6+s21+$0x0] =	vst.idx.msk $0xffff, v5  }
0xbd: {  	v61 =	vld [tilespmem:s0+$0x60];
	v62 =	vadd.s32 v18, v44;
	[tilespmem:v8+s21+$0x0] =	vst.idx.msk $0xffff, v7  }
0xbe: {  	v4 =	vld [tilespmem:s0+$0xA0];
	v5 =	vadd.s32 v22, v47;
	[tilespmem:v10+s21+$0x0] =	vst.idx.msk $0xffff, v9  }
0xbf: {  	s5 =	sadd.s32 $0x2, s1;
	v6 =	vld [tilespmem:s0+$0xE0];
	v7 =	vadd.s32 v26, v34;
	[tilespmem:v59+s21+$0x0] =	vst.idx.msk $0xffff, v49  }
0xc0: {  	v55 =	vmov s5;
	v8 =	vld [tilespmem:s0+$0x120];
	v9 =	vadd.s32 v3, v35;
	[tilespmem:v60+s21+$0x0] =	vst.idx.msk $0xffff, v11  }
0xc1: {  	s5 =	sadd.s32 $0x7, s1;
	v55 =	vshrl.u32 v55, $0x3;
	v63 =	vmov s1;
	v10 =	vld [tilespmem:s0+$0x160];
	v11 =	vadd.s32 v27, v36;
	[tilespmem:v2+s21+$0x0] =	vst.idx.msk $0xffff, v54  }
0xc2: {  	s16 =	sadd.s32 $0x4, s1;
	v52 =	vmov s5;
	s5 =	sadd.s32 $0xB, s1;
	v60 =	vld [tilespmem:s0+$0xFFFFFE20];
	[tilespmem:v62+s21+$0x0] =	vst.idx.msk $0xffff, v61;
	v61 =	vshrl.u32 v63, $0x3;
	v63 =	vadd.s32 v14, v33  }
0xc3: {  	s15 =	sadd.s32 $0x3, s1;
	v50 =	vmov s5;
	v56 =	vld [tilespmem:s0+$0xFFFFFEB0];
	v3 =	vmov s16;
	s16 =	sadd.s32 $0x8, s1;
	[tilespmem:v5+s21+$0x0] =	vst.idx.msk $0xffff, v4;
	v5 =	vadd.s32 v23, v46  }
0xc4: {  	s18 =	sadd.s32 $0x1, s1;
	v40 =	vadd.s32 v29, v40;
	v0 =	vmov s15;
	v53 =	vmov s16;
	s16 =	sadd.s32 $0xC, s1;
	[tilespmem:v7+s21+$0x0] =	vst.idx.msk $0xffff, v6;
	v7 =	vld [tilespmem:s0+$0xFFFFFEF0]  }
0xc5: {  	s17 =	sadd.s32 $0x5, s1;
	v51 =	vmov s16;
	v62 =	vmov s18;
	s18 =	sadd.s32 $0x6, s1;
	[tilespmem:v9+s21+$0x0] =	vst.idx.msk $0xffff, v8;
	v8 =	vld [tilespmem:s0+$0xFFFFFF30];
	v9 =	vadd.s32 v31, v38  }
0xc6: {  	p1 =	slt.u32 s1, $0x70;
	v4 =	vmov s17;
	v6 =	vmov s18;
	s17 =	sadd.s32 $0x9, s1;
	[tilespmem:v11+s21+$0x0] =	vst.idx.msk $0xffff, v10;
	v10 =	vld [tilespmem:s0+$0xFFFFFF70];
	v11 =	vadd.s32 v32, v41  }
.Ltmp2:
0xc7: {  	v57 =	vld [tilespmem:s0+$0xFFFFFFB0];
	s18 =	sadd.s32 $0xA, s1;
	v54 =	vshll.u32 v61, v1;
	v61 =	vadd.s32 v30, v42;
	v45 =	vmov s17;
	s17 =	sadd.s32 $0xD, s1;
	[tilespmem:v63+s21+$0x0] =	vst.idx.msk $0xffff, v60;
	(pc) =	sbr.rel @p1 .LBB2_3-.Ltmp2, $4  }
0xc8: {  	v58 =	vld [tilespmem:s0+$0xFFFFFFF0];
	v46 =	vmov s18;
	s18 =	sadd.s32 $0xE, s1;
	v38 =	vshrl.u32 v3, $0x3;
	v48 =	vmov s17;
	[tilespmem:v5+s21+$0x0] =	vst.idx.msk $0xffff, v56  }
0xc9: {  	v59 =	vld [tilespmem:s0+$0x30];
	v49 =	vmov s18;
	v41 =	vshrl.u32 v4, $0x3;
	v60 =	vadd.s32 v28, v39;
	[tilespmem:v40+s21+$0x0] =	vst.idx.msk $0xffff, v7  }
0xca: {  	v42 =	vld [tilespmem:s0+$0x70];
	v63 =	vadd.s32 v19, v44;
	v39 =	vshrl.u32 v6, $0x3;
	v44 =	vadd.s32 v23, v47;
	[tilespmem:v9+s21+$0x0] =	vst.idx.msk $0xffff, v8  }
0xcb: {  	s12 =	sadd.s32 $0xF, s1;
	s1 =	sadd.s32 $0x10, s1;
	v56 =	vshrl.u32 v62, $0x3;
	v62 =	vadd.s32 v15, v43;
	v40 =	vshrl.u32 v0, $0x3;
	v43 =	vld [tilespmem:s0+$0xB0];
	[tilespmem:v11+s21+$0x0] =	vst.idx.msk $0xffff, v10  }
0xcc: {  	_ =	sdelay $0x3  }
0xcd: {  	[tilespmem:v60+s21+$0x0] =	vst.idx.msk $0xffff, v57  }
0xce: {  	[tilespmem:v61+s21+$0x0] =	vst.idx.msk $0xffff, v58  }
0xcf: {  	[tilespmem:v62+s21+$0x0] =	vst.idx.msk $0xffff, v59  }
0xd0: {  	v3 =	vld [tilespmem:s0+$0xF0];
	[tilespmem:v63+s21+$0x0] =	vst.idx.msk $0xffff, v42  }
0xd1: {  	v4 =	vadd.s32 v29, v34;
	v6 =	vld [tilespmem:s0+$0x130];
	[tilespmem:v44+s21+$0x0] =	vst.idx.msk $0xffff, v43  }
0xd2: {  	v2 =	vmov s12;
	v7 =	vadd.s32 v31, v35;
	v58 =	vld [tilespmem:$0x1FF70]  }
0xd3: {  	v9 =	vld [tilespmem:s0+$0x170];
	v10 =	vadd.s32 v32, v36;
	v2 =	vshrl.u32 v2, $0x3  }
0xd4: {  	v60 =	vld [tilespmem:s0+$0x1B0];
	v34 =	vbroadcast v54, $0x0;
	v61 =	vadd.s32 v28, v37;
	v2 =	vshll.u32 v2, v1  }
0xd5: {  	v47 =	vadd.s32 v15, v33;
	s15 =	sadd.s32 $0x400, s0;
	v62 =	vshll.u32 v56, v1;
	v2 =	vbroadcast v2, $0x0;
	v63 =	vld [tilespmem:s0+$0xFFFFFE30]  }
0xd6: {  	v59 =	vadd.s32 v12, v34;
	v33 =	vbroadcast v62, $0x0;
	[tilespmem:v4+s21+$0x0] =	vst.idx.msk $0xffff, v3;
	v3 =	vld [tilespmem:s15+$0xFFFFFE00]  }
0xd7: {  	v43 =	vld [tilespmem:s15+$0x1C0];
	[tilespmem:v7+s21+$0x0] =	vst.idx.msk $0xffff, v6;
	v57 =	vadd.s32 v58, v2  }
0xd8: {  	v6 =	vld [tilespmem:s15+$0xFFFFFE40];
	v7 =	vadd.s32 v16, v33;
	[tilespmem:v10+s21+$0x0] =	vst.idx.msk $0xffff, v9  }
0xd9: {  	[tilespmem:v61+s21+$0x0] =	vst.idx.msk $0xffff, v60  }
0xda: {  	v55 =	vshll.u32 v55, v1;
	[tilespmem:v47+s21+$0x0] =	vst.idx.msk $0xffff, v63  }
0xdb: {  	v35 =	vbroadcast v55, $0x0;
	v61 =	vld [tilespmem:$0x1FFB0];
	[tilespmem:v59+s21+$0x0] =	vst.idx.msk $0xffff, v3  }
0xdc: {  	v54 =	vshll.u32 v40, v1;
	v56 =	vshll.u32 v41, v1;
	v9 =	vld [tilespmem:s15+$0xFFFFFE80];
	[tilespmem:v57+s21+$0x0] =	vst.idx.msk $0xffff, v43  }
0xdd: {  	v55 =	vshll.u32 v38, v1;
	v38 =	vbroadcast v56, $0x0;
	v10 =	vadd.s32 v20, v35;
	v56 =	vld [tilespmem:$0x1FF50];
	[tilespmem:v7+s21+$0x0] =	vst.idx.msk $0xffff, v6  }
0xde: {  	v36 =	vbroadcast v54, $0x0;
	v63 =	vld [tilespmem:$0x1FF90]  }
0xdf: {  	v11 =	vshrl.u32 v46, $0x3;
	v46 =	vld [tilespmem:s15+$0xFFFFFF00];
	v37 =	vbroadcast v55, $0x0  }
0xe0: {  	v8 =	vshrl.u32 v45, $0x3;
	v42 =	vld [tilespmem:s15+$0xFFFFFEC0];
	v45 =	vadd.s32 v24, v36  }
0xe1: {  	v47 =	vadd.s32 v61, v37;
	v57 =	vld [tilespmem:s15+$0xFFFFFF40]  }
0xe2: {  	v3 =	vld [tilespmem:s15+$0x1D0];
	[tilespmem:v10+s21+$0x0] =	vst.idx.msk $0xffff, v9;
	v4 =	vadd.s32 v56, v2  }
0xe3: {  	v54 =	vld [tilespmem:$0x1FF10];
	v59 =	vadd.s32 v63, v38  }
0xe4: {  	v0 =	vshrl.u32 v52, $0x3  }
0xe5: {  	v5 =	vshrl.u32 v53, $0x3;
	v39 =	vshll.u32 v39, v1;
	v0 =	vshll.u32 v0, v1;
	[tilespmem:v45+s21+$0x0] =	vst.idx.msk $0xffff, v42  }
0xe6: {  	v39 =	vbroadcast v39, $0x0;
	v40 =	vbroadcast v0, $0x0;
	v0 =	vshll.u32 v5, v1;
	[tilespmem:v47+s21+$0x0] =	vst.idx.msk $0xffff, v46  }
0xe7: {  	v50 =	vshrl.u32 v50, $0x3;
	v5 =	vld [tilespmem:s15+$0xFFFFFF80];
	v41 =	vbroadcast v0, $0x0;
	v0 =	vshll.u32 v8, v1;
	[tilespmem:v4+s21+$0x0] =	vst.idx.msk $0xffff, v3  }
0xe8: {  	v51 =	vshrl.u32 v51, $0x3;
	v42 =	vbroadcast v0, $0x0;
	v47 =	vld [tilespmem:s15+$0x0];
	v9 =	vadd.s32 v54, v39;
	[tilespmem:v59+s21+$0x0] =	vst.idx.msk $0xffff, v57  }
0xe9: {  	v55 =	vshll.u32 v50, v1;
	v0 =	vshrl.u32 v48, $0x3;
	v48 =	vadd.s32 v12, v41;
	v59 =	vld [tilespmem:$0x1FF60]  }
0xea: {  	v11 =	vshll.u32 v11, v1;
	v44 =	vbroadcast v55, $0x0;
	v60 =	vld [tilespmem:s15+$0x40];
	v62 =	vadd.s32 v16, v42  }
0xeb: {  	v8 =	vld [tilespmem:s15+$0xFFFFFFC0];
	v43 =	vbroadcast v11, $0x0;
	v10 =	vadd.s32 v58, v40;
	v3 =	vshll.u32 v51, v1  }
0xec: {  	v0 =	vshll.u32 v0, v1;
	v45 =	vbroadcast v3, $0x0;
	v3 =	vld [tilespmem:s15+$0xC0];
	v57 =	vadd.s32 v24, v44  }
0xed: {  	v49 =	vshrl.u32 v49, $0x3;
	v7 =	vadd.s32 v20, v43;
	v46 =	vbroadcast v0, $0x0;
	[tilespmem:v9+s21+$0x0] =	vst.idx.msk $0xffff, v5;
	v5 =	vld [tilespmem:s15+$0x80]  }
0xee: {  	v0 =	vshll.u32 v49, v1;
	v4 =	vld [tilespmem:s15+$0x1E0];
	[tilespmem:v48+s21+$0x0] =	vst.idx.msk $0xffff, v47;
	v6 =	vadd.s32 v59, v2  }
0xef: {  	v47 =	vbroadcast v0, $0x0;
	[tilespmem:v62+s21+$0x0] =	vst.idx.msk $0xffff, v60;
	v0 =	vld [tilespmem:s15+$0x140];
	v60 =	vadd.s32 v63, v46  }
0xf0: {  	[tilespmem:v10+s21+$0x0] =	vst.idx.msk $0xffff, v8;
	v9 =	vld [tilespmem:s15+$0x100];
	v10 =	vadd.s32 v61, v45  }
0xf1: {  	[tilespmem:v57+s21+$0x0] =	vst.idx.msk $0xffff, v3  }
0xf2: {  	v62 =	vld [tilespmem:s15+$0x180];
	v55 =	vadd.s32 v54, v47;
	[tilespmem:v7+s21+$0x0] =	vst.idx.msk $0xffff, v5  }
0xf3: {  	v5 =	vld [tilespmem:s15+$0xFFFFFE50];
	[tilespmem:v6+s21+$0x0] =	vst.idx.msk $0xffff, v4;
	v6 =	vadd.s32 v17, v33  }
0xf4: {  	v2 =	vadd.s32 v30, v2;
	[tilespmem:v60+s21+$0x0] =	vst.idx.msk $0xffff, v0;
	v4 =	vld [tilespmem:s15+$0x1F0]  }
0xf5: {  	[tilespmem:v10+s21+$0x0] =	vst.idx.msk $0xffff, v9  }
0xf6: {  	v51 =	vld [tilespmem:$0x1FFD0]  }
0xf7: {  	v8 =	vld [tilespmem:s15+$0xFFFFFED0];
	[tilespmem:v55+s21+$0x0] =	vst.idx.msk $0xffff, v62  }
0xf8: {  	v62 =	vld [tilespmem:$0x1FFA0];
	[tilespmem:v6+s21+$0x0] =	vst.idx.msk $0xffff, v5  }
0xf9: {  	v3 =	vld [tilespmem:s15+$0xFFFFFE90];
	v57 =	vadd.s32 v21, v35;
	[tilespmem:v2+s21+$0x0] =	vst.idx.msk $0xffff, v4  }
0xfa: {  	v9 =	vadd.s32 v25, v36;
	v49 =	vld [tilespmem:$0x1FF20]  }
0xfb: {  	v0 =	vld [tilespmem:s15+$0xFFFFFF10];
	v52 =	vadd.s32 v51, v37  }
0xfc: {  	v50 =	vadd.s32 v13, v41;
	v60 =	vld [tilespmem:s15+$0x10]  }
0xfd: {  	v53 =	vld [tilespmem:s15+$0xFFFFFF50];
	v55 =	vadd.s32 v62, v38  }
0xfe: {  	[tilespmem:v57+s21+$0x0] =	vst.idx.msk $0xffff, v3;
	v3 =	vld [tilespmem:s15+$0xFFFFFFD0];
	v57 =	vadd.s32 v56, v40  }
0xff: {  	v2 =	vld [tilespmem:s15+$0xFFFFFF90];
	[tilespmem:v9+s21+$0x0] =	vst.idx.msk $0xffff, v8;
	v4 =	vadd.s32 v49, v39  }
0x100: {  	[tilespmem:v52+s21+$0x0] =	vst.idx.msk $0xffff, v0;
	v0 =	vld [tilespmem:s15+$0x50];
	v52 =	vadd.s32 v17, v42  }
0x101: {  	v6 =	vld [tilespmem:s15+$0x150];
	[tilespmem:v50+s21+$0x0] =	vst.idx.msk $0xffff, v60;
	v7 =	vadd.s32 v62, v46  }
0x102: {  	[tilespmem:v55+s21+$0x0] =	vst.idx.msk $0xffff, v53;
	v53 =	vld [tilespmem:s15+$0x90];
	v55 =	vadd.s32 v21, v43  }
0x103: {  	[tilespmem:v57+s21+$0x0] =	vst.idx.msk $0xffff, v3;
	v3 =	vld [tilespmem:s15+$0x110];
	v57 =	vadd.s32 v51, v45  }
0x104: {  	[tilespmem:v4+s21+$0x0] =	vst.idx.msk $0xffff, v2;
	v2 =	vld [tilespmem:s15+$0xD0];
	v4 =	vadd.s32 v25, v44  }
0x105: {  	v8 =	vadd.s32 v49, v47;
	[tilespmem:v52+s21+$0x0] =	vst.idx.msk $0xffff, v0;
	v0 =	vld [tilespmem:s15+$0x190]  }
0x106: {  	v60 =	vld [tilespmem:s15+$0xFFFFFE10];
	[tilespmem:v7+s21+$0x0] =	vst.idx.msk $0xffff, v6;
	v52 =	vadd.s32 v13, v34  }
0x107: {  	[tilespmem:v55+s21+$0x0] =	vst.idx.msk $0xffff, v53;
	v53 =	vld [tilespmem:s15+$0xFFFFFE60];
	v55 =	vadd.s32 v18, v33  }
0x108: {  	[tilespmem:v57+s21+$0x0] =	vst.idx.msk $0xffff, v3;
	v3 =	vld [tilespmem:s15+$0xFFFFFEE0]  }
0x109: {  	v57 =	vadd.s32 v26, v36;
	[tilespmem:v4+s21+$0x0] =	vst.idx.msk $0xffff, v2;
	v2 =	vld [tilespmem:s15+$0xFFFFFEA0]  }
0x10a: {  	v4 =	vadd.s32 v22, v35;
	v50 =	vld [tilespmem:$0x1FFC0];
	[tilespmem:v8+s21+$0x0] =	vst.idx.msk $0xffff, v0  }
0x10b: {  	[tilespmem:v52+s21+$0x0] =	vst.idx.msk $0xffff, v60  }
0x10c: {  	v0 =	vld [tilespmem:s15+$0xFFFFFF60];
	v8 =	vadd.s32 v27, v38;
	[tilespmem:v55+s21+$0x0] =	vst.idx.msk $0xffff, v53  }
0x10d: {  	v55 =	vld [tilespmem:$0x1FF30]  }
0x10e: {  	[tilespmem:v57+s21+$0x0] =	vst.idx.msk $0xffff, v3;
	v3 =	vld [tilespmem:s15+$0x20];
	v57 =	vadd.s32 v14, v41  }
0x10f: {  	v53 =	vadd.s32 v59, v40;
	[tilespmem:v4+s21+$0x0] =	vst.idx.msk $0xffff, v2;
	v2 =	vld [tilespmem:s15+$0xFFFFFFE0]  }
0x110: {  	v6 =	vld [tilespmem:s15+$0xFFFFFF20];
	v7 =	vadd.s32 v50, v37  }
0x111: {  	[tilespmem:v8+s21+$0x0] =	vst.idx.msk $0xffff, v0;
	v0 =	vld [tilespmem:s15+$0xA0];
	v8 =	vadd.s32 v22, v43  }
0x112: {  	v60 =	vld [tilespmem:s15+$0xFFFFFFA0];
	v52 =	vadd.s32 v55, v39  }
0x113: {  	[tilespmem:v57+s21+$0x0] =	vst.idx.msk $0xffff, v3;
	v3 =	vld [tilespmem:s15+$0x160];
	v57 =	vadd.s32 v27, v46  }
0x114: {  	[tilespmem:v53+s21+$0x0] =	vst.idx.msk $0xffff, v2;
	v2 =	vld [tilespmem:s15+$0x120];
	v53 =	vadd.s32 v50, v45  }
0x115: {  	v48 =	vadd.s32 v18, v42;
	[tilespmem:v7+s21+$0x0] =	vst.idx.msk $0xffff, v6;
	v6 =	vld [tilespmem:s15+$0x60]  }
0x116: {  	[tilespmem:v8+s21+$0x0] =	vst.idx.msk $0xffff, v0;
	v0 =	vld [tilespmem:s15+$0xFFFFFE70];
	v8 =	vadd.s32 v19, v33  }
0x117: {  	[tilespmem:v52+s21+$0x0] =	vst.idx.msk $0xffff, v60;
	v60 =	vld [tilespmem:s15+$0xE0];
	v52 =	vadd.s32 v26, v44  }
0x118: {  	[tilespmem:v57+s21+$0x0] =	vst.idx.msk $0xffff, v3;
	v3 =	vld [tilespmem:s15+$0xFFFFFF30];
	v57 =	vadd.s32 v31, v37  }
0x119: {  	[tilespmem:v53+s21+$0x0] =	vst.idx.msk $0xffff, v2;
	v2 =	vld [tilespmem:s15+$0xFFFFFEF0];
	v53 =	vadd.s32 v29, v36  }
0x11a: {  	v7 =	vadd.s32 v55, v47;
	[tilespmem:v48+s21+$0x0] =	vst.idx.msk $0xffff, v6;
	v6 =	vld [tilespmem:s15+$0x1A0]  }
0x11b: {  	v11 =	vld [tilespmem:s15+$0xFFFFFE20];
	v48 =	vadd.s32 v14, v34;
	[tilespmem:v8+s21+$0x0] =	vst.idx.msk $0xffff, v0  }
0x11c: {  	v36 =	vadd.s32 v28, v39;
	v0 =	vld [tilespmem:s15+$0xFFFFFFB0];
	[tilespmem:v52+s21+$0x0] =	vst.idx.msk $0xffff, v60  }
0x11d: {  	v60 =	vld [tilespmem:s15+$0xFFFFFEB0];
	v52 =	vadd.s32 v23, v35;
	[tilespmem:v57+s21+$0x0] =	vst.idx.msk $0xffff, v3  }
0x11e: {  	v33 =	vld [tilespmem:s15+$0xFFFFFF70];
	v35 =	vadd.s32 v32, v38;
	[tilespmem:v53+s21+$0x0] =	vst.idx.msk $0xffff, v2  }
0x11f: {  	v37 =	vld [tilespmem:s15+$0xFFFFFFF0];
	v38 =	vadd.s32 v30, v40;
	[tilespmem:v7+s21+$0x0] =	vst.idx.msk $0xffff, v6  }
0x120: {  	v3 =	vld [tilespmem:s15+$0x70];
	v40 =	vadd.s32 v19, v42;
	[tilespmem:v48+s21+$0x0] =	vst.idx.msk $0xffff, v11  }
0x121: {  	v39 =	vadd.s32 v15, v41;
	v41 =	vld [tilespmem:s15+$0xB0];
	v42 =	vadd.s32 v23, v43;
	[tilespmem:v36+s21+$0x0] =	vst.idx.msk $0xffff, v0  }
0x122: {  	v2 =	vld [tilespmem:s15+$0x30];
	[tilespmem:v52+s21+$0x0] =	vst.idx.msk $0xffff, v60  }
0x123: {  	v43 =	vadd.s32 v29, v44;
	v0 =	vld [tilespmem:s15+$0xF0];
	[tilespmem:v35+s21+$0x0] =	vst.idx.msk $0xffff, v33  }
0x124: {  	v44 =	vld [tilespmem:s15+$0x130];
	v48 =	vadd.s32 v31, v45;
	[tilespmem:v38+s21+$0x0] =	vst.idx.msk $0xffff, v37  }
0x125: {  	v53 =	vadd.s32 v28, v47;
	[tilespmem:v40+s21+$0x0] =	vst.idx.msk $0xffff, v3;
	v3 =	vld [tilespmem:s15+$0x1B0]  }
0x126: {  	v57 =	vadd.s32 v15, v34;
	v11 =	vld [tilespmem:s15+$0xFFFFFE30];
	[tilespmem:v42+s21+$0x0] =	vst.idx.msk $0xffff, v41  }
0x127: {  	v52 =	vadd.s32 v32, v46;
	[tilespmem:v39+s21+$0x0] =	vst.idx.msk $0xffff, v2;
	v2 =	vld [tilespmem:s15+$0x170]  }
0x128: {  	[tilespmem:v43+s21+$0x0] =	vst.idx.msk $0xffff, v0  }
0x129: {  	[tilespmem:v48+s21+$0x0] =	vst.idx.msk $0xffff, v44  }
0x12a: {  	s16 =	sshll.u32 s30, $0x11;
	[tilespmem:v53+s21+$0x0] =	vst.idx.msk $0xffff, v3  }
0x12b: {  	s0 =	sor.u32 s6, s16;
	[tilespmem:v57+s21+$0x0] =	vst.idx.msk $0xffff, v11  }
0x12c: {  	s1 =	simm.s32 $0xE400;
	s12 =	sadd.s32 s2, s0;
	[tilespmem:v52+s21+$0x0] =	vst.idx.msk $0xffff, v2  }
0x12d: {  	[hbm4b:s12+s3] =	stream.linear.scatter [tilespmem:s1], [sflag:$0x5], $0x80, $0x38;
	[tilespmem:$0x12800] =	vst v63  }
0x12e: {  	s17 =	simm.s32 $0xE488;
	s15 =	sadd.s32 $0x10, s12  }
0x12f: {  	[hbm4b:s15+s3] =	stream.linear.scatter [tilespmem:s17], [sflag:$0x5], $0x80, $0x38;
	[tilespmem:$0x12800] =	vst v63  }
0x130: {  	s18 =	simm.s32 $0xE510;
	s5 =	sadd.s32 $0x20, s12  }
0x131: {  	[hbm4b:s5+s3] =	stream.linear.scatter [tilespmem:s18], [sflag:$0x5], $0x80, $0x38;
	[tilespmem:$0x12800] =	vst v63  }
0x132: {  	s16 =	simm.s32 $0xE598;
	s17 =	sadd.s32 $0x30, s12  }
0x133: {  	[hbm4b:s17+s3] =	stream.linear.scatter [tilespmem:s16], [sflag:$0x5], $0x80, $0x38;
	[tilespmem:$0x12800] =	vst v63  }
0x134: {  	s18 =	simm.s32 $0xE620;
	s5 =	sadd.s32 $0x40, s12  }
0x135: {  	[hbm4b:s5+s3] =	stream.linear.scatter [tilespmem:s18], [sflag:$0x5], $0x80, $0x38;
	[tilespmem:$0x12800] =	vst v63  }
0x136: {  	s1 =	simm.s32 $0x440;
	s15 =	simm.s32 $0xE6A8;
	s16 =	sadd.s32 $0x50, s12  }
0x137: {  	[hbm4b:s16+s3] =	stream.linear.scatter [tilespmem:s15], [sflag:$0x5], $0x80, $0x38;
	[tilespmem:$0x12800] =	vst v63  }
0x138: {  	s17 =	simm.s32 $0xE730;
	s18 =	sadd.s32 $0x60, s12;
	s15 =	simm.s32 $0x2200  }
0x139: {  	v14 =	vmovc v61;
	v15 =	vmov v32;
	v60 =	vmov v30;
	v30 =	vmov v50;
	[hbm4b:s18+s3] =	stream.linear.scatter [tilespmem:s17], [sflag:$0x5], $0x80, $0x38;
	[tilespmem:$0x12800] =	vst v63  }
0x13a: {  	v32 =	vmovc v28;
	v57 =	vmovc v29;
	v29 =	vmov v51;
	v53 =	vmov v54;
	v54 =	vmov v49;
	s16 =	simm.s32 $0xE7B8;
	s17 =	sadd.s32 $0x70, s12;
	s12 =	sadd.s32 $0x1000, s12  }
.LBB2_5:
0x13b: {  	[hbm4b:s17+s3] =	stream.linear.scatter [tilespmem:s16], [sflag:$0x5], $0x80, $0x38;
	[tilespmem:$0x12800] =	vst v63  }
0x13c: {  	s16 =	smov.u32 s1;
	s1 =	smov.u32 s15  }
0x13d: {  	s18 =	sadd.s32 $0x1100, s15;
	s1 =	sshra.s32 s1, $0x2;
	s17 =	sadd.s32 $0xE400, s16  }
0x13e: {  	[hbm4b:s12+s3] =	stream.linear.scatter [tilespmem:s17], [sflag:$0x5], $0x80, $0x38;
	[tilespmem:$0x12800] =	vst v63  }
0x13f: {  	p1 =	sne.s32 s15, $0x7700;
	s15 =	sadd.s32 $0xE488, s16;
	s17 =	sadd.s32 $0x10, s12  }
0x140: {  	[hbm4b:s17+s3] =	stream.linear.scatter [tilespmem:s15], [sflag:$0x5], $0x80, $0x38;
	[tilespmem:$0x12800] =	vst v63  }
0x141: {  	s15 =	sadd.s32 $0xE510, s16;
	s17 =	sadd.s32 $0x20, s12  }
0x142: {  	[hbm4b:s17+s3] =	stream.linear.scatter [tilespmem:s15], [sflag:$0x5], $0x80, $0x38;
	[tilespmem:$0x12800] =	vst v63  }
0x143: {  	s15 =	sadd.s32 $0xE598, s16;
	s17 =	sadd.s32 $0x30, s12  }
0x144: {  	[hbm4b:s17+s3] =	stream.linear.scatter [tilespmem:s15], [sflag:$0x5], $0x80, $0x38;
	[tilespmem:$0x12800] =	vst v63  }
0x145: {  	s15 =	sadd.s32 $0xE620, s16;
	s17 =	sadd.s32 $0x40, s12  }
0x146: {  	[hbm4b:s17+s3] =	stream.linear.scatter [tilespmem:s15], [sflag:$0x5], $0x80, $0x38;
	[tilespmem:$0x12800] =	vst v63  }
.Ltmp3:
0x147: {  	s15 =	sadd.s32 $0xE6A8, s16;
	s17 =	sadd.s32 $0x50, s12;
	(pc) =	sbr.rel @p1 .LBB2_5-.Ltmp3, $4  }
0x148: {  	[hbm4b:s17+s3] =	stream.linear.scatter [tilespmem:s15], [sflag:$0x5], $0x80, $0x38;
	[tilespmem:$0x12800] =	vst v63  }
0x149: {  	s15 =	sadd.s32 $0xE730, s16;
	s17 =	sadd.s32 $0x60, s12;
	s16 =	sadd.s32 $0xE7B8, s16  }
0x14a: {  	[hbm4b:s17+s3] =	stream.linear.scatter [tilespmem:s15], [sflag:$0x5], $0x80, $0x38;
	[tilespmem:$0x12800] =	vst v63  }
0x14b: {  	s17 =	sadd.s32 $0x70, s12;
	s12 =	sadd.s32 $0x1000, s12;
	s15 =	smov.u32 s18  }
0x14c: {  	[hbm4b:s17+s3] =	stream.linear.scatter [tilespmem:s16], [sflag:$0x5], $0x80, $0x38;
	[tilespmem:$0x12800] =	vst v63  }
0x14d: {  	s15 =	sadd.s32 $0xE400, s1  }
0x14e: {  	[hbm4b:s12+s3] =	stream.linear.scatter [tilespmem:s15], [sflag:$0x5], $0x80, $0x38;
	[tilespmem:$0x12800] =	vst v63  }
0x14f: {  	s16 =	sadd.s32 $0xE488, s1;
	s17 =	sadd.s32 $0x10, s12  }
0x150: {  	[hbm4b:s17+s3] =	stream.linear.scatter [tilespmem:s16], [sflag:$0x5], $0x80, $0x38;
	[tilespmem:$0x12800] =	vst v63  }
0x151: {  	s18 =	sadd.s32 $0xE510, s1;
	s5 =	sadd.s32 $0x20, s12  }
0x152: {  	[hbm4b:s5+s3] =	stream.linear.scatter [tilespmem:s18], [sflag:$0x5], $0x80, $0x38;
	[tilespmem:$0x12800] =	vst v63  }
0x153: {  	s16 =	sadd.s32 $0xE598, s1;
	s17 =	sadd.s32 $0x30, s12  }
0x154: {  	[hbm4b:s17+s3] =	stream.linear.scatter [tilespmem:s16], [sflag:$0x5], $0x80, $0x38;
	[tilespmem:$0x12800] =	vst v63  }
0x155: {  	s18 =	sadd.s32 $0xE620, s1;
	s5 =	sadd.s32 $0x40, s12  }
0x156: {  	[hbm4b:s5+s3] =	stream.linear.scatter [tilespmem:s18], [sflag:$0x5], $0x80, $0x38;
	[tilespmem:$0x12800] =	vst v63  }
0x157: {  	p1 =	sne.s32 s30, $0x31;
	s16 =	sadd.s32 $0xE6A8, s1;
	s17 =	sadd.s32 $0x50, s12  }
0x158: {  	[hbm4b:s17+s3] =	stream.linear.scatter [tilespmem:s16], [sflag:$0x5], $0x80, $0x38;
	[tilespmem:$0x12800] =	vst v63  }
.Ltmp4:
0x159: {  	_ = 	snop;
	(pc) =	sbr.rel @p1 .LBB2_8-.Ltmp4, $4  }
0x15a: {  	s18 =	sadd.s32 $0xE730, s1;
	s5 =	sadd.s32 $0x60, s12  }
0x15b: {  	[hbm4b:s5+s3] =	stream.linear.scatter [tilespmem:s18], [sflag:$0x5], $0x80, $0x38;
	[tilespmem:$0x12800] =	vst v63  }
0x15c: {  	s17 =	sadd.s32 $0xE7B8, s1;
	s18 =	sadd.s32 $0x70, s12  }
0x15d: {  	[hbm4b:s18+s3] =	stream.linear.scatter [tilespmem:s17], [sflag:$0x5], $0x80, $0x38;
	[tilespmem:$0x12800] =	vst v63  }
.Ltmp5:
0x15e: {  	(pc) =	sbr.rel .LBB2_9-.Ltmp5, $4  }
0x15f: {  	_ = 	snop  }
0x160: {  	_ =	swait.ge [sflag:s22], $0x2000  }
0x161: {  	[sflag:s22] =	ssyncset.done $0x0  }
0x162: {  	[sflag:s22] =	ssyncadd.s32 $0xFFFFE000  }
.LBB2_8:
0x163: {  	s1 =	sshrl.u32 s31, $0x2  }
.Ltmp6:
0x164: {  	s1 =	sadd.s32 $0x200, s1;
	(pc) =	sbr.rel @p0 .LBB2_10-.Ltmp6, $4  }
0x165: {  	[tilespmem:s14], [sflag:$0x1] =	stream.indirect.gather [hbm4b:s4+s11], $0x40, s1, s11, $0xb8;
	[tilespmem:$0x12800] =	vst v63  }
0x166: {  	_ =	swait.ge [sflag:s22], $0x2000  }
0x167: {  	[sflag:s22] =	ssyncset.done $0x0  }
0x168: {  	[sflag:s22] =	ssyncadd.s32 $0xFFFFE000  }
.LBB2_9:
0x169: {  	_ =	swait.ge [sflag:s23], $0x2000  }
0x16a: {  	[sflag:s23] =	ssyncset.done $0x0  }
0x16b: {  	[sflag:s23] =	ssyncadd.s32 $0xFFFFE000  }
.LBB2_10:
0x16c: {  	s1 =	simm.s32 $0x0  }
0x16d: {  	s15 =	simm.s32 $0x1;
	s16 =	simm.s32 $0x2;
	s12 =	simm.s32 $0x3;
	v0 =	vmov s1  }
0x16e: {  	s17 =	simm.s32 $0x5;
	s18 =	simm.s32 $0x6;
	s5 =	simm.s32 $0x7;
	v2 =	vmov s15;
	v3 =	vmov s16;
	v4 =	vmov s12  }
0x16f: {  	s15 =	simm.s32 $0x4;
	v6 =	vmov s17;
	v7 =	vmov s18;
	v8 =	vmov s5;
	s12 =	simm.s32 $0x8  }
0x170: {  	s16 =	simm.s32 $0xA;
	s17 =	simm.s32 $0xB;
	s18 =	simm.s32 $0xC;
	v0 =	vshrl.u32 v0, $0x3;
	v5 =	vmov s15;
	v9 =	vmov s12  }
0x171: {  	s5 =	simm.s32 $0xD;
	v11 =	vmov s16;
	v34 =	vmov s17;
	v35 =	vmov s18  }
0x172: {  	s15 =	simm.s32 $0x9;
	v36 =	vmov s5;
	v2 =	vshrl.u32 v2, $0x3;
	v3 =	vshrl.u32 v3, $0x3  }
0x173: {  	v4 =	vshrl.u32 v4, $0x3;
	v6 =	vshrl.u32 v6, $0x3;
	v10 =	vmov s15;
	s15 =	simm.s32 $0xF  }
0x174: {  	s12 =	simm.s32 $0xE;
	v7 =	vshrl.u32 v7, $0x3;
	v8 =	vshrl.u32 v8, $0x3;
	v33 =	vmov s15  }
0x175: {  	v0 =	vshll.u32 v0, v1;
	v37 =	vmov s12;
	v33 =	vshrl.u32 v33, $0x3  }
0x176: {  	v5 =	vshrl.u32 v5, $0x3;
	v9 =	vshrl.u32 v9, $0x3;
	v33 =	vshll.u32 v33, v1  }
0x177: {  	v11 =	vshrl.u32 v11, $0x3;
	v6 =	vshll.u32 v6, v1;
	v48 =	vbroadcast v33, $0x0  }
0x178: {  	s1 =	simm.s32 $0x87F0;
	v35 =	vshrl.u32 v35, $0x3;
	v33 =	vbroadcast v0, $0x0;
	v0 =	vshll.u32 v2, v1  }
0x179: {  	v2 =	vld [tilespmem:s1+$0xFFFFFFD0];
	v47 =	vbroadcast v0, $0x0;
	v0 =	vshll.u32 v3, v1;
	v3 =	vadd.s32 v58, v48  }
0x17a: {  	v38 =	vld [tilespmem:s1+$0xFFFFFC10];
	v41 =	vadd.s32 v12, v33;
	v46 =	vbroadcast v0, $0x0;
	v0 =	vshll.u32 v4, v1  }
0x17b: {  	v4 =	vld [tilespmem:s1+$0xFFFFFC50];
	v42 =	vadd.s32 v16, v47;
	v45 =	vbroadcast v0, $0x0;
	v0 =	vshll.u32 v5, v1  }
0x17c: {  	v61 =	vld [tilespmem:s1+$0xFFFFFC90];
	v52 =	vshll.u32 v7, v1;
	v43 =	vadd.s32 v20, v46;
	v39 =	vbroadcast v0, $0x0  }
0x17d: {  	v10 =	vshrl.u32 v10, $0x3;
	v0 =	vshrl.u32 v34, $0x3;
	v34 =	vld [tilespmem:s1+$0xFFFFFCD0];
	v44 =	vadd.s32 v24, v45  }
0x17e: {  	v49 =	vld [tilespmem:s1+$0xFFFFFD10];
	v40 =	vbroadcast v6, $0x0;
	v11 =	vshll.u32 v11, v1;
	v50 =	vadd.s32 v14, v39;
	[tilespmem:v3+s24+$0x0] =	vst.idx.msk $0xffff, v2  }
0x17f: {  	v6 =	vadd.s32 v56, v48;
	[tilespmem:v41+s24+$0x0] =	vst.idx.msk $0xffff, v38;
	v38 =	vbroadcast v52, $0x0;
	v2 =	vshll.u32 v8, v1;
	v3 =	vld [tilespmem:s1+$0xFFFFFFE0]  }
0x180: {  	v7 =	vadd.s32 v63, v40;
	[tilespmem:v42+s24+$0x0] =	vst.idx.msk $0xffff, v4;
	v4 =	vld [tilespmem:s1+$0xFFFFFD50];
	v41 =	vbroadcast v2, $0x0;
	v2 =	vshll.u32 v9, v1  }
0x181: {  	v5 =	vld [tilespmem:s1+$0xFFFFFD90];
	[tilespmem:v43+s24+$0x0] =	vst.idx.msk $0xffff, v61;
	v61 =	vadd.s32 v53, v38;
	v42 =	vbroadcast v2, $0x0;
	v2 =	vshll.u32 v10, v1  }
0x182: {  	v0 =	vshll.u32 v0, v1;
	v9 =	vld [tilespmem:s1+$0xFFFFFDD0];
	[tilespmem:v44+s24+$0x0] =	vst.idx.msk $0xffff, v34;
	v10 =	vadd.s32 v58, v41;
	v43 =	vbroadcast v2, $0x0  }
0x183: {  	v2 =	vshrl.u32 v36, $0x3;
	v34 =	vbroadcast v0, $0x0;
	[tilespmem:v50+s24+$0x0] =	vst.idx.msk $0xffff, v49;
	v49 =	vld [tilespmem:s1+$0xFFFFFE10];
	v58 =	vadd.s32 v12, v42  }
0x184: {  	v51 =	vld [tilespmem:s1+$0xFFFFFE50];
	v44 =	vbroadcast v11, $0x0;
	v0 =	vshll.u32 v35, v1;
	v52 =	vadd.s32 v16, v43;
	[tilespmem:v6+s24+$0x0] =	vst.idx.msk $0xffff, v3  }
0x185: {  	v35 =	vbroadcast v0, $0x0;
	v0 =	vshll.u32 v2, v1;
	v2 =	vld [tilespmem:s1+$0xFFFFFED0];
	[tilespmem:v7+s24+$0x0] =	vst.idx.msk $0xffff, v4;
	v7 =	vadd.s32 v24, v34  }
0x186: {  	v37 =	vshrl.u32 v37, $0x3;
	v4 =	vadd.s32 v59, v48;
	v3 =	vld [tilespmem:s1+$0xFFFFFFF0];
	[tilespmem:v61+s24+$0x0] =	vst.idx.msk $0xffff, v5  }
0x187: {  	v36 =	vbroadcast v0, $0x0;
	v0 =	vshll.u32 v37, v1;
	v5 =	vld [tilespmem:s1+$0xFFFFFE90];
	v61 =	vadd.s32 v20, v44;
	[tilespmem:v10+s24+$0x0] =	vst.idx.msk $0xffff, v9  }
0x188: {  	v8 =	vld [tilespmem:s1+$0xFFFFFF10];
	v37 =	vbroadcast v0, $0x0;
	v9 =	vadd.s32 v14, v35;
	[tilespmem:v58+s24+$0x0] =	vst.idx.msk $0xffff, v49  }
0x189: {  	v0 =	vld [tilespmem:s1+$0xFFFFFF50];
	v58 =	vadd.s32 v63, v36;
	[tilespmem:v52+s24+$0x0] =	vst.idx.msk $0xffff, v51  }
0x18a: {  	v11 =	vld [tilespmem:s1+$0xFFFFFF90];
	v49 =	vadd.s32 v53, v37;
	[tilespmem:v7+s24+$0x0] =	vst.idx.msk $0xffff, v2  }
0x18b: {  	v53 =	vadd.s32 v25, v45;
	v52 =	vld [tilespmem:s1+$0xFFFFFCE0];
	[tilespmem:v4+s24+$0x0] =	vst.idx.msk $0xffff, v3  }
0x18c: {  	v2 =	vld [tilespmem:s1+$0xFFFFFCA0];
	v7 =	vadd.s32 v21, v46;
	[tilespmem:v61+s24+$0x0] =	vst.idx.msk $0xffff, v5  }
0x18d: {  	v6 =	vadd.s32 v17, v47;
	v5 =	vld [tilespmem:s1+$0xFFFFFC60];
	[tilespmem:v9+s24+$0x0] =	vst.idx.msk $0xffff, v8  }
0x18e: {  	v4 =	vadd.s32 v60, v48;
	v3 =	vld [tilespmem:s1+$0x0];
	[tilespmem:v58+s24+$0x0] =	vst.idx.msk $0xffff, v0  }
0x18f: {  	v63 =	vadd.s32 v62, v40;
	v61 =	vmov v60;
	v60 =	vld [tilespmem:s1+$0xFFFFFD60];
	[tilespmem:v49+s24+$0x0] =	vst.idx.msk $0xffff, v11  }
0x190: {  	v0 =	vld [tilespmem:s1+$0xFFFFFD20];
	v58 =	vadd.s32 v29, v39;
	[tilespmem:v53+s24+$0x0] =	vst.idx.msk $0xffff, v52  }
0x191: {  	v50 =	vadd.s32 v56, v41;
	v56 =	vadd.s32 v21, v44;
	v9 =	vld [tilespmem:s1+$0xFFFFFEA0];
	[tilespmem:v7+s24+$0x0] =	vst.idx.msk $0xffff, v2  }
0x192: {  	v2 =	vld [tilespmem:s1+$0xFFFFFDE0];
	[tilespmem:v6+s24+$0x0] =	vst.idx.msk $0xffff, v5  }
0x193: {  	v49 =	vadd.s32 v54, v38;
	[tilespmem:v4+s24+$0x0] =	vst.idx.msk $0xffff, v3;
	v3 =	vld [tilespmem:s1+$0xFFFFFDA0]  }
0x194: {  	v51 =	vld [tilespmem:s1+$0xFFFFFE20];
	v52 =	vadd.s32 v13, v42;
	[tilespmem:v63+s24+$0x0] =	vst.idx.msk $0xffff, v60  }
0x195: {  	v53 =	vadd.s32 v17, v43;
	[tilespmem:v58+s24+$0x0] =	vst.idx.msk $0xffff, v0;
	v0 =	vld [tilespmem:s1+$0xFFFFFE60]  }
0x196: {  	v6 =	vld [tilespmem:s1+$0xFFFFFF60];
	v63 =	vadd.s32 v62, v36;
	[tilespmem:v56+s24+$0x0] =	vst.idx.msk $0xffff, v9  }
0x197: {  	v60 =	vadd.s32 v29, v35;
	[tilespmem:v50+s24+$0x0] =	vst.idx.msk $0xffff, v2;
	v2 =	vld [tilespmem:s1+$0xFFFFFF20]  }
0x198: {  	v58 =	vadd.s32 v25, v34;
	[tilespmem:v49+s24+$0x0] =	vst.idx.msk $0xffff, v3;
	v3 =	vld [tilespmem:s1+$0xFFFFFEE0]  }
0x199: {  	v8 =	vadd.s32 v54, v37;
	v54 =	vld [tilespmem:s1+$0xFFFFFC70];
	v56 =	vadd.s32 v18, v47;
	[tilespmem:v52+s24+$0x0] =	vst.idx.msk $0xffff, v51  }
0x19a: {  	[tilespmem:v53+s24+$0x0] =	vst.idx.msk $0xffff, v0;
	v0 =	vld [tilespmem:s1+$0xFFFFFFA0]  }
0x19b: {  	v52 =	vld [tilespmem:s1+$0xFFFFFC20];
	[tilespmem:v63+s24+$0x0] =	vst.idx.msk $0xffff, v6;
	v53 =	vadd.s32 v13, v33  }
0x19c: {  	[tilespmem:v60+s24+$0x0] =	vst.idx.msk $0xffff, v2;
	v2 =	vld [tilespmem:s1+$0xFFFFFCF0];
	v60 =	vadd.s32 v26, v45  }
0x19d: {  	[tilespmem:v58+s24+$0x0] =	vst.idx.msk $0xffff, v3;
	v3 =	vld [tilespmem:s1+$0xFFFFFCB0];
	v58 =	vadd.s32 v22, v46  }
0x19e: {  	[tilespmem:v56+s24+$0x0] =	vst.idx.msk $0xffff, v54  }
0x19f: {  	[tilespmem:v8+s24+$0x0] =	vst.idx.msk $0xffff, v0  }
0x1a0: {  	v63 =	vld [tilespmem:s1+$0xFFFFFD30];
	[tilespmem:v53+s24+$0x0] =	vst.idx.msk $0xffff, v52  }
0x1a1: {  	v49 =	vadd.s32 v30, v39;
	v51 =	vld [tilespmem:s1+$0xFFFFFDB0];
	[tilespmem:v60+s24+$0x0] =	vst.idx.msk $0xffff, v2  }
0x1a2: {  	v50 =	vadd.s32 v27, v40;
	v0 =	vld [tilespmem:s1+$0xFFFFFD70];
	[tilespmem:v58+s24+$0x0] =	vst.idx.msk $0xffff, v3  }
0x1a3: {  	v28 =	vmov v14;
	v52 =	vadd.s32 v55, v38;
	v14 =	vld [tilespmem:$0x1FFF0]  }
0x1a4: {  	v56 =	vld [tilespmem:s1+$0xFFFFFE70];
	v60 =	vadd.s32 v18, v43  }
0x1a5: {  	v53 =	vadd.s32 v59, v41;
	v3 =	vld [tilespmem:s1+$0xFFFFFDF0]  }
0x1a6: {  	v9 =	vld [tilespmem:s1+$0xFFFFFEF0];
	v58 =	vadd.s32 v26, v34;
	[tilespmem:v49+s24+$0x0] =	vst.idx.msk $0xffff, v63  }
0x1a7: {  	[tilespmem:v50+s24+$0x0] =	vst.idx.msk $0xffff, v0;
	v0 =	vld [tilespmem:s1+$0xFFFFFEB0];
	v63 =	vadd.s32 v22, v44  }
0x1a8: {  	v2 =	vld [tilespmem:s1+$0xFFFFFE30];
	[tilespmem:v52+s24+$0x0] =	vst.idx.msk $0xffff, v51;
	v54 =	vadd.s32 v14, v42  }
0x1a9: {  	[tilespmem:v60+s24+$0x0] =	vst.idx.msk $0xffff, v56  }
0x1aa: {  	[tilespmem:v53+s24+$0x0] =	vst.idx.msk $0xffff, v3  }
0x1ab: {  	[tilespmem:v58+s24+$0x0] =	vst.idx.msk $0xffff, v9  }
0x1ac: {  	v6 =	vld [tilespmem:s1+$0xFFFFFFB0];
	[tilespmem:v63+s24+$0x0] =	vst.idx.msk $0xffff, v0  }
0x1ad: {  	v4 =	vadd.s32 v30, v35;
	v3 =	vld [tilespmem:s1+$0xFFFFFF30];
	[tilespmem:v54+s24+$0x0] =	vst.idx.msk $0xffff, v2  }
0x1ae: {  	v7 =	vadd.s32 v55, v37;
	v23 =	vld [tilespmem:$0x1FFE0]  }
0x1af: {  	v48 =	vld [tilespmem:s1+$0xFFFFFC30];
	v60 =	vadd.s32 v14, v33  }
0x1b0: {  	s16 =	simm.s32 $0x10;
	v47 =	vadd.s32 v19, v47;
	v63 =	vld [tilespmem:s1+$0xFFFFFC80]  }
0x1b1: {  	v5 =	vadd.s32 v27, v36;
	v59 =	vmov s16;
	v2 =	vld [tilespmem:s1+$0xFFFFFF70]  }
0x1b2: {  	v11 =	vshrl.u32 v59, $0x3;
	v59 =	vadd.s32 v57, v45;
	[tilespmem:v4+s24+$0x0] =	vst.idx.msk $0xffff, v3;
	v4 =	vld [tilespmem:s1+$0xFFFFFD00]  }
0x1b3: {  	v56 =	vld [tilespmem:s1+$0xFFFFFCC0];
	[tilespmem:v7+s24+$0x0] =	vst.idx.msk $0xffff, v6;
	v58 =	vadd.s32 v23, v46  }
0x1b4: {  	s17 =	simm.s32 $0x11;
	[tilespmem:v60+s24+$0x0] =	vst.idx.msk $0xffff, v48  }
0x1b5: {  	s5 =	simm.s32 $0x13;
	v55 =	vmov s17;
	s17 =	simm.s32 $0x15;
	[tilespmem:v47+s24+$0x0] =	vst.idx.msk $0xffff, v63  }
0x1b6: {  	v61 =	vadd.s32 v61, v41;
	v8 =	vmov s5;
	s5 =	simm.s32 $0x17;
	v10 =	vmov s17;
	s17 =	simm.s32 $0x19;
	[tilespmem:v5+s24+$0x0] =	vst.idx.msk $0xffff, v2  }
0x1b7: {  	v39 =	vadd.s32 v31, v39;
	s16 =	simm.s32 $0x14;
	v45 =	vmov s17;
	v52 =	vmov s5;
	s5 =	simm.s32 $0x1B;
	v6 =	vld [tilespmem:s1+$0xFFFFFD80];
	[tilespmem:v59+s24+$0x0] =	vst.idx.msk $0xffff, v4  }
0x1b8: {  	s18 =	simm.s32 $0x12;
	v41 =	vshrl.u32 v10, $0x3;
	v50 =	vmov s5;
	v9 =	vmov s16;
	s16 =	simm.s32 $0x18;
	v2 =	vld [tilespmem:s1+$0xFFFFFD40];
	[tilespmem:v58+s24+$0x0] =	vst.idx.msk $0xffff, v56  }
0x1b9: {  	v0 =	vmov s18;
	s18 =	simm.s32 $0x16;
	v53 =	vmov s16;
	s16 =	simm.s32 $0x1C;
	v7 =	vadd.s32 v15, v40;
	v15 =	vld [tilespmem:$0x1FED0]  }
0x1ba: {  	s17 =	simm.s32 $0x1D;
	v57 =	vld [tilespmem:s1+$0xFFFFFDC0];
	v51 =	vmov s16;
	v54 =	vshll.u32 v11, v1;
	v3 =	vmov s18  }
0x1bb: {  	s18 =	simm.s32 $0x1A;
	v48 =	vmov s17;
	v60 =	vadd.s32 v32, v38;
	v63 =	vadd.s32 v19, v43;
	v43 =	vld [tilespmem:s1+$0xFFFFFEC0]  }
0x1bc: {  	v40 =	vshrl.u32 v8, $0x3;
	v38 =	vshrl.u32 v9, $0x3;
	v46 =	vmov s18;
	s18 =	simm.s32 $0x1E;
	v59 =	vld [tilespmem:s1+$0xFFFFFE40]  }
0x1bd: {  	v44 =	vadd.s32 v23, v44;
	v49 =	vmov s18;
	v58 =	vld [tilespmem:s1+$0xFFFFFE00];
	v56 =	vshrl.u32 v55, $0x3;
	[tilespmem:v39+s24+$0x0] =	vst.idx.msk $0xffff, v2  }
0x1be: {  	s12 =	simm.s32 $0x20;
	s15 =	simm.s32 $0x1F;
	v31 =	vmovc v62;
	v55 =	vshrl.u32 v0, $0x3;
	[tilespmem:v7+s24+$0x0] =	vst.idx.msk $0xffff, v6;
	v39 =	vshrl.u32 v3, $0x3;
	v62 =	vadd.s32 v15, v42;
	v42 =	vld [tilespmem:s1+$0xFFFFFE80]  }
.LBB2_11:
0x1bf: {  	v3 =	vld [tilespmem:s1+$0xFFFFFF00]  }
0x1c0: {  	v6 =	vld [tilespmem:s1+$0xFFFFFF40]  }
0x1c1: {  	v9 =	vld [tilespmem:s1+$0xFFFFFF80]  }
0x1c2: {  	v0 =	vshrl.u32 v52, $0x3;
	v52 =	vld [tilespmem:$0x1FF70]  }
0x1c3: {  	[tilespmem:v60+s24+$0x0] =	vst.idx.msk $0xffff, v57;
	v60 =	vld [tilespmem:$0x1FEE0]  }
0x1c4: {  	v57 =	vld [tilespmem:$0x1FEF0]  }
0x1c5: {  	[tilespmem:v62+s24+$0x0] =	vst.idx.msk $0xffff, v59;
	v62 =	vld [tilespmem:$0x1FF00]  }
0x1c6: {  	v2 =	vmov s15;
	v5 =	vshrl.u32 v53, $0x3;
	v53 =	vld [tilespmem:$0x1FF10]  }
0x1c7: {  	v2 =	vshrl.u32 v2, $0x3;
	[tilespmem:v61+s24+$0x0] =	vst.idx.msk $0xffff, v58;
	v58 =	vadd.s32 v32, v37;
	v37 =	vld [tilespmem:s1+$0xFFFFFC40]  }
0x1c8: {  	[tilespmem:v63+s24+$0x0] =	vst.idx.msk $0xffff, v42;
	v42 =	vadd.s32 v15, v33;
	v33 =	vbroadcast v54, $0x0;
	v54 =	vld [tilespmem:$0x1FF50];
	v4 =	vadd.s32 v60, v34  }
0x1c9: {  	v2 =	vshll.u32 v2, v1;
	v61 =	vshll.u32 v56, v1;
	v7 =	vadd.s32 v57, v35;
	v34 =	vld [tilespmem:s1+$0xFFFFFFC0];
	s1 =	sadd.s32 $0x400, s1  }
0x1ca: {  	v2 =	vbroadcast v2, $0x0;
	[tilespmem:v44+s24+$0x0] =	vst.idx.msk $0xffff, v43;
	v59 =	vshll.u32 v40, v1;
	v10 =	vadd.s32 v62, v36;
	v43 =	vld [tilespmem:s1+$0xFFFFFFD0]  }
0x1cb: {  	v8 =	vshrl.u32 v45, $0x3;
	v45 =	vbroadcast v61, $0x0;
	v40 =	vbroadcast v59, $0x0;
	v59 =	vld [tilespmem:s1+$0xFFFFFD10]  }
0x1cc: {  	v61 =	vshll.u32 v38, v1;
	v36 =	vshrl.u32 v50, $0x3;
	v50 =	vshrl.u32 v51, $0x3;
	v51 =	vld [tilespmem:s1+$0xFFFFFE50]  }
0x1cd: {  	v63 =	vshll.u32 v55, v1;
	v55 =	vadd.s32 v52, v2;
	v38 =	vbroadcast v61, $0x0;
	[tilespmem:v4+s24+$0x0] =	vst.idx.msk $0xffff, v3;
	v3 =	vld [tilespmem:s1+$0xFFFFFC10]  }
0x1ce: {  	v11 =	vshrl.u32 v46, $0x3;
	v41 =	vshll.u32 v41, v1;
	v56 =	vadd.s32 v12, v33;
	[tilespmem:v7+s24+$0x0] =	vst.idx.msk $0xffff, v6;
	v6 =	vld [tilespmem:s1+$0xFFFFFC50]  }
0x1cf: {  	v39 =	vshll.u32 v39, v1;
	v46 =	vbroadcast v63, $0x0;
	v47 =	vadd.s32 v28, v38;
	[tilespmem:v10+s24+$0x0] =	vst.idx.msk $0xffff, v9;
	v9 =	vld [tilespmem:s1+$0xFFFFFC90]  }
0x1d0: {  	v49 =	vshrl.u32 v49, $0x3;
	v0 =	vshll.u32 v0, v1;
	v7 =	vadd.s32 v16, v45;
	[tilespmem:v58+s24+$0x0] =	vst.idx.msk $0xffff, v34;
	v34 =	vld [tilespmem:s1+$0xFFFFFCD0]  }
0x1d1: {  	v63 =	vadd.s32 v20, v46;
	[tilespmem:v42+s24+$0x0] =	vst.idx.msk $0xffff, v37;
	v42 =	vbroadcast v0, $0x0;
	v0 =	vshll.u32 v5, v1;
	v37 =	vld [tilespmem:s1+$0xFFFFFE10]  }
0x1d2: {  	v58 =	vadd.s32 v24, v40;
	[tilespmem:v55+s24+$0x0] =	vst.idx.msk $0xffff, v43;
	v55 =	vld [tilespmem:$0x1FF90];
	v43 =	vbroadcast v0, $0x0;
	v0 =	vshll.u32 v8, v1  }
0x1d3: {  	v4 =	vadd.s32 v54, v2;
	v44 =	vbroadcast v0, $0x0;
	v0 =	vshrl.u32 v48, $0x3;
	[tilespmem:v56+s24+$0x0] =	vst.idx.msk $0xffff, v3;
	v3 =	vld [tilespmem:s1+$0xFFFFFFE0]  }
0x1d4: {  	v39 =	vbroadcast v39, $0x0;
	v8 =	vld [tilespmem:s1+$0xFFFFFDD0];
	[tilespmem:v47+s24+$0x0] =	vst.idx.msk $0xffff, v59;
	v59 =	vshll.u32 v36, v1;
	v0 =	vshll.u32 v0, v1  }
0x1d5: {  	v48 =	vadd.s32 v12, v43;
	v36 =	vbroadcast v0, $0x0;
	v0 =	vshll.u32 v49, v1;
	v49 =	vld [tilespmem:$0x1FF20];
	[tilespmem:v7+s24+$0x0] =	vst.idx.msk $0xffff, v6  }
0x1d6: {  	v41 =	vbroadcast v41, $0x0;
	[tilespmem:v63+s24+$0x0] =	vst.idx.msk $0xffff, v9;
	v63 =	vld [tilespmem:s1+$0xFFFFFD90];
	v56 =	vadd.s32 v53, v39  }
0x1d7: {  	v11 =	vshll.u32 v11, v1;
	v6 =	vld [tilespmem:s1+$0xFFFFFD50];
	[tilespmem:v58+s24+$0x0] =	vst.idx.msk $0xffff, v34;
	v58 =	vadd.s32 v52, v42  }
0x1d8: {  	v61 =	vadd.s32 v55, v41;
	[tilespmem:v4+s24+$0x0] =	vst.idx.msk $0xffff, v3;
	v3 =	vshll.u32 v50, v1;
	v50 =	vld [tilespmem:$0x1FF60]  }
0x1d9: {  	v47 =	vbroadcast v11, $0x0;
	v52 =	vadd.s32 v16, v44;
	v9 =	vld [tilespmem:s1+$0xFFFFFF10]  }
0x1da: {  	v34 =	vbroadcast v59, $0x0;
	v5 =	vld [tilespmem:s1+$0xFFFFFC60];
	[tilespmem:v48+s24+$0x0] =	vst.idx.msk $0xffff, v37  }
0x1db: {  	[tilespmem:v56+s24+$0x0] =	vst.idx.msk $0xffff, v63;
	v63 =	vld [tilespmem:s1+$0xFFFFFE90];
	v56 =	vadd.s32 v20, v47  }
0x1dc: {  	[tilespmem:v58+s24+$0x0] =	vst.idx.msk $0xffff, v8;
	v58 =	vadd.s32 v24, v34;
	v35 =	vbroadcast v3, $0x0;
	v3 =	vld [tilespmem:s1+$0xFFFFFED0]  }
0x1dd: {  	[tilespmem:v61+s24+$0x0] =	vst.idx.msk $0xffff, v6;
	v4 =	vld [tilespmem:s1+$0xFFFFFFF0];
	v61 =	vadd.s32 v50, v2  }
0x1de: {  	v37 =	vbroadcast v0, $0x0;
	v0 =	vld [tilespmem:s1+$0xFFFFFF50];
	[tilespmem:v52+s24+$0x0] =	vst.idx.msk $0xffff, v51;
	v52 =	vadd.s32 v55, v36  }
0x1df: {  	v48 =	vld [tilespmem:s1+$0xFFFFFF90];
	v59 =	vadd.s32 v28, v35  }
0x1e0: {  	v55 =	vadd.s32 v53, v37;
	v53 =	vld [tilespmem:s1+$0xFFFFFD60];
	[tilespmem:v56+s24+$0x0] =	vst.idx.msk $0xffff, v63  }
0x1e1: {  	[tilespmem:v58+s24+$0x0] =	vst.idx.msk $0xffff, v3;
	v3 =	vld [tilespmem:s1+$0xFFFFFCA0];
	v58 =	vadd.s32 v21, v46  }
0x1e2: {  	v56 =	vadd.s32 v17, v45;
	[tilespmem:v61+s24+$0x0] =	vst.idx.msk $0xffff, v4;
	v61 =	vld [tilespmem:$0x1FF80]  }
0x1e3: {  	[tilespmem:v52+s24+$0x0] =	vst.idx.msk $0xffff, v0;
	v0 =	vld [tilespmem:s1+$0xFFFFFD20];
	v52 =	vadd.s32 v29, v38  }
0x1e4: {  	v63 =	vadd.s32 v25, v40;
	[tilespmem:v59+s24+$0x0] =	vst.idx.msk $0xffff, v9;
	v59 =	vld [tilespmem:s1+$0xFFFFFCE0]  }
0x1e5: {  	[tilespmem:v55+s24+$0x0] =	vst.idx.msk $0xffff, v48;
	v55 =	vadd.s32 v31, v41;
	v9 =	vld [tilespmem:s1+$0xFFFFFEA0]  }
0x1e6: {  	[tilespmem:v58+s24+$0x0] =	vst.idx.msk $0xffff, v3;
	v3 =	vld [tilespmem:s1+$0xFFFFFDE0];
	v58 =	vadd.s32 v54, v42  }
0x1e7: {  	[tilespmem:v56+s24+$0x0] =	vst.idx.msk $0xffff, v5;
	v4 =	vld [tilespmem:s1+$0x0];
	v2 =	vadd.s32 v61, v2  }
0x1e8: {  	v51 =	vadd.s32 v17, v44;
	[tilespmem:v52+s24+$0x0] =	vst.idx.msk $0xffff, v0;
	v0 =	vld [tilespmem:s1+$0xFFFFFE60]  }
0x1e9: {  	[tilespmem:v63+s24+$0x0] =	vst.idx.msk $0xffff, v59;
	v59 =	vld [tilespmem:s1+$0xFFFFFE20];
	v63 =	vadd.s32 v13, v43  }
0x1ea: {  	[tilespmem:v55+s24+$0x0] =	vst.idx.msk $0xffff, v53;
	v52 =	vadd.s32 v21, v47;
	v55 =	vld [tilespmem:s1+$0xFFFFFF60]  }
0x1eb: {  	v54 =	vadd.s32 v29, v35;
	[tilespmem:v58+s24+$0x0] =	vst.idx.msk $0xffff, v3;
	v3 =	vld [tilespmem:s1+$0xFFFFFF20]  }
0x1ec: {  	v56 =	vadd.s32 v49, v39;
	[tilespmem:v2+s24+$0x0] =	vst.idx.msk $0xffff, v4;
	v2 =	vld [tilespmem:s1+$0xFFFFFDA0]  }
0x1ed: {  	[tilespmem:v51+s24+$0x0] =	vst.idx.msk $0xffff, v0;
	v0 =	vld [tilespmem:s1+$0xFFFFFFA0];
	v58 =	vadd.s32 v49, v37  }
0x1ee: {  	[tilespmem:v63+s24+$0x0] =	vst.idx.msk $0xffff, v59;
	v59 =	vld [tilespmem:s1+$0xFFFFFC20];
	v63 =	vadd.s32 v13, v33  }
0x1ef: {  	[tilespmem:v52+s24+$0x0] =	vst.idx.msk $0xffff, v9;
	v51 =	vld [tilespmem:s1+$0xFFFFFC70]  }
0x1f0: {  	v52 =	vadd.s32 v18, v45;
	[tilespmem:v54+s24+$0x0] =	vst.idx.msk $0xffff, v3;
	v3 =	vld [tilespmem:s1+$0xFFFFFCF0]  }
0x1f1: {  	v53 =	vadd.s32 v25, v34;
	[tilespmem:v56+s24+$0x0] =	vst.idx.msk $0xffff, v2;
	v2 =	vld [tilespmem:s1+$0xFFFFFEE0]  }
0x1f2: {  	v54 =	vadd.s32 v26, v40;
	[tilespmem:v58+s24+$0x0] =	vst.idx.msk $0xffff, v0;
	v0 =	vld [tilespmem:s1+$0xFFFFFD70]  }
0x1f3: {  	v58 =	vadd.s32 v27, v41;
	[tilespmem:v63+s24+$0x0] =	vst.idx.msk $0xffff, v59;
	v63 =	vld [tilespmem:$0x1FF30]  }
0x1f4: {  	v49 =	vadd.s32 v14, v33;
	v48 =	vld [tilespmem:s1+$0xFFFFFC30]  }
0x1f5: {  	[tilespmem:v52+s24+$0x0] =	vst.idx.msk $0xffff, v51;
	v6 =	vld [tilespmem:s1+$0xFFFFFFB0];
	v56 =	vadd.s32 v31, v36  }
0x1f6: {  	[tilespmem:v53+s24+$0x0] =	vst.idx.msk $0xffff, v2;
	v2 =	vld [tilespmem:s1+$0xFFFFFCB0];
	v53 =	vadd.s32 v22, v46  }
0x1f7: {  	[tilespmem:v54+s24+$0x0] =	vst.idx.msk $0xffff, v3;
	v3 =	vld [tilespmem:s1+$0xFFFFFE30];
	v54 =	vadd.s32 v14, v43  }
0x1f8: {  	[tilespmem:v58+s24+$0x0] =	vst.idx.msk $0xffff, v0;
	v0 =	vld [tilespmem:s1+$0xFFFFFEB0];
	v58 =	vadd.s32 v22, v47  }
0x1f9: {  	v59 =	vld [tilespmem:s1+$0xFFFFFDB0];
	v52 =	vadd.s32 v63, v39;
	[tilespmem:v49+s24+$0x0] =	vst.idx.msk $0xffff, v48  }
0x1fa: {  	v7 =	vadd.s32 v63, v37;
	[tilespmem:v56+s24+$0x0] =	vst.idx.msk $0xffff, v55;
	v55 =	vld [tilespmem:s1+$0xFFFFFD30]  }
0x1fb: {  	[tilespmem:v53+s24+$0x0] =	vst.idx.msk $0xffff, v2;
	v2 =	vld [tilespmem:s1+$0xFFFFFDF0];
	v53 =	vadd.s32 v50, v42  }
0x1fc: {  	v56 =	vadd.s32 v30, v38;
	v9 =	vld [tilespmem:s1+$0xFFFFFEF0];
	[tilespmem:v54+s24+$0x0] =	vst.idx.msk $0xffff, v3  }
0x1fd: {  	v10 =	vadd.s32 v26, v34;
	v3 =	vld [tilespmem:s1+$0xFFFFFF70];
	[tilespmem:v58+s24+$0x0] =	vst.idx.msk $0xffff, v0  }
0x1fe: {  	v5 =	vadd.s32 v27, v36;
	v61 =	vadd.s32 v61, v42;
	v54 =	vld [tilespmem:s1+$0xFFFFFC80];
	[tilespmem:v52+s24+$0x0] =	vst.idx.msk $0xffff, v59  }
0x1ff: {  	v4 =	vadd.s32 v30, v35;
	v63 =	vadd.s32 v19, v45;
	[tilespmem:v7+s24+$0x0] =	vst.idx.msk $0xffff, v6;
	v6 =	vld [tilespmem:s1+$0xFFFFFD80]  }
0x200: {  	s16 =	sadd.s32 $0x3, s12;
	v40 =	vadd.s32 v60, v40;
	v60 =	vadd.s32 v32, v39;
	[tilespmem:v53+s24+$0x0] =	vst.idx.msk $0xffff, v2;
	v2 =	vld [tilespmem:s1+$0xFFFFFF30]  }
0x201: {  	s5 =	sadd.s32 $0x2, s12;
	v8 =	vmov s16;
	v7 =	vadd.s32 v62, v41;
	v62 =	vadd.s32 v15, v43;
	v43 =	vld [tilespmem:s1+$0xFFFFFEC0];
	[tilespmem:v56+s24+$0x0] =	vst.idx.msk $0xffff, v55  }
0x202: {  	v0 =	vmov s5;
	s5 =	sadd.s32 $0x7, s12;
	v59 =	vmov s12;
	v55 =	vld [tilespmem:s1+$0xFFFFFE70];
	v56 =	vadd.s32 v18, v44;
	[tilespmem:v10+s24+$0x0] =	vst.idx.msk $0xffff, v9  }
0x203: {  	s16 =	sadd.s32 $0x4, s12;
	v52 =	vmov s5;
	s5 =	sadd.s32 $0xB, s12;
	v11 =	vshrl.u32 v59, $0x3;
	v59 =	vadd.s32 v23, v46;
	v58 =	vld [tilespmem:s1+$0xFFFFFCC0];
	[tilespmem:v5+s24+$0x0] =	vst.idx.msk $0xffff, v3  }
0x204: {  	s17 =	sadd.s32 $0x5, s12;
	v50 =	vmov s5;
	v9 =	vmov s16;
	v3 =	vld [tilespmem:s1+$0xFFFFFD40];
	v5 =	vadd.s32 v57, v38;
	[tilespmem:v63+s24+$0x0] =	vst.idx.msk $0xffff, v54  }
0x205: {  	p0 =	slt.u32 s12, $0x70;
	s18 =	sadd.s32 $0x1, s12;
	v10 =	vmov s17;
	s17 =	sadd.s32 $0x9, s12;
	v54 =	vshll.u32 v11, v1;
	v63 =	vadd.s32 v19, v44;
	[tilespmem:v4+s24+$0x0] =	vst.idx.msk $0xffff, v2;
	v4 =	vld [tilespmem:s1+$0xFFFFFD00]  }
.Ltmp7:
0x206: {  	s16 =	sadd.s32 $0x8, s12;
	v57 =	vld [tilespmem:s1+$0xFFFFFDC0];
	v44 =	vadd.s32 v23, v47;
	v45 =	vmov s17;
	s17 =	sadd.s32 $0xD, s12;
	v38 =	vshrl.u32 v9, $0x3;
	[tilespmem:v7+s24+$0x0] =	vst.idx.msk $0xffff, v6;
	(pc) =	sbr.rel @p0 .LBB2_11-.Ltmp7, $4  }
0x207: {  	v48 =	vmov s17;
	[tilespmem:v56+s24+$0x0] =	vst.idx.msk $0xffff, v55;
	v55 =	vmov s18;
	s18 =	sadd.s32 $0x6, s12;
	v53 =	vmov s16;
	s16 =	sadd.s32 $0xC, s12  }
0x208: {  	v41 =	vshrl.u32 v10, $0x3;
	v51 =	vmov s16;
	[tilespmem:v59+s24+$0x0] =	vst.idx.msk $0xffff, v58;
	v58 =	vld [tilespmem:s1+$0xFFFFFE00];
	v2 =	vmov s18;
	s18 =	sadd.s32 $0xA, s12  }
0x209: {  	v56 =	vshrl.u32 v55, $0x3;
	v55 =	vshrl.u32 v0, $0x3;
	v59 =	vld [tilespmem:s1+$0xFFFFFE40];
	[tilespmem:v5+s24+$0x0] =	vst.idx.msk $0xffff, v3;
	v46 =	vmov s18;
	s18 =	sadd.s32 $0xE, s12  }
0x20a: {  	s15 =	sadd.s32 $0xF, s12;
	v42 =	vld [tilespmem:s1+$0xFFFFFE80];
	v39 =	vshrl.u32 v2, $0x3;
	s12 =	sadd.s32 $0x10, s12;
	v49 =	vmov s18;
	[tilespmem:v40+s24+$0x0] =	vst.idx.msk $0xffff, v4;
	v40 =	vshrl.u32 v8, $0x3  }
0x20b: {  	_ =	sdelay $0x3  }
0x20c: {  	[tilespmem:v60+s24+$0x0] =	vst.idx.msk $0xffff, v57  }
0x20d: {  	v60 =	vld [tilespmem:$0x1FEE0];
	[tilespmem:v61+s24+$0x0] =	vst.idx.msk $0xffff, v58  }
0x20e: {  	v57 =	vld [tilespmem:$0x1FEF0];
	[tilespmem:v62+s24+$0x0] =	vst.idx.msk $0xffff, v59  }
0x20f: {  	v61 =	vld [tilespmem:$0x1FF00];
	[tilespmem:v63+s24+$0x0] =	vst.idx.msk $0xffff, v42  }
0x210: {  	v11 =	vshrl.u32 v46, $0x3;
	v46 =	vld [tilespmem:s1+$0xFFFFFC40];
	[tilespmem:v44+s24+$0x0] =	vst.idx.msk $0xffff, v43  }
0x211: {  	v2 =	vmov s15;
	v47 =	vadd.s32 v15, v33;
	v58 =	vld [tilespmem:$0x1FF70]  }
0x212: {  	v3 =	vld [tilespmem:s1+$0xFFFFFF00];
	v2 =	vshrl.u32 v2, $0x3;
	v4 =	vadd.s32 v60, v34  }
0x213: {  	v8 =	vshrl.u32 v45, $0x3;
	v45 =	vadd.s32 v32, v37;
	v2 =	vshll.u32 v2, v1;
	v42 =	vld [tilespmem:s1+$0xFFFFFFC0]  }
0x214: {  	v0 =	vshrl.u32 v52, $0x3;
	v6 =	vld [tilespmem:s1+$0xFFFFFF40];
	v2 =	vbroadcast v2, $0x0;
	v7 =	vadd.s32 v57, v35  }
0x215: {  	v9 =	vld [tilespmem:s1+$0xFFFFFF80];
	v52 =	vshll.u32 v56, v1;
	s12 =	sadd.s32 $0x400, s1;
	v34 =	vbroadcast v54, $0x0;
	v10 =	vadd.s32 v61, v36  }
0x216: {  	v33 =	vbroadcast v52, $0x0;
	v43 =	vld [tilespmem:s12+$0xFFFFFFD0];
	[tilespmem:v47+s24+$0x0] =	vst.idx.msk $0xffff, v46;
	v54 =	vadd.s32 v58, v2  }
0x217: {  	v5 =	vshrl.u32 v53, $0x3;
	v53 =	vshll.u32 v55, v1;
	v55 =	vadd.s32 v12, v34;
	[tilespmem:v4+s24+$0x0] =	vst.idx.msk $0xffff, v3;
	v3 =	vld [tilespmem:s12+$0xFFFFFC10]  }
0x218: {  	v62 =	vld [tilespmem:s12+$0xFFFFFC50];
	v63 =	vadd.s32 v16, v33;
	[tilespmem:v45+s24+$0x0] =	vst.idx.msk $0xffff, v42  }
0x219: {  	[tilespmem:v7+s24+$0x0] =	vst.idx.msk $0xffff, v6  }
0x21a: {  	[tilespmem:v10+s24+$0x0] =	vst.idx.msk $0xffff, v9  }
0x21b: {  	v35 =	vbroadcast v53, $0x0;
	[tilespmem:v54+s24+$0x0] =	vst.idx.msk $0xffff, v43  }
0x21c: {  	v56 =	vshll.u32 v38, v1;
	v9 =	vld [tilespmem:s12+$0xFFFFFC90];
	[tilespmem:v55+s24+$0x0] =	vst.idx.msk $0xffff, v3  }
0x21d: {  	v37 =	vbroadcast v56, $0x0;
	v59 =	vshll.u32 v40, v1;
	v10 =	vadd.s32 v20, v35;
	v56 =	vld [tilespmem:$0x1FF50];
	[tilespmem:v63+s24+$0x0] =	vst.idx.msk $0xffff, v62  }
0x21e: {  	v36 =	vbroadcast v59, $0x0;
	v63 =	vld [tilespmem:$0x1FF90]  }
0x21f: {  	v46 =	vld [tilespmem:s12+$0xFFFFFD10]  }
0x220: {  	v42 =	vld [tilespmem:s12+$0xFFFFFCD0];
	v59 =	vshll.u32 v41, v1;
	v45 =	vadd.s32 v24, v36  }
0x221: {  	v47 =	vadd.s32 v28, v37;
	v38 =	vbroadcast v59, $0x0;
	v6 =	vld [tilespmem:s12+$0xFFFFFD50]  }
0x222: {  	v3 =	vld [tilespmem:s12+$0xFFFFFFE0];
	[tilespmem:v10+s24+$0x0] =	vst.idx.msk $0xffff, v9;
	v4 =	vadd.s32 v56, v2  }
0x223: {  	v54 =	vld [tilespmem:$0x1FF10];
	v7 =	vadd.s32 v63, v38;
	_ =	sdelay $0x1  }
0x224: {  	v39 =	vshll.u32 v39, v1;
	[tilespmem:v45+s24+$0x0] =	vst.idx.msk $0xffff, v42  }
0x225: {  	v39 =	vbroadcast v39, $0x0;
	v0 =	vshll.u32 v0, v1;
	[tilespmem:v47+s24+$0x0] =	vst.idx.msk $0xffff, v46  }
0x226: {  	v50 =	vshrl.u32 v50, $0x3;
	v40 =	vbroadcast v0, $0x0;
	v0 =	vshll.u32 v5, v1;
	[tilespmem:v4+s24+$0x0] =	vst.idx.msk $0xffff, v3  }
0x227: {  	v5 =	vld [tilespmem:s12+$0xFFFFFD90];
	v59 =	vshll.u32 v50, v1;
	v62 =	vadd.s32 v54, v39;
	[tilespmem:v7+s24+$0x0] =	vst.idx.msk $0xffff, v6  }
0x228: {  	v41 =	vbroadcast v0, $0x0;
	v0 =	vshll.u32 v8, v1;
	v44 =	vbroadcast v59, $0x0;
	v59 =	vld [tilespmem:$0x1FF60]  }
0x229: {  	v11 =	vshll.u32 v11, v1;
	v8 =	vld [tilespmem:s12+$0xFFFFFDD0];
	v10 =	vadd.s32 v58, v40;
	v42 =	vbroadcast v0, $0x0  }
0x22a: {  	v43 =	vbroadcast v11, $0x0;
	v0 =	vshrl.u32 v48, $0x3;
	v47 =	vld [tilespmem:s12+$0xFFFFFE10];
	v48 =	vadd.s32 v12, v41  }
0x22b: {  	v52 =	vld [tilespmem:s12+$0xFFFFFE50];
	v53 =	vadd.s32 v16, v42  }
0x22c: {  	[tilespmem:v62+s24+$0x0] =	vst.idx.msk $0xffff, v5;
	v5 =	vld [tilespmem:s12+$0xFFFFFE90];
	v62 =	vadd.s32 v20, v43  }
0x22d: {  	v4 =	vld [tilespmem:s12+$0xFFFFFFF0];
	v6 =	vadd.s32 v59, v2  }
0x22e: {  	[tilespmem:v10+s24+$0x0] =	vst.idx.msk $0xffff, v8  }
0x22f: {  	[tilespmem:v48+s24+$0x0] =	vst.idx.msk $0xffff, v47  }
0x230: {  	v51 =	vshrl.u32 v51, $0x3;
	[tilespmem:v53+s24+$0x0] =	vst.idx.msk $0xffff, v52  }
0x231: {  	v3 =	vshll.u32 v51, v1;
	[tilespmem:v62+s24+$0x0] =	vst.idx.msk $0xffff, v5  }
0x232: {  	v49 =	vshrl.u32 v49, $0x3;
	v0 =	vshll.u32 v0, v1;
	v45 =	vbroadcast v3, $0x0;
	v3 =	vld [tilespmem:s12+$0xFFFFFED0];
	[tilespmem:v6+s24+$0x0] =	vst.idx.msk $0xffff, v4  }
0x233: {  	v46 =	vbroadcast v0, $0x0;
	v0 =	vshll.u32 v49, v1;
	v8 =	vadd.s32 v24, v44;
	v62 =	vld [tilespmem:$0x1FF80]  }
0x234: {  	v9 =	vld [tilespmem:s12+$0xFFFFFF10];
	v47 =	vbroadcast v0, $0x0;
	v10 =	vadd.s32 v28, v45  }
0x235: {  	v0 =	vld [tilespmem:s12+$0xFFFFFF50];
	v52 =	vadd.s32 v63, v46  }
0x236: {  	v53 =	vld [tilespmem:s12+$0xFFFFFF90];
	v55 =	vadd.s32 v54, v47  }
0x237: {  	v5 =	vld [tilespmem:s12+$0xFFFFFC60];
	v6 =	vadd.s32 v17, v33  }
0x238: {  	v4 =	vld [tilespmem:s12+$0x0];
	[tilespmem:v8+s24+$0x0] =	vst.idx.msk $0xffff, v3;
	v2 =	vadd.s32 v62, v2  }
0x239: {  	v50 =	vld [tilespmem:s12+$0xFFFFFE20];
	[tilespmem:v10+s24+$0x0] =	vst.idx.msk $0xffff, v9  }
0x23a: {  	v7 =	vadd.s32 v21, v35;
	v3 =	vld [tilespmem:s12+$0xFFFFFCA0];
	[tilespmem:v52+s24+$0x0] =	vst.idx.msk $0xffff, v0  }
0x23b: {  	v0 =	vld [tilespmem:s12+$0xFFFFFD20];
	v52 =	vadd.s32 v29, v37;
	[tilespmem:v55+s24+$0x0] =	vst.idx.msk $0xffff, v53  }
0x23c: {  	v53 =	vld [tilespmem:s12+$0xFFFFFD60];
	v55 =	vadd.s32 v31, v38;
	[tilespmem:v6+s24+$0x0] =	vst.idx.msk $0xffff, v5  }
0x23d: {  	v8 =	vld [tilespmem:s12+$0xFFFFFCE0];
	v9 =	vadd.s32 v25, v36;
	[tilespmem:v2+s24+$0x0] =	vst.idx.msk $0xffff, v4  }
0x23e: {  	v51 =	vadd.s32 v13, v41;
	v49 =	vld [tilespmem:$0x1FF20]  }
0x23f: {  	v5 =	vadd.s32 v56, v40;
	[tilespmem:v7+s24+$0x0] =	vst.idx.msk $0xffff, v3;
	v3 =	vld [tilespmem:s12+$0xFFFFFDE0]  }
0x240: {  	[tilespmem:v52+s24+$0x0] =	vst.idx.msk $0xffff, v0;
	v0 =	vld [tilespmem:s12+$0xFFFFFE60];
	v52 =	vadd.s32 v17, v42  }
0x241: {  	[tilespmem:v55+s24+$0x0] =	vst.idx.msk $0xffff, v53;
	v53 =	vld [tilespmem:s12+$0xFFFFFEA0];
	v55 =	vadd.s32 v21, v43  }
0x242: {  	v6 =	vld [tilespmem:s12+$0xFFFFFF60];
	[tilespmem:v9+s24+$0x0] =	vst.idx.msk $0xffff, v8;
	v7 =	vadd.s32 v31, v46  }
0x243: {  	v2 =	vld [tilespmem:s12+$0xFFFFFDA0];
	[tilespmem:v51+s24+$0x0] =	vst.idx.msk $0xffff, v50;
	v4 =	vadd.s32 v49, v39  }
0x244: {  	[tilespmem:v5+s24+$0x0] =	vst.idx.msk $0xffff, v3;
	v3 =	vld [tilespmem:s12+$0xFFFFFF20];
	v5 =	vadd.s32 v29, v45  }
0x245: {  	[tilespmem:v52+s24+$0x0] =	vst.idx.msk $0xffff, v0;
	v0 =	vld [tilespmem:s12+$0xFFFFFFA0];
	v8 =	vadd.s32 v49, v47  }
0x246: {  	v11 =	vld [tilespmem:s12+$0xFFFFFC20];
	v52 =	vadd.s32 v13, v34;
	[tilespmem:v55+s24+$0x0] =	vst.idx.msk $0xffff, v53  }
0x247: {  	v53 =	vld [tilespmem:s12+$0xFFFFFC70];
	v55 =	vadd.s32 v18, v33;
	[tilespmem:v7+s24+$0x0] =	vst.idx.msk $0xffff, v6  }
0x248: {  	[tilespmem:v4+s24+$0x0] =	vst.idx.msk $0xffff, v2;
	v2 =	vld [tilespmem:s12+$0xFFFFFEE0];
	v4 =	vadd.s32 v25, v44  }
0x249: {  	[tilespmem:v5+s24+$0x0] =	vst.idx.msk $0xffff, v3  }
0x24a: {  	v3 =	vld [tilespmem:s12+$0xFFFFFCF0];
	v5 =	vadd.s32 v26, v36;
	[tilespmem:v8+s24+$0x0] =	vst.idx.msk $0xffff, v0  }
0x24b: {  	v51 =	vadd.s32 v30, v37;
	v50 =	vld [tilespmem:s12+$0xFFFFFD30];
	[tilespmem:v52+s24+$0x0] =	vst.idx.msk $0xffff, v11  }
0x24c: {  	v0 =	vld [tilespmem:s12+$0xFFFFFD70];
	v8 =	vadd.s32 v27, v38;
	[tilespmem:v55+s24+$0x0] =	vst.idx.msk $0xffff, v53  }
0x24d: {  	[tilespmem:v4+s24+$0x0] =	vst.idx.msk $0xffff, v2;
	v2 =	vld [tilespmem:s12+$0xFFFFFCB0];
	v4 =	vadd.s32 v22, v35  }
0x24e: {  	v55 =	vld [tilespmem:$0x1FF30]  }
0x24f: {  	v48 =	vadd.s32 v14, v41;
	[tilespmem:v5+s24+$0x0] =	vst.idx.msk $0xffff, v3;
	v3 =	vld [tilespmem:s12+$0xFFFFFE30]  }
0x250: {  	[tilespmem:v51+s24+$0x0] =	vst.idx.msk $0xffff, v50;
	v50 =	vld [tilespmem:s12+$0xFFFFFE70];
	v51 =	vadd.s32 v18, v42  }
0x251: {  	[tilespmem:v8+s24+$0x0] =	vst.idx.msk $0xffff, v0;
	v0 =	vld [tilespmem:s12+$0xFFFFFEB0];
	v8 =	vadd.s32 v22, v43  }
0x252: {  	v53 =	vadd.s32 v59, v40;
	[tilespmem:v4+s24+$0x0] =	vst.idx.msk $0xffff, v2;
	v2 =	vld [tilespmem:s12+$0xFFFFFDF0]  }
0x253: {  	v9 =	vld [tilespmem:s12+$0xFFFFFDB0];
	v52 =	vadd.s32 v55, v39  }
0x254: {  	v5 =	vadd.s32 v27, v46;
	[tilespmem:v48+s24+$0x0] =	vst.idx.msk $0xffff, v3;
	v3 =	vld [tilespmem:s12+$0xFFFFFF70]  }
0x255: {  	v6 =	vld [tilespmem:s12+$0xFFFFFFB0];
	v43 =	vadd.s32 v23, v43;
	[tilespmem:v51+s24+$0x0] =	vst.idx.msk $0xffff, v50;
	v7 =	vadd.s32 v55, v47  }
0x256: {  	v11 =	vld [tilespmem:s12+$0xFFFFFC30];
	v48 =	vadd.s32 v14, v34;
	[tilespmem:v8+s24+$0x0] =	vst.idx.msk $0xffff, v0;
	v50 =	vadd.s32 v19, v33  }
0x257: {  	v0 =	vld [tilespmem:s12+$0xFFFFFC80];
	v33 =	vadd.s32 v57, v37;
	v37 =	vadd.s32 v32, v39;
	[tilespmem:v53+s24+$0x0] =	vst.idx.msk $0xffff, v2  }
0x258: {  	v39 =	vadd.s32 v62, v40;
	v2 =	vld [tilespmem:s12+$0xFFFFFF30];
	v53 =	vadd.s32 v30, v45;
	[tilespmem:v52+s24+$0x0] =	vst.idx.msk $0xffff, v9  }
0x259: {  	v40 =	vadd.s32 v15, v41;
	v41 =	vadd.s32 v19, v42;
	v42 =	vld [tilespmem:s12+$0xFFFFFEC0];
	[tilespmem:v5+s24+$0x0] =	vst.idx.msk $0xffff, v3  }
0x25a: {  	v9 =	vld [tilespmem:s12+$0xFFFFFEF0];
	v52 =	vadd.s32 v26, v44;
	[tilespmem:v7+s24+$0x0] =	vst.idx.msk $0xffff, v6  }
0x25b: {  	v3 =	vld [tilespmem:s12+$0xFFFFFD40];
	[tilespmem:v48+s24+$0x0] =	vst.idx.msk $0xffff, v11  }
0x25c: {  	[tilespmem:v50+s24+$0x0] =	vst.idx.msk $0xffff, v0;
	v0 =	vld [tilespmem:s12+$0xFFFFFDC0]  }
0x25d: {  	[tilespmem:v53+s24+$0x0] =	vst.idx.msk $0xffff, v2;
	v2 =	vld [tilespmem:s12+$0xFFFFFD00];
	v53 =	vadd.s32 v60, v36  }
0x25e: {  	[tilespmem:v43+s24+$0x0] =	vst.idx.msk $0xffff, v42;
	v36 =	vadd.s32 v61, v38;
	v38 =	vld [tilespmem:s12+$0xFFFFFE00]  }
0x25f: {  	v51 =	vld [tilespmem:s12+$0xFFFFFCC0];
	[tilespmem:v52+s24+$0x0] =	vst.idx.msk $0xffff, v9;
	v52 =	vadd.s32 v23, v35  }
0x260: {  	v35 =	vld [tilespmem:s12+$0xFFFFFD80];
	[tilespmem:v33+s24+$0x0] =	vst.idx.msk $0xffff, v3  }
0x261: {  	v3 =	vld [tilespmem:s12+$0xFFFFFE80];
	[tilespmem:v37+s24+$0x0] =	vst.idx.msk $0xffff, v0  }
0x262: {  	[tilespmem:v53+s24+$0x0] =	vst.idx.msk $0xffff, v2;
	v2 =	vld [tilespmem:s12+$0xFFFFFE40]  }
0x263: {  	v50 =	vadd.s32 v57, v45;
	v48 =	vld [tilespmem:s12+$0xFFFFFF40];
	[tilespmem:v39+s24+$0x0] =	vst.idx.msk $0xffff, v38  }
0x264: {  	v44 =	vadd.s32 v60, v44;
	v0 =	vld [tilespmem:s12+$0xFFFFFF00];
	[tilespmem:v52+s24+$0x0] =	vst.idx.msk $0xffff, v51  }
0x265: {  	v11 =	vld [tilespmem:s12+$0xFFFFFC40];
	v53 =	vadd.s32 v15, v34;
	[tilespmem:v36+s24+$0x0] =	vst.idx.msk $0xffff, v35  }
0x266: {  	[tilespmem:v41+s24+$0x0] =	vst.idx.msk $0xffff, v3;
	v3 =	vld [tilespmem:s12+$0xFFFFFFC0];
	v52 =	vadd.s32 v32, v47  }
0x267: {  	v51 =	vadd.s32 v61, v46;
	[tilespmem:v40+s24+$0x0] =	vst.idx.msk $0xffff, v2;
	v2 =	vld [tilespmem:s12+$0xFFFFFF80]  }
0x268: {  	[tilespmem:v50+s24+$0x0] =	vst.idx.msk $0xffff, v48  }
0x269: {  	[tilespmem:v44+s24+$0x0] =	vst.idx.msk $0xffff, v0  }
0x26a: {  	[tilespmem:v53+s24+$0x0] =	vst.idx.msk $0xffff, v11  }
0x26b: {  	[tilespmem:v52+s24+$0x0] =	vst.idx.msk $0xffff, v3  }
0x26c: {  	s15 =	simm.s32 $0x10600;
	s12 =	sadd.s32 s0, s7;
	[tilespmem:v51+s24+$0x0] =	vst.idx.msk $0xffff, v2  }
0x26d: {  	[hbm4b:s12+s3] =	stream.linear.scatter [tilespmem:s15], [sflag:$0x6], $0x80, $0x38;
	[tilespmem:$0x12800] =	vst v63  }
0x26e: {  	s16 =	simm.s32 $0x10688;
	s17 =	sadd.s32 $0x10, s12  }
0x26f: {  	[hbm4b:s17+s3] =	stream.linear.scatter [tilespmem:s16], [sflag:$0x6], $0x80, $0x38;
	[tilespmem:$0x12800] =	vst v63  }
0x270: {  	s18 =	simm.s32 $0x10710;
	s5 =	sadd.s32 $0x20, s12  }
0x271: {  	[hbm4b:s5+s3] =	stream.linear.scatter [tilespmem:s18], [sflag:$0x6], $0x80, $0x38;
	[tilespmem:$0x12800] =	vst v63  }
0x272: {  	s16 =	simm.s32 $0x10798;
	s17 =	sadd.s32 $0x30, s12  }
0x273: {  	[hbm4b:s17+s3] =	stream.linear.scatter [tilespmem:s16], [sflag:$0x6], $0x80, $0x38;
	[tilespmem:$0x12800] =	vst v63  }
0x274: {  	s18 =	simm.s32 $0x10820;
	s5 =	sadd.s32 $0x40, s12  }
0x275: {  	[hbm4b:s5+s3] =	stream.linear.scatter [tilespmem:s18], [sflag:$0x6], $0x80, $0x38;
	[tilespmem:$0x12800] =	vst v63  }
0x276: {  	s1 =	simm.s32 $0x440;
	s15 =	simm.s32 $0x108A8;
	s16 =	sadd.s32 $0x50, s12  }
0x277: {  	[hbm4b:s16+s3] =	stream.linear.scatter [tilespmem:s15], [sflag:$0x6], $0x80, $0x38;
	[tilespmem:$0x12800] =	vst v63  }
0x278: {  	s17 =	simm.s32 $0x10930;
	s18 =	sadd.s32 $0x60, s12;
	s15 =	simm.s32 $0x2200  }
0x279: {  	[hbm4b:s18+s3] =	stream.linear.scatter [tilespmem:s17], [sflag:$0x6], $0x80, $0x38;
	[tilespmem:$0x12800] =	vst v63  }
0x27a: {  	v32 =	vmov v63;
	v53 =	vmov v54;
	v54 =	vmov v49;
	s16 =	simm.s32 $0x109B8;
	s17 =	sadd.s32 $0x70, s12;
	s12 =	sadd.s32 $0x1000, s12  }
.LBB2_13:
0x27b: {  	[hbm4b:s17+s3] =	stream.linear.scatter [tilespmem:s16], [sflag:$0x6], $0x80, $0x38;
	[tilespmem:$0x12800] =	vst v63  }
0x27c: {  	s16 =	smov.u32 s1;
	s1 =	smov.u32 s15  }
0x27d: {  	s18 =	sadd.s32 $0x1100, s15;
	s1 =	sshra.s32 s1, $0x2;
	s17 =	sadd.s32 $0x10600, s16  }
0x27e: {  	[hbm4b:s12+s3] =	stream.linear.scatter [tilespmem:s17], [sflag:$0x6], $0x80, $0x38;
	[tilespmem:$0x12800] =	vst v63  }
0x27f: {  	p0 =	sne.s32 s15, $0x7700;
	s15 =	sadd.s32 $0x10688, s16;
	s17 =	sadd.s32 $0x10, s12  }
0x280: {  	[hbm4b:s17+s3] =	stream.linear.scatter [tilespmem:s15], [sflag:$0x6], $0x80, $0x38;
	[tilespmem:$0x12800] =	vst v63  }
0x281: {  	s15 =	sadd.s32 $0x10710, s16;
	s17 =	sadd.s32 $0x20, s12  }
0x282: {  	[hbm4b:s17+s3] =	stream.linear.scatter [tilespmem:s15], [sflag:$0x6], $0x80, $0x38;
	[tilespmem:$0x12800] =	vst v63  }
0x283: {  	s15 =	sadd.s32 $0x10798, s16;
	s17 =	sadd.s32 $0x30, s12  }
0x284: {  	[hbm4b:s17+s3] =	stream.linear.scatter [tilespmem:s15], [sflag:$0x6], $0x80, $0x38;
	[tilespmem:$0x12800] =	vst v63  }
0x285: {  	s15 =	sadd.s32 $0x10820, s16;
	s17 =	sadd.s32 $0x40, s12  }
0x286: {  	[hbm4b:s17+s3] =	stream.linear.scatter [tilespmem:s15], [sflag:$0x6], $0x80, $0x38;
	[tilespmem:$0x12800] =	vst v63  }
.Ltmp8:
0x287: {  	s15 =	sadd.s32 $0x108A8, s16;
	s17 =	sadd.s32 $0x50, s12;
	(pc) =	sbr.rel @p0 .LBB2_13-.Ltmp8, $4  }
0x288: {  	[hbm4b:s17+s3] =	stream.linear.scatter [tilespmem:s15], [sflag:$0x6], $0x80, $0x38;
	[tilespmem:$0x12800] =	vst v63  }
0x289: {  	s15 =	sadd.s32 $0x10930, s16;
	s17 =	sadd.s32 $0x60, s12;
	s16 =	sadd.s32 $0x109B8, s16  }
0x28a: {  	[hbm4b:s17+s3] =	stream.linear.scatter [tilespmem:s15], [sflag:$0x6], $0x80, $0x38;
	[tilespmem:$0x12800] =	vst v63  }
0x28b: {  	s17 =	sadd.s32 $0x70, s12;
	s12 =	sadd.s32 $0x1000, s12;
	s15 =	smov.u32 s18  }
0x28c: {  	[hbm4b:s17+s3] =	stream.linear.scatter [tilespmem:s16], [sflag:$0x6], $0x80, $0x38;
	[tilespmem:$0x12800] =	vst v63  }
0x28d: {  	s15 =	sadd.s32 $0x10600, s1  }
0x28e: {  	[hbm4b:s12+s3] =	stream.linear.scatter [tilespmem:s15], [sflag:$0x6], $0x80, $0x38;
	[tilespmem:$0x12800] =	vst v63  }
0x28f: {  	s18 =	sadd.s32 $0x10688, s1;
	s5 =	sadd.s32 $0x10, s12  }
0x290: {  	[hbm4b:s5+s3] =	stream.linear.scatter [tilespmem:s18], [sflag:$0x6], $0x80, $0x38;
	[tilespmem:$0x12800] =	vst v63  }
0x291: {  	s16 =	sadd.s32 $0x10710, s1;
	s17 =	sadd.s32 $0x20, s12  }
0x292: {  	[hbm4b:s17+s3] =	stream.linear.scatter [tilespmem:s16], [sflag:$0x6], $0x80, $0x38;
	[tilespmem:$0x12800] =	vst v63  }
0x293: {  	s18 =	sadd.s32 $0x10798, s1;
	s5 =	sadd.s32 $0x30, s12  }
0x294: {  	[hbm4b:s5+s3] =	stream.linear.scatter [tilespmem:s18], [sflag:$0x6], $0x80, $0x38;
	[tilespmem:$0x12800] =	vst v63  }
0x295: {  	p0 =	seq.s32 s30, $0x31;
	s16 =	sadd.s32 $0x10820, s1;
	s17 =	sadd.s32 $0x40, s12  }
0x296: {  	[hbm4b:s17+s3] =	stream.linear.scatter [tilespmem:s16], [sflag:$0x6], $0x80, $0x38;
	[tilespmem:$0x12800] =	vst v63  }
0x297: {  	s15 =	simm.s32 @!p0 $0x80;
	s18 =	sadd.s32 $0x108A8, s1;
	s5 =	sadd.s32 $0x50, s12  }
0x298: {  	[hbm4b:s5+s3] =	stream.linear.scatter [tilespmem:s18], [sflag:$0x6], $0x80, $0x38;
	[tilespmem:$0x12800] =	vst v63  }
0x299: {  	s16 =	sadd.s32 $0x10930, s1;
	s17 =	sadd.s32 $0x60, s12;
	s18 =	sadd.s32 $0x109B8, s1  }
0x29a: {  	[hbm4b:s17+s3] =	stream.linear.scatter [tilespmem:s16], [sflag:$0x6], $0x80, $0x38;
	[tilespmem:$0x12800] =	vst v63  }
0x29b: {  	s5 =	sadd.s32 $0x70, s12;
	s1 =	sshrl.u32 @!p0 s31, $0x2;
	s17 =	simm.s32 $0x2  }
0x29c: {  	s12 =	sadd.s32 @!p0 $0x280, s1;
	s16 =	simm.s32 @!p0 $0x8400;
	v3 =	vmov s17;
	s17 =	simm.s32 $0x5  }
0x29d: {  	[hbm4b:s5+s3] =	stream.linear.scatter [tilespmem:s18], [sflag:$0x6], $0x80, $0x38;
	[tilespmem:$0x12800] =	vst v63  }
0x29e: {  	s18 =	simm.s32 $0x3;
	s5 =	simm.s32 $0x4;
	v6 =	vmov s17;
	s17 =	simm.s32 $0x8;
	v3 =	vshrl.u32 v3, $0x3  }
0x29f: {  	v4 =	vmov s18;
	v5 =	vmov s5;
	s18 =	simm.s32 $0x6;
	s5 =	simm.s32 $0x7;
	v9 =	vmov s17;
	s17 =	simm.s32 $0xC  }
0x2a0: {  	v6 =	vshrl.u32 v6, $0x3;
	[tilespmem:s16], [sflag:$0x2] =	stream.indirect.gather @!p0 [hbm4b:s4+s15], $0x40, s12, s15, $0xb8;
	v7 =	vmov s18;
	v8 =	vmov s5;
	[tilespmem:$0x12800] =	vst v63  }
0x2a1: {  	s15 =	simm.s32 $0x0;
	v35 =	vmov s17;
	v4 =	vshrl.u32 v4, $0x3;
	v5 =	vshrl.u32 v5, $0x3  }
0x2a2: {  	s16 =	simm.s32 $0x1;
	s18 =	simm.s32 $0x9;
	s5 =	simm.s32 $0xA;
	v9 =	vshrl.u32 v9, $0x3;
	v6 =	vshll.u32 v6, v1;
	v0 =	vmov s15  }
0x2a3: {  	v2 =	vmov s16;
	v10 =	vmov s18;
	s15 =	simm.s32 $0xB;
	v11 =	vmov s5  }
0x2a4: {  	_ =	swait.ge [sflag:s25], $0x2000;
	v7 =	vshrl.u32 v7, $0x3;
	v8 =	vshrl.u32 v8, $0x3;
	v34 =	vmov s15;
	s15 =	simm.s32 $0xF  }
0x2a5: {  	s18 =	simm.s32 $0xD;
	v35 =	vshrl.u32 v35, $0x3;
	v40 =	vbroadcast v6, $0x0;
	[sflag:s25] =	ssyncset.done $0x0;
	v33 =	vmov s15  }
0x2a6: {  	s5 =	simm.s32 $0xE;
	v0 =	vshrl.u32 v0, $0x3;
	v36 =	vmov s18;
	[sflag:s25] =	ssyncadd.s32 $0xFFFFE000;
	v33 =	vshrl.u32 v33, $0x3  }
0x2a7: {  	v37 =	vmov s5;
	v2 =	vshrl.u32 v2, $0x3;
	_ =	swait.ge [sflag:s26], $0x2000;
	v33 =	vshll.u32 v33, v1  }
0x2a8: {  	v10 =	vshrl.u32 v10, $0x3;
	v0 =	vshll.u32 v0, v1;
	[sflag:s26] =	ssyncset.done $0x0;
	v48 =	vbroadcast v33, $0x0  }
0x2a9: {  	s12 =	simm.s32 $0xA7F0;
	v11 =	vshrl.u32 v11, $0x3;
	[sflag:s26] =	ssyncadd.s32 $0xFFFFE000;
	v33 =	vbroadcast v0, $0x0;
	v0 =	vshll.u32 v2, v1  }
0x2aa: {  	v47 =	vbroadcast v0, $0x0;
	v0 =	vshll.u32 v3, v1;
	v2 =	vld [tilespmem:s12+$0xFFFFFFD0];
	v3 =	vadd.s32 v58, v48  }
0x2ab: {  	v38 =	vld [tilespmem:s12+$0xFFFFFC10];
	v41 =	vadd.s32 v12, v33;
	v46 =	vbroadcast v0, $0x0;
	v0 =	vshll.u32 v4, v1  }
0x2ac: {  	v4 =	vld [tilespmem:s12+$0xFFFFFC50];
	v42 =	vadd.s32 v16, v47;
	v45 =	vbroadcast v0, $0x0;
	v0 =	vshll.u32 v5, v1  }
0x2ad: {  	v52 =	vshll.u32 v7, v1;
	v5 =	vld [tilespmem:s12+$0xFFFFFC90];
	v43 =	vadd.s32 v20, v46;
	v39 =	vbroadcast v0, $0x0  }
0x2ae: {  	v7 =	vadd.s32 v32, v40;
	v11 =	vshll.u32 v11, v1;
	v63 =	vld [tilespmem:s12+$0xFFFFFCD0];
	v44 =	vadd.s32 v24, v45  }
0x2af: {  	v49 =	vld [tilespmem:s12+$0xFFFFFD10];
	v6 =	vadd.s32 v56, v48;
	v0 =	vshrl.u32 v34, $0x3;
	v50 =	vadd.s32 v28, v39;
	[tilespmem:v3+s21+$0x0] =	vst.idx.msk $0xffff, v2  }
0x2b0: {  	v0 =	vshll.u32 v0, v1;
	[tilespmem:v41+s21+$0x0] =	vst.idx.msk $0xffff, v38;
	v38 =	vbroadcast v52, $0x0;
	v2 =	vshll.u32 v8, v1;
	v3 =	vld [tilespmem:s12+$0xFFFFFFE0]  }
0x2b1: {  	v34 =	vbroadcast v0, $0x0;
	[tilespmem:v42+s21+$0x0] =	vst.idx.msk $0xffff, v4;
	v4 =	vld [tilespmem:s12+$0xFFFFFD50];
	v41 =	vbroadcast v2, $0x0;
	v2 =	vshll.u32 v9, v1  }
0x2b2: {  	[tilespmem:v43+s21+$0x0] =	vst.idx.msk $0xffff, v5;
	v5 =	vld [tilespmem:s12+$0xFFFFFD90];
	v8 =	vadd.s32 v53, v38;
	v42 =	vbroadcast v2, $0x0;
	v2 =	vshll.u32 v10, v1  }
0x2b3: {  	v0 =	vshll.u32 v35, v1;
	v9 =	vld [tilespmem:s12+$0xFFFFFDD0];
	[tilespmem:v44+s21+$0x0] =	vst.idx.msk $0xffff, v63;
	v63 =	vadd.s32 v58, v41;
	v43 =	vbroadcast v2, $0x0  }
0x2b4: {  	v35 =	vbroadcast v0, $0x0;
	v2 =	vshrl.u32 v36, $0x3;
	[tilespmem:v50+s21+$0x0] =	vst.idx.msk $0xffff, v49;
	v49 =	vld [tilespmem:s12+$0xFFFFFE10];
	v50 =	vadd.s32 v12, v42  }
0x2b5: {  	v51 =	vld [tilespmem:s12+$0xFFFFFE50];
	v44 =	vbroadcast v11, $0x0;
	v0 =	vshll.u32 v2, v1;
	v52 =	vadd.s32 v16, v43;
	[tilespmem:v6+s21+$0x0] =	vst.idx.msk $0xffff, v3  }
0x2b6: {  	v37 =	vshrl.u32 v37, $0x3;
	v36 =	vbroadcast v0, $0x0;
	[tilespmem:v7+s21+$0x0] =	vst.idx.msk $0xffff, v4;
	v4 =	vadd.s32 v59, v48;
	v3 =	vld [tilespmem:s12+$0xFFFFFFF0]  }
0x2b7: {  	v58 =	vadd.s32 v20, v44;
	v0 =	vshll.u32 v37, v1;
	[tilespmem:v8+s21+$0x0] =	vst.idx.msk $0xffff, v5;
	v5 =	vld [tilespmem:s12+$0xFFFFFE90]  }
0x2b8: {  	v37 =	vbroadcast v0, $0x0;
	v0 =	vld [tilespmem:s12+$0xFFFFFF50];
	v10 =	vadd.s32 v32, v36;
	[tilespmem:v63+s21+$0x0] =	vst.idx.msk $0xffff, v9  }
0x2b9: {  	v2 =	vld [tilespmem:s12+$0xFFFFFED0];
	v63 =	vadd.s32 v24, v34;
	[tilespmem:v50+s21+$0x0] =	vst.idx.msk $0xffff, v49  }
0x2ba: {  	v8 =	vld [tilespmem:s12+$0xFFFFFF10];
	v9 =	vadd.s32 v28, v35;
	[tilespmem:v52+s21+$0x0] =	vst.idx.msk $0xffff, v51  }
0x2bb: {  	v53 =	vadd.s32 v53, v37;
	v52 =	vld [tilespmem:s12+$0xFFFFFF90];
	[tilespmem:v4+s21+$0x0] =	vst.idx.msk $0xffff, v3  }
0x2bc: {  	v50 =	vadd.s32 v13, v42;
	v49 =	vld [tilespmem:s12+$0xFFFFFE20];
	[tilespmem:v58+s21+$0x0] =	vst.idx.msk $0xffff, v5  }
0x2bd: {  	v5 =	vld [tilespmem:s12+$0xFFFFFC60];
	v58 =	vadd.s32 v17, v47;
	[tilespmem:v10+s21+$0x0] =	vst.idx.msk $0xffff, v0  }
0x2be: {  	v0 =	vld [tilespmem:s12+$0xFFFFFD20];
	v10 =	vadd.s32 v29, v39;
	[tilespmem:v63+s21+$0x0] =	vst.idx.msk $0xffff, v2  }
0x2bf: {  	v4 =	vadd.s32 v62, v48;
	v3 =	vld [tilespmem:s12+$0x0];
	[tilespmem:v9+s21+$0x0] =	vst.idx.msk $0xffff, v8  }
0x2c0: {  	v2 =	vld [tilespmem:s12+$0xFFFFFCA0];
	v63 =	vadd.s32 v21, v46;
	[tilespmem:v53+s21+$0x0] =	vst.idx.msk $0xffff, v52  }
0x2c1: {  	v8 =	vld [tilespmem:s12+$0xFFFFFCE0];
	v9 =	vadd.s32 v25, v45;
	[tilespmem:v50+s21+$0x0] =	vst.idx.msk $0xffff, v49  }
0x2c2: {  	v52 =	vld [tilespmem:s12+$0xFFFFFD60];
	v53 =	vadd.s32 v31, v40;
	[tilespmem:v58+s21+$0x0] =	vst.idx.msk $0xffff, v5  }
0x2c3: {  	v51 =	vadd.s32 v17, v43;
	[tilespmem:v10+s21+$0x0] =	vst.idx.msk $0xffff, v0;
	v0 =	vld [tilespmem:s12+$0xFFFFFE60]  }
0x2c4: {  	v58 =	vadd.s32 v54, v38;
	[tilespmem:v4+s21+$0x0] =	vst.idx.msk $0xffff, v3;
	v3 =	vld [tilespmem:s12+$0xFFFFFDA0]  }
0x2c5: {  	[tilespmem:v63+s21+$0x0] =	vst.idx.msk $0xffff, v2;
	v2 =	vld [tilespmem:s12+$0xFFFFFDE0];
	v63 =	vadd.s32 v56, v41  }
0x2c6: {  	v11 =	vld [tilespmem:s12+$0xFFFFFC20];
	v48 =	vadd.s32 v13, v33;
	[tilespmem:v9+s21+$0x0] =	vst.idx.msk $0xffff, v8  }
0x2c7: {  	[tilespmem:v53+s21+$0x0] =	vst.idx.msk $0xffff, v52;
	v52 =	vld [tilespmem:s12+$0xFFFFFEA0];
	v53 =	vadd.s32 v21, v44  }
0x2c8: {  	v8 =	vadd.s32 v54, v37;
	[tilespmem:v51+s21+$0x0] =	vst.idx.msk $0xffff, v0;
	v0 =	vld [tilespmem:s12+$0xFFFFFFA0]  }
0x2c9: {  	v4 =	vadd.s32 v25, v34;
	[tilespmem:v58+s21+$0x0] =	vst.idx.msk $0xffff, v3;
	v3 =	vld [tilespmem:s12+$0xFFFFFEE0]  }
0x2ca: {  	v56 =	vadd.s32 v29, v35;
	[tilespmem:v63+s21+$0x0] =	vst.idx.msk $0xffff, v2;
	v2 =	vld [tilespmem:s12+$0xFFFFFF20]  }
0x2cb: {  	[tilespmem:v48+s21+$0x0] =	vst.idx.msk $0xffff, v11;
	v58 =	vld [tilespmem:s12+$0xFFFFFF60];
	v63 =	vadd.s32 v31, v36  }
0x2cc: {  	v51 =	vadd.s32 v55, v38;
	v50 =	vld [tilespmem:s12+$0xFFFFFDB0];
	[tilespmem:v53+s21+$0x0] =	vst.idx.msk $0xffff, v52  }
0x2cd: {  	v52 =	vld [tilespmem:s12+$0xFFFFFC70];
	v53 =	vadd.s32 v18, v47;
	[tilespmem:v8+s21+$0x0] =	vst.idx.msk $0xffff, v0  }
0x2ce: {  	v49 =	vadd.s32 v27, v40;
	v0 =	vld [tilespmem:s12+$0xFFFFFD70];
	[tilespmem:v4+s21+$0x0] =	vst.idx.msk $0xffff, v3  }
0x2cf: {  	v54 =	vadd.s32 v22, v46;
	v3 =	vld [tilespmem:s12+$0xFFFFFCB0];
	[tilespmem:v56+s21+$0x0] =	vst.idx.msk $0xffff, v2  }
0x2d0: {  	v2 =	vld [tilespmem:s12+$0xFFFFFCF0];
	v56 =	vadd.s32 v26, v45;
	[tilespmem:v63+s21+$0x0] =	vst.idx.msk $0xffff, v58  }
0x2d1: {  	v58 =	vld [tilespmem:s12+$0xFFFFFD30];
	v63 =	vadd.s32 v30, v39;
	[tilespmem:v51+s21+$0x0] =	vst.idx.msk $0xffff, v50  }
0x2d2: {  	v7 =	vadd.s32 v55, v37;
	v6 =	vld [tilespmem:s12+$0xFFFFFFB0];
	[tilespmem:v53+s21+$0x0] =	vst.idx.msk $0xffff, v52  }
0x2d3: {  	v48 =	vld [tilespmem:s12+$0xFFFFFC30];
	[tilespmem:v49+s21+$0x0] =	vst.idx.msk $0xffff, v0;
	v49 =	vadd.s32 v14, v33  }
0x2d4: {  	v52 =	vadd.s32 v59, v41;
	[tilespmem:v54+s21+$0x0] =	vst.idx.msk $0xffff, v3;
	v3 =	vld [tilespmem:s12+$0xFFFFFDF0]  }
0x2d5: {  	v53 =	vadd.s32 v14, v42;
	[tilespmem:v56+s21+$0x0] =	vst.idx.msk $0xffff, v2;
	v2 =	vld [tilespmem:s12+$0xFFFFFE30]  }
0x2d6: {  	v0 =	vld [tilespmem:s12+$0xFFFFFEB0];
	[tilespmem:v63+s21+$0x0] =	vst.idx.msk $0xffff, v58;
	v63 =	vadd.s32 v22, v44  }
0x2d7: {  	v54 =	vld [tilespmem:s12+$0xFFFFFE70];
	v56 =	vadd.s32 v18, v43;
	[tilespmem:v7+s21+$0x0] =	vst.idx.msk $0xffff, v6  }
0x2d8: {  	v9 =	vld [tilespmem:s12+$0xFFFFFEF0];
	v58 =	vadd.s32 v26, v34;
	[tilespmem:v49+s21+$0x0] =	vst.idx.msk $0xffff, v48  }
0x2d9: {  	v4 =	vadd.s32 v30, v35;
	[tilespmem:v52+s21+$0x0] =	vst.idx.msk $0xffff, v3;
	v3 =	vld [tilespmem:s12+$0xFFFFFF30]  }
0x2da: {  	v5 =	vadd.s32 v27, v36;
	[tilespmem:v53+s21+$0x0] =	vst.idx.msk $0xffff, v2;
	v2 =	vld [tilespmem:s12+$0xFFFFFF70]  }
0x2db: {  	s17 =	simm.s32 $0x11;
	s16 =	simm.s32 $0x10;
	v47 =	vadd.s32 v19, v47;
	[tilespmem:v63+s21+$0x0] =	vst.idx.msk $0xffff, v0;
	v63 =	vld [tilespmem:s12+$0xFFFFFC80]  }
0x2dc: {  	v55 =	vmov s17;
	s17 =	simm.s32 $0x15;
	v59 =	vmov s16;
	[tilespmem:v56+s21+$0x0] =	vst.idx.msk $0xffff, v54  }
0x2dd: {  	s5 =	simm.s32 $0x13;
	v10 =	vmov s17;
	v11 =	vshrl.u32 v59, $0x3;
	v59 =	vadd.s32 v60, v45;
	v6 =	vld [tilespmem:s12+$0xFFFFFD80];
	[tilespmem:v58+s21+$0x0] =	vst.idx.msk $0xffff, v9  }
0x2de: {  	s17 =	simm.s32 $0x19;
	v8 =	vmov s5;
	v7 =	vadd.s32 v61, v40;
	v56 =	vld [tilespmem:s12+$0xFFFFFCC0];
	v58 =	vadd.s32 v23, v46;
	[tilespmem:v4+s21+$0x0] =	vst.idx.msk $0xffff, v3  }
0x2df: {  	v45 =	vmov s17;
	v61 =	vadd.s32 v62, v41;
	v62 =	vadd.s32 v15, v42;
	v4 =	vld [tilespmem:s12+$0xFFFFFD00];
	[tilespmem:v5+s21+$0x0] =	vst.idx.msk $0xffff, v2  }
0x2e0: {  	s16 =	simm.s32 $0x14;
	s17 =	simm.s32 $0x1D;
	v40 =	vshrl.u32 v8, $0x3;
	v41 =	vshrl.u32 v10, $0x3;
	v44 =	vadd.s32 v23, v44;
	v2 =	vld [tilespmem:s12+$0xFFFFFD40];
	[tilespmem:v47+s21+$0x0] =	vst.idx.msk $0xffff, v63  }
0x2e1: {  	s18 =	simm.s32 $0x12;
	s5 =	simm.s32 $0x17;
	v48 =	vmov s17;
	v9 =	vmov s16;
	s16 =	simm.s32 $0x18;
	v5 =	vadd.s32 v57, v39;
	v63 =	vld [tilespmem:$0x1FF40]  }
0x2e2: {  	v0 =	vmov s18;
	s18 =	simm.s32 $0x16;
	v52 =	vmov s5;
	s5 =	simm.s32 $0x1B;
	v53 =	vmov s16;
	v42 =	vld [tilespmem:s12+$0xFFFFFE80]  }
0x2e3: {  	v54 =	vshll.u32 v11, v1;
	v50 =	vmov s5;
	s16 =	simm.s32 $0x1C;
	v3 =	vmov s18;
	s18 =	simm.s32 $0x1A;
	v57 =	vld [tilespmem:s12+$0xFFFFFDC0];
	[tilespmem:v58+s21+$0x0] =	vst.idx.msk $0xffff, v56  }
0x2e4: {  	v51 =	vmov s16;
	v46 =	vmov s18;
	s18 =	simm.s32 $0x1E;
	v58 =	vld [tilespmem:s12+$0xFFFFFE00];
	v56 =	vshrl.u32 v55, $0x3;
	[tilespmem:v7+s21+$0x0] =	vst.idx.msk $0xffff, v6  }
0x2e5: {  	v55 =	vshrl.u32 v0, $0x3;
	v39 =	vshrl.u32 v3, $0x3;
	v49 =	vmov s18;
	[tilespmem:v59+s21+$0x0] =	vst.idx.msk $0xffff, v4;
	v59 =	vld [tilespmem:s12+$0xFFFFFE40]  }
0x2e6: {  	s15 =	simm.s32 $0x20;
	s16 =	simm.s32 $0x1F;
	[tilespmem:v5+s21+$0x0] =	vst.idx.msk $0xffff, v2;
	v60 =	vadd.s32 v63, v38;
	v38 =	vshrl.u32 v9, $0x3;
	v63 =	vadd.s32 v19, v43;
	v43 =	vld [tilespmem:s12+$0xFFFFFEC0]  }
.LBB2_15:
0x2e7: {  	v3 =	vld [tilespmem:s12+$0xFFFFFF00]  }
0x2e8: {  	v6 =	vld [tilespmem:s12+$0xFFFFFF40]  }
0x2e9: {  	v9 =	vld [tilespmem:s12+$0xFFFFFF80]  }
0x2ea: {  	v0 =	vshrl.u32 v52, $0x3;
	v52 =	vld [tilespmem:$0x1FF70]  }
0x2eb: {  	[tilespmem:v60+s21+$0x0] =	vst.idx.msk $0xffff, v57;
	v60 =	vld [tilespmem:$0x1FEE0]  }
0x2ec: {  	v57 =	vld [tilespmem:$0x1FEF0]  }
0x2ed: {  	[tilespmem:v61+s21+$0x0] =	vst.idx.msk $0xffff, v58;
	v61 =	vld [tilespmem:$0x1FF40]  }
0x2ee: {  	[tilespmem:v62+s21+$0x0] =	vst.idx.msk $0xffff, v59;
	v62 =	vld [tilespmem:$0x1FF00]  }
0x2ef: {  	v2 =	vmov s16;
	v5 =	vshrl.u32 v53, $0x3;
	v53 =	vld [tilespmem:$0x1FF10]  }
0x2f0: {  	v2 =	vshrl.u32 v2, $0x3;
	[tilespmem:v63+s21+$0x0] =	vst.idx.msk $0xffff, v42;
	v42 =	vadd.s32 v15, v33;
	v33 =	vbroadcast v54, $0x0;
	v54 =	vld [tilespmem:$0x1FF50]  }
0x2f1: {  	v8 =	vshrl.u32 v45, $0x3;
	v2 =	vshll.u32 v2, v1;
	v4 =	vadd.s32 v60, v34;
	v34 =	vld [tilespmem:s12+$0xFFFFFFC0]  }
0x2f2: {  	v59 =	vshll.u32 v56, v1;
	v7 =	vadd.s32 v57, v35;
	v35 =	vadd.s32 v61, v37;
	v37 =	vld [tilespmem:s12+$0xFFFFFC40];
	s12 =	sadd.s32 $0x400, s12  }
0x2f3: {  	[tilespmem:v44+s21+$0x0] =	vst.idx.msk $0xffff, v43;
	v45 =	vbroadcast v59, $0x0;
	v59 =	vshll.u32 v38, v1;
	v10 =	vadd.s32 v62, v36;
	v43 =	vld [tilespmem:s12+$0xFFFFFFD0]  }
0x2f4: {  	v11 =	vshrl.u32 v46, $0x3;
	v2 =	vbroadcast v2, $0x0;
	v38 =	vbroadcast v59, $0x0;
	v59 =	vld [tilespmem:s12+$0xFFFFFD10]  }
0x2f5: {  	v63 =	vshll.u32 v55, v1;
	v36 =	vshrl.u32 v50, $0x3;
	v50 =	vshrl.u32 v51, $0x3;
	v51 =	vld [tilespmem:s12+$0xFFFFFE50]  }
0x2f6: {  	v58 =	vshll.u32 v40, v1;
	v55 =	vadd.s32 v52, v2;
	v46 =	vbroadcast v63, $0x0;
	[tilespmem:v4+s21+$0x0] =	vst.idx.msk $0xffff, v3;
	v3 =	vld [tilespmem:s12+$0xFFFFFC10]  }
0x2f7: {  	v40 =	vbroadcast v58, $0x0;
	v56 =	vadd.s32 v12, v33;
	[tilespmem:v7+s21+$0x0] =	vst.idx.msk $0xffff, v6;
	v6 =	vld [tilespmem:s12+$0xFFFFFC50]  }
0x2f8: {  	v39 =	vshll.u32 v39, v1;
	v63 =	vadd.s32 v20, v46;
	[tilespmem:v10+s21+$0x0] =	vst.idx.msk $0xffff, v9;
	v9 =	vld [tilespmem:s12+$0xFFFFFC90]  }
0x2f9: {  	v0 =	vshll.u32 v0, v1;
	v58 =	vadd.s32 v24, v40;
	[tilespmem:v35+s21+$0x0] =	vst.idx.msk $0xffff, v34;
	v34 =	vld [tilespmem:s12+$0xFFFFFCD0]  }
0x2fa: {  	v47 =	vadd.s32 v28, v38;
	[tilespmem:v42+s21+$0x0] =	vst.idx.msk $0xffff, v37;
	v42 =	vbroadcast v0, $0x0;
	v0 =	vshll.u32 v5, v1;
	v5 =	vld [tilespmem:s12+$0xFFFFFD90]  }
0x2fb: {  	v41 =	vshll.u32 v41, v1;
	v39 =	vbroadcast v39, $0x0;
	v7 =	vadd.s32 v16, v45;
	v37 =	vld [tilespmem:s12+$0xFFFFFE10];
	[tilespmem:v55+s21+$0x0] =	vst.idx.msk $0xffff, v43  }
0x2fc: {  	v4 =	vadd.s32 v54, v2;
	v43 =	vbroadcast v0, $0x0;
	v0 =	vshll.u32 v8, v1;
	[tilespmem:v56+s21+$0x0] =	vst.idx.msk $0xffff, v3;
	v3 =	vld [tilespmem:s12+$0xFFFFFFE0]  }
0x2fd: {  	v8 =	vld [tilespmem:s12+$0xFFFFFDD0];
	v44 =	vbroadcast v0, $0x0;
	v0 =	vshrl.u32 v48, $0x3;
	[tilespmem:v63+s21+$0x0] =	vst.idx.msk $0xffff, v9;
	v63 =	vadd.s32 v53, v39  }
0x2fe: {  	v49 =	vshrl.u32 v49, $0x3;
	v48 =	vld [tilespmem:$0x1FF30];
	v0 =	vshll.u32 v0, v1;
	[tilespmem:v58+s21+$0x0] =	vst.idx.msk $0xffff, v34;
	v58 =	vadd.s32 v12, v43  }
0x2ff: {  	[tilespmem:v47+s21+$0x0] =	vst.idx.msk $0xffff, v59;
	v59 =	vshll.u32 v36, v1;
	v36 =	vbroadcast v0, $0x0;
	v0 =	vshll.u32 v49, v1;
	v49 =	vld [tilespmem:$0x1FF20]  }
0x300: {  	v41 =	vbroadcast v41, $0x0;
	v11 =	vshll.u32 v11, v1;
	[tilespmem:v7+s21+$0x0] =	vst.idx.msk $0xffff, v6;
	v6 =	vld [tilespmem:s12+$0xFFFFFD50];
	v56 =	vadd.s32 v52, v42  }
0x301: {  	v47 =	vbroadcast v11, $0x0;
	v52 =	vadd.s32 v16, v44;
	[tilespmem:v4+s21+$0x0] =	vst.idx.msk $0xffff, v3;
	v3 =	vshll.u32 v50, v1;
	v50 =	vld [tilespmem:$0x1FF60]  }
0x302: {  	v7 =	vadd.s32 v32, v41;
	[tilespmem:v63+s21+$0x0] =	vst.idx.msk $0xffff, v5;
	v63 =	vld [tilespmem:s12+$0xFFFFFE90]  }
0x303: {  	v55 =	vadd.s32 v20, v47;
	v34 =	vbroadcast v59, $0x0;
	[tilespmem:v58+s21+$0x0] =	vst.idx.msk $0xffff, v37;
	v58 =	vld [tilespmem:s12+$0xFFFFFF10]  }
0x304: {  	v11 =	vadd.s32 v32, v36;
	v37 =	vbroadcast v0, $0x0;
	v0 =	vld [tilespmem:s12+$0xFFFFFF50]  }
0x305: {  	[tilespmem:v56+s21+$0x0] =	vst.idx.msk $0xffff, v8;
	v56 =	vadd.s32 v24, v34;
	v35 =	vbroadcast v3, $0x0;
	v3 =	vld [tilespmem:s12+$0xFFFFFED0]  }
0x306: {  	[tilespmem:v52+s21+$0x0] =	vst.idx.msk $0xffff, v51;
	v52 =	vld [tilespmem:s12+$0xFFFFFF90];
	v53 =	vadd.s32 v53, v37  }
0x307: {  	[tilespmem:v7+s21+$0x0] =	vst.idx.msk $0xffff, v6;
	v5 =	vld [tilespmem:s12+$0xFFFFFC60];
	v59 =	vadd.s32 v28, v35  }
0x308: {  	v4 =	vld [tilespmem:s12+$0xFFFFFFF0];
	v6 =	vadd.s32 v50, v2;
	[tilespmem:v55+s21+$0x0] =	vst.idx.msk $0xffff, v63  }
0x309: {  	v63 =	vld [tilespmem:$0x1FF80];
	v55 =	vadd.s32 v17, v45;
	[tilespmem:v11+s21+$0x0] =	vst.idx.msk $0xffff, v0  }
0x30a: {  	v10 =	vadd.s32 v29, v38;
	v0 =	vld [tilespmem:s12+$0xFFFFFD20];
	[tilespmem:v56+s21+$0x0] =	vst.idx.msk $0xffff, v3  }
0x30b: {  	v3 =	vld [tilespmem:s12+$0xFFFFFCA0];
	v56 =	vadd.s32 v21, v46;
	[tilespmem:v53+s21+$0x0] =	vst.idx.msk $0xffff, v52  }
0x30c: {  	v52 =	vld [tilespmem:s12+$0xFFFFFD60];
	v53 =	vadd.s32 v31, v41;
	[tilespmem:v59+s21+$0x0] =	vst.idx.msk $0xffff, v58  }
0x30d: {  	v58 =	vld [tilespmem:s12+$0xFFFFFCE0];
	v59 =	vadd.s32 v25, v40;
	[tilespmem:v6+s21+$0x0] =	vst.idx.msk $0xffff, v4  }
0x30e: {  	v2 =	vadd.s32 v63, v2;
	[tilespmem:v55+s21+$0x0] =	vst.idx.msk $0xffff, v5;
	v4 =	vld [tilespmem:s12+$0x0]  }
0x30f: {  	v51 =	vadd.s32 v17, v44;
	[tilespmem:v10+s21+$0x0] =	vst.idx.msk $0xffff, v0;
	v0 =	vld [tilespmem:s12+$0xFFFFFE60]  }
0x310: {  	[tilespmem:v56+s21+$0x0] =	vst.idx.msk $0xffff, v3;
	v3 =	vld [tilespmem:s12+$0xFFFFFDE0];
	v56 =	vadd.s32 v54, v42  }
0x311: {  	v9 =	vld [tilespmem:s12+$0xFFFFFEA0];
	[tilespmem:v53+s21+$0x0] =	vst.idx.msk $0xffff, v52;
	v52 =	vadd.s32 v21, v47  }
0x312: {  	[tilespmem:v59+s21+$0x0] =	vst.idx.msk $0xffff, v58;
	v58 =	vld [tilespmem:s12+$0xFFFFFE20];
	v59 =	vadd.s32 v13, v43  }
0x313: {  	v55 =	vadd.s32 v49, v39;
	[tilespmem:v2+s21+$0x0] =	vst.idx.msk $0xffff, v4;
	v2 =	vld [tilespmem:s12+$0xFFFFFDA0]  }
0x314: {  	v8 =	vadd.s32 v49, v37;
	[tilespmem:v51+s21+$0x0] =	vst.idx.msk $0xffff, v0;
	v0 =	vld [tilespmem:s12+$0xFFFFFFA0]  }
0x315: {  	v54 =	vadd.s32 v29, v35;
	[tilespmem:v56+s21+$0x0] =	vst.idx.msk $0xffff, v3;
	v3 =	vld [tilespmem:s12+$0xFFFFFF20]  }
0x316: {  	v51 =	vld [tilespmem:s12+$0xFFFFFC70];
	[tilespmem:v52+s21+$0x0] =	vst.idx.msk $0xffff, v9;
	v52 =	vadd.s32 v18, v45  }
0x317: {  	[tilespmem:v59+s21+$0x0] =	vst.idx.msk $0xffff, v58;
	v58 =	vld [tilespmem:s12+$0xFFFFFC20];
	v59 =	vadd.s32 v13, v33  }
0x318: {  	v53 =	vadd.s32 v25, v34;
	[tilespmem:v55+s21+$0x0] =	vst.idx.msk $0xffff, v2;
	v2 =	vld [tilespmem:s12+$0xFFFFFEE0]  }
0x319: {  	v56 =	vadd.s32 v31, v36;
	[tilespmem:v8+s21+$0x0] =	vst.idx.msk $0xffff, v0;
	v55 =	vld [tilespmem:s12+$0xFFFFFF60]  }
0x31a: {  	[tilespmem:v54+s21+$0x0] =	vst.idx.msk $0xffff, v3;
	v3 =	vld [tilespmem:s12+$0xFFFFFCF0];
	v54 =	vadd.s32 v26, v40  }
0x31b: {  	v7 =	vadd.s32 v48, v37;
	v6 =	vld [tilespmem:s12+$0xFFFFFFB0];
	[tilespmem:v52+s21+$0x0] =	vst.idx.msk $0xffff, v51  }
0x31c: {  	v0 =	vld [tilespmem:s12+$0xFFFFFD70];
	[tilespmem:v59+s21+$0x0] =	vst.idx.msk $0xffff, v58;
	v58 =	vadd.s32 v27, v41  }
0x31d: {  	[tilespmem:v53+s21+$0x0] =	vst.idx.msk $0xffff, v2;
	v2 =	vld [tilespmem:s12+$0xFFFFFCB0];
	v53 =	vadd.s32 v22, v46  }
0x31e: {  	v52 =	vadd.s32 v48, v39;
	v59 =	vld [tilespmem:s12+$0xFFFFFDB0];
	[tilespmem:v56+s21+$0x0] =	vst.idx.msk $0xffff, v55  }
0x31f: {  	v49 =	vadd.s32 v14, v33;
	v48 =	vld [tilespmem:s12+$0xFFFFFC30];
	[tilespmem:v54+s21+$0x0] =	vst.idx.msk $0xffff, v3  }
0x320: {  	v55 =	vld [tilespmem:s12+$0xFFFFFD30];
	v56 =	vadd.s32 v30, v38;
	[tilespmem:v7+s21+$0x0] =	vst.idx.msk $0xffff, v6  }
0x321: {  	v3 =	vld [tilespmem:s12+$0xFFFFFE30];
	v54 =	vadd.s32 v14, v43;
	[tilespmem:v58+s21+$0x0] =	vst.idx.msk $0xffff, v0  }
0x322: {  	[tilespmem:v53+s21+$0x0] =	vst.idx.msk $0xffff, v2;
	v2 =	vld [tilespmem:s12+$0xFFFFFDF0];
	v53 =	vadd.s32 v50, v42  }
0x323: {  	v10 =	vadd.s32 v26, v34;
	v9 =	vld [tilespmem:s12+$0xFFFFFEF0];
	[tilespmem:v52+s21+$0x0] =	vst.idx.msk $0xffff, v59  }
0x324: {  	v0 =	vld [tilespmem:s12+$0xFFFFFEB0];
	v58 =	vadd.s32 v22, v47;
	[tilespmem:v49+s21+$0x0] =	vst.idx.msk $0xffff, v48  }
0x325: {  	[tilespmem:v56+s21+$0x0] =	vst.idx.msk $0xffff, v55;
	v55 =	vld [tilespmem:s12+$0xFFFFFE70];
	v56 =	vadd.s32 v18, v44  }
0x326: {  	s17 =	sadd.s32 $0x3, s15;
	v5 =	vadd.s32 v27, v36;
	v4 =	vadd.s32 v30, v35;
	[tilespmem:v54+s21+$0x0] =	vst.idx.msk $0xffff, v3;
	v3 =	vld [tilespmem:s12+$0xFFFFFF70]  }
0x327: {  	v8 =	vmov s17;
	v40 =	vadd.s32 v60, v40;
	v60 =	vadd.s32 v61, v39;
	[tilespmem:v53+s21+$0x0] =	vst.idx.msk $0xffff, v2;
	v2 =	vld [tilespmem:s12+$0xFFFFFF30]  }
0x328: {  	s5 =	sadd.s32 $0x2, s15;
	v61 =	vadd.s32 v63, v42;
	v7 =	vadd.s32 v62, v41;
	v59 =	vmov s15;
	v6 =	vld [tilespmem:s12+$0xFFFFFD80];
	[tilespmem:v10+s21+$0x0] =	vst.idx.msk $0xffff, v9  }
0x329: {  	v11 =	vshrl.u32 v59, $0x3;
	v59 =	vadd.s32 v23, v46;
	[tilespmem:v58+s21+$0x0] =	vst.idx.msk $0xffff, v0;
	v0 =	vmov s5;
	s5 =	sadd.s32 $0x5, s15;
	v58 =	vld [tilespmem:s12+$0xFFFFFCC0]  }
0x32a: {  	s18 =	sadd.s32 $0x1, s15;
	v63 =	vadd.s32 v19, v44;
	v54 =	vld [tilespmem:s12+$0xFFFFFC80];
	v10 =	vmov s5;
	s5 =	sadd.s32 $0x7, s15;
	[tilespmem:v56+s21+$0x0] =	vst.idx.msk $0xffff, v55;
	v56 =	vadd.s32 v19, v45  }
0x32b: {  	v52 =	vmov s5;
	s5 =	sadd.s32 $0x9, s15;
	v55 =	vmov s18;
	s18 =	sadd.s32 $0x4, s15;
	[tilespmem:v5+s21+$0x0] =	vst.idx.msk $0xffff, v3;
	v3 =	vld [tilespmem:s12+$0xFFFFFD40];
	v5 =	vadd.s32 v57, v38  }
0x32c: {  	p1 =	slt.u32 s15, $0x70;
	v62 =	vadd.s32 v15, v43;
	v45 =	vmov s5;
	s5 =	sadd.s32 $0xB, s15;
	v9 =	vmov s18;
	s18 =	sadd.s32 $0x6, s15;
	[tilespmem:v4+s21+$0x0] =	vst.idx.msk $0xffff, v2;
	v4 =	vld [tilespmem:s12+$0xFFFFFD00]  }
.Ltmp9:
0x32d: {  	v44 =	vadd.s32 v23, v47;
	[tilespmem:v7+s21+$0x0] =	vst.idx.msk $0xffff, v6;
	v43 =	vld [tilespmem:s12+$0xFFFFFEC0];
	v50 =	vmov s5;
	s5 =	sadd.s32 $0xD, s15;
	v2 =	vmov s18;
	s18 =	sadd.s32 $0x8, s15;
	(pc) =	sbr.rel @p1 .LBB2_15-.Ltmp9, $4  }
0x32e: {  	v41 =	vshrl.u32 v10, $0x3;
	v57 =	vld [tilespmem:s12+$0xFFFFFDC0];
	v48 =	vmov s5;
	[tilespmem:v59+s21+$0x0] =	vst.idx.msk $0xffff, v58;
	v53 =	vmov s18;
	s18 =	sadd.s32 $0xA, s15  }
0x32f: {  	v42 =	vld [tilespmem:s12+$0xFFFFFE80];
	v38 =	vshrl.u32 v9, $0x3;
	[tilespmem:v56+s21+$0x0] =	vst.idx.msk $0xffff, v54;
	v54 =	vshll.u32 v11, v1;
	v46 =	vmov s18;
	s18 =	sadd.s32 $0xC, s15  }
0x330: {  	v58 =	vld [tilespmem:s12+$0xFFFFFE00];
	v56 =	vshrl.u32 v55, $0x3;
	v55 =	vshrl.u32 v0, $0x3;
	[tilespmem:v5+s21+$0x0] =	vst.idx.msk $0xffff, v3;
	v51 =	vmov s18;
	s18 =	sadd.s32 $0xE, s15  }
0x331: {  	s16 =	sadd.s32 $0xF, s15;
	v59 =	vld [tilespmem:s12+$0xFFFFFE40];
	v39 =	vshrl.u32 v2, $0x3;
	s15 =	sadd.s32 $0x10, s15;
	v49 =	vmov s18;
	[tilespmem:v40+s21+$0x0] =	vst.idx.msk $0xffff, v4;
	v40 =	vshrl.u32 v8, $0x3  }
0x332: {  	_ =	sdelay $0x3  }
0x333: {  	v11 =	vshrl.u32 v46, $0x3;
	v46 =	vld [tilespmem:s12+$0xFFFFFC40];
	[tilespmem:v60+s21+$0x0] =	vst.idx.msk $0xffff, v57  }
0x334: {  	v60 =	vld [tilespmem:$0x1FEE0];
	[tilespmem:v61+s21+$0x0] =	vst.idx.msk $0xffff, v58  }
0x335: {  	v57 =	vld [tilespmem:$0x1FEF0];
	[tilespmem:v62+s21+$0x0] =	vst.idx.msk $0xffff, v59  }
0x336: {  	v62 =	vld [tilespmem:$0x1FF00];
	[tilespmem:v63+s21+$0x0] =	vst.idx.msk $0xffff, v42  }
0x337: {  	v61 =	vld [tilespmem:$0x1FF40];
	[tilespmem:v44+s21+$0x0] =	vst.idx.msk $0xffff, v43  }
0x338: {  	v2 =	vmov s16;
	v47 =	vadd.s32 v15, v33;
	v58 =	vld [tilespmem:$0x1FF70]  }
0x339: {  	v3 =	vld [tilespmem:s12+$0xFFFFFF00];
	v2 =	vshrl.u32 v2, $0x3;
	v4 =	vadd.s32 v60, v34  }
0x33a: {  	v6 =	vld [tilespmem:s12+$0xFFFFFF40];
	v2 =	vshll.u32 v2, v1;
	v7 =	vadd.s32 v57, v35  }
0x33b: {  	v9 =	vld [tilespmem:s12+$0xFFFFFF80];
	v2 =	vbroadcast v2, $0x0;
	v10 =	vadd.s32 v62, v36  }
0x33c: {  	v8 =	vshrl.u32 v45, $0x3;
	s16 =	sadd.s32 $0x400, s12;
	v42 =	vld [tilespmem:s12+$0xFFFFFFC0];
	v34 =	vbroadcast v54, $0x0;
	v45 =	vadd.s32 v61, v37  }
0x33d: {  	v43 =	vld [tilespmem:s16+$0xFFFFFFD0];
	[tilespmem:v47+s21+$0x0] =	vst.idx.msk $0xffff, v46;
	v54 =	vadd.s32 v58, v2  }
0x33e: {  	v5 =	vshrl.u32 v53, $0x3;
	v53 =	vshll.u32 v55, v1;
	v55 =	vadd.s32 v12, v34;
	[tilespmem:v4+s21+$0x0] =	vst.idx.msk $0xffff, v3;
	v3 =	vld [tilespmem:s16+$0xFFFFFC10]  }
0x33f: {  	v0 =	vshrl.u32 v52, $0x3;
	v52 =	vshll.u32 v56, v1;
	[tilespmem:v7+s21+$0x0] =	vst.idx.msk $0xffff, v6  }
0x340: {  	v33 =	vbroadcast v52, $0x0;
	[tilespmem:v10+s21+$0x0] =	vst.idx.msk $0xffff, v9  }
0x341: {  	v35 =	vbroadcast v53, $0x0;
	[tilespmem:v45+s21+$0x0] =	vst.idx.msk $0xffff, v42  }
0x342: {  	v6 =	vld [tilespmem:s16+$0xFFFFFC50];
	v7 =	vadd.s32 v16, v33;
	[tilespmem:v54+s21+$0x0] =	vst.idx.msk $0xffff, v43  }
0x343: {  	v56 =	vshll.u32 v40, v1;
	v63 =	vadd.s32 v20, v35;
	v9 =	vld [tilespmem:s16+$0xFFFFFC90];
	[tilespmem:v55+s21+$0x0] =	vst.idx.msk $0xffff, v3  }
0x344: {  	v59 =	vshll.u32 v38, v1;
	v36 =	vbroadcast v56, $0x0;
	v56 =	vld [tilespmem:$0x1FF50]  }
0x345: {  	v46 =	vld [tilespmem:s16+$0xFFFFFD10];
	v37 =	vbroadcast v59, $0x0;
	v59 =	vshll.u32 v41, v1  }
0x346: {  	v38 =	vbroadcast v59, $0x0;
	v42 =	vld [tilespmem:s16+$0xFFFFFCD0];
	v45 =	vadd.s32 v24, v36  }
0x347: {  	v47 =	vadd.s32 v28, v37;
	v3 =	vld [tilespmem:s16+$0xFFFFFFE0];
	[tilespmem:v7+s21+$0x0] =	vst.idx.msk $0xffff, v6  }
0x348: {  	v6 =	vld [tilespmem:s16+$0xFFFFFD50];
	v7 =	vadd.s32 v32, v38;
	[tilespmem:v63+s21+$0x0] =	vst.idx.msk $0xffff, v9  }
0x349: {  	v54 =	vld [tilespmem:$0x1FF10];
	v4 =	vadd.s32 v56, v2;
	_ =	sdelay $0x1  }
0x34a: {  	v39 =	vshll.u32 v39, v1;
	[tilespmem:v45+s21+$0x0] =	vst.idx.msk $0xffff, v42  }
0x34b: {  	v39 =	vbroadcast v39, $0x0;
	v0 =	vshll.u32 v0, v1;
	[tilespmem:v47+s21+$0x0] =	vst.idx.msk $0xffff, v46  }
0x34c: {  	v50 =	vshrl.u32 v50, $0x3;
	v40 =	vbroadcast v0, $0x0;
	v0 =	vshll.u32 v5, v1;
	[tilespmem:v7+s21+$0x0] =	vst.idx.msk $0xffff, v6  }
0x34d: {  	v5 =	vld [tilespmem:s16+$0xFFFFFD90];
	v59 =	vshll.u32 v50, v1;
	v63 =	vadd.s32 v54, v39;
	[tilespmem:v4+s21+$0x0] =	vst.idx.msk $0xffff, v3  }
0x34e: {  	v41 =	vbroadcast v0, $0x0;
	v0 =	vshll.u32 v8, v1;
	v44 =	vbroadcast v59, $0x0;
	v59 =	vld [tilespmem:$0x1FF60]  }
0x34f: {  	v11 =	vshll.u32 v11, v1;
	v8 =	vld [tilespmem:s16+$0xFFFFFDD0];
	v10 =	vadd.s32 v58, v40;
	v42 =	vbroadcast v0, $0x0  }
0x350: {  	v43 =	vbroadcast v11, $0x0;
	v0 =	vshrl.u32 v48, $0x3;
	v47 =	vld [tilespmem:s16+$0xFFFFFE10];
	v48 =	vadd.s32 v12, v41  }
0x351: {  	v52 =	vld [tilespmem:s16+$0xFFFFFE50];
	v53 =	vadd.s32 v16, v42  }
0x352: {  	[tilespmem:v63+s21+$0x0] =	vst.idx.msk $0xffff, v5;
	v5 =	vld [tilespmem:s16+$0xFFFFFE90];
	v63 =	vadd.s32 v20, v43  }
0x353: {  	v4 =	vld [tilespmem:s16+$0xFFFFFFF0];
	v6 =	vadd.s32 v59, v2  }
0x354: {  	[tilespmem:v10+s21+$0x0] =	vst.idx.msk $0xffff, v8  }
0x355: {  	[tilespmem:v48+s21+$0x0] =	vst.idx.msk $0xffff, v47  }
0x356: {  	v51 =	vshrl.u32 v51, $0x3;
	[tilespmem:v53+s21+$0x0] =	vst.idx.msk $0xffff, v52  }
0x357: {  	v3 =	vshll.u32 v51, v1;
	[tilespmem:v63+s21+$0x0] =	vst.idx.msk $0xffff, v5  }
0x358: {  	v49 =	vshrl.u32 v49, $0x3;
	v0 =	vshll.u32 v0, v1;
	v45 =	vbroadcast v3, $0x0;
	v3 =	vld [tilespmem:s16+$0xFFFFFED0];
	[tilespmem:v6+s21+$0x0] =	vst.idx.msk $0xffff, v4  }
0x359: {  	v46 =	vbroadcast v0, $0x0;
	v0 =	vshll.u32 v49, v1;
	v8 =	vadd.s32 v24, v44;
	v50 =	vld [tilespmem:$0x1FF80]  }
0x35a: {  	v9 =	vld [tilespmem:s16+$0xFFFFFF10];
	v47 =	vbroadcast v0, $0x0;
	v10 =	vadd.s32 v28, v45  }
0x35b: {  	v0 =	vld [tilespmem:s16+$0xFFFFFF50];
	v52 =	vadd.s32 v32, v46  }
0x35c: {  	v53 =	vld [tilespmem:s16+$0xFFFFFF90];
	v55 =	vadd.s32 v54, v47  }
0x35d: {  	v5 =	vld [tilespmem:s16+$0xFFFFFC60];
	v63 =	vadd.s32 v17, v33  }
0x35e: {  	v4 =	vld [tilespmem:s16+$0x0];
	[tilespmem:v8+s21+$0x0] =	vst.idx.msk $0xffff, v3;
	v2 =	vadd.s32 v50, v2  }
0x35f: {  	v6 =	vld [tilespmem:s16+$0xFFFFFE20];
	[tilespmem:v10+s21+$0x0] =	vst.idx.msk $0xffff, v9  }
0x360: {  	v7 =	vadd.s32 v21, v35;
	v3 =	vld [tilespmem:s16+$0xFFFFFCA0];
	[tilespmem:v52+s21+$0x0] =	vst.idx.msk $0xffff, v0  }
0x361: {  	v0 =	vld [tilespmem:s16+$0xFFFFFD20];
	v52 =	vadd.s32 v29, v37;
	[tilespmem:v55+s21+$0x0] =	vst.idx.msk $0xffff, v53  }
0x362: {  	v53 =	vld [tilespmem:s16+$0xFFFFFD60];
	v55 =	vadd.s32 v31, v38;
	[tilespmem:v63+s21+$0x0] =	vst.idx.msk $0xffff, v5  }
0x363: {  	v51 =	vadd.s32 v13, v41;
	v8 =	vld [tilespmem:s16+$0xFFFFFCE0];
	[tilespmem:v2+s21+$0x0] =	vst.idx.msk $0xffff, v4  }
0x364: {  	v9 =	vadd.s32 v25, v36;
	v49 =	vld [tilespmem:$0x1FF20]  }
0x365: {  	v5 =	vadd.s32 v56, v40;
	[tilespmem:v7+s21+$0x0] =	vst.idx.msk $0xffff, v3;
	v3 =	vld [tilespmem:s16+$0xFFFFFDE0]  }
0x366: {  	[tilespmem:v52+s21+$0x0] =	vst.idx.msk $0xffff, v0;
	v0 =	vld [tilespmem:s16+$0xFFFFFE60];
	v52 =	vadd.s32 v17, v42  }
0x367: {  	[tilespmem:v55+s21+$0x0] =	vst.idx.msk $0xffff, v53;
	v53 =	vld [tilespmem:s16+$0xFFFFFEA0];
	v55 =	vadd.s32 v21, v43  }
0x368: {  	[tilespmem:v51+s21+$0x0] =	vst.idx.msk $0xffff, v6;
	v6 =	vld [tilespmem:s16+$0xFFFFFF60];
	v7 =	vadd.s32 v31, v46  }
0x369: {  	v2 =	vld [tilespmem:s16+$0xFFFFFDA0];
	[tilespmem:v9+s21+$0x0] =	vst.idx.msk $0xffff, v8;
	v63 =	vadd.s32 v49, v39  }
0x36a: {  	[tilespmem:v5+s21+$0x0] =	vst.idx.msk $0xffff, v3;
	v3 =	vld [tilespmem:s16+$0xFFFFFF20];
	v5 =	vadd.s32 v29, v45  }
0x36b: {  	[tilespmem:v52+s21+$0x0] =	vst.idx.msk $0xffff, v0;
	v0 =	vld [tilespmem:s16+$0xFFFFFFA0];
	v8 =	vadd.s32 v49, v47  }
0x36c: {  	v11 =	vld [tilespmem:s16+$0xFFFFFC20];
	v52 =	vadd.s32 v13, v34;
	[tilespmem:v55+s21+$0x0] =	vst.idx.msk $0xffff, v53  }
0x36d: {  	v53 =	vld [tilespmem:s16+$0xFFFFFC70];
	v55 =	vadd.s32 v18, v33;
	[tilespmem:v7+s21+$0x0] =	vst.idx.msk $0xffff, v6  }
0x36e: {  	[tilespmem:v63+s21+$0x0] =	vst.idx.msk $0xffff, v2;
	v2 =	vld [tilespmem:s16+$0xFFFFFEE0];
	v63 =	vadd.s32 v25, v44  }
0x36f: {  	[tilespmem:v5+s21+$0x0] =	vst.idx.msk $0xffff, v3  }
0x370: {  	v3 =	vld [tilespmem:s16+$0xFFFFFCF0];
	v5 =	vadd.s32 v26, v36;
	[tilespmem:v8+s21+$0x0] =	vst.idx.msk $0xffff, v0  }
0x371: {  	v51 =	vadd.s32 v30, v37;
	v6 =	vld [tilespmem:s16+$0xFFFFFD30];
	[tilespmem:v52+s21+$0x0] =	vst.idx.msk $0xffff, v11  }
0x372: {  	v0 =	vld [tilespmem:s16+$0xFFFFFD70];
	v8 =	vadd.s32 v27, v38;
	[tilespmem:v55+s21+$0x0] =	vst.idx.msk $0xffff, v53  }
0x373: {  	[tilespmem:v63+s21+$0x0] =	vst.idx.msk $0xffff, v2;
	v2 =	vld [tilespmem:s16+$0xFFFFFCB0];
	v63 =	vadd.s32 v22, v35  }
0x374: {  	v55 =	vld [tilespmem:$0x1FF30]  }
0x375: {  	[tilespmem:v5+s21+$0x0] =	vst.idx.msk $0xffff, v3;
	v3 =	vld [tilespmem:s16+$0xFFFFFE30];
	v5 =	vadd.s32 v14, v41  }
0x376: {  	v48 =	vld [tilespmem:s16+$0xFFFFFE70];
	[tilespmem:v51+s21+$0x0] =	vst.idx.msk $0xffff, v6;
	v51 =	vadd.s32 v18, v42  }
0x377: {  	[tilespmem:v8+s21+$0x0] =	vst.idx.msk $0xffff, v0;
	v0 =	vld [tilespmem:s16+$0xFFFFFEB0];
	v8 =	vadd.s32 v22, v43  }
0x378: {  	[tilespmem:v63+s21+$0x0] =	vst.idx.msk $0xffff, v2;
	v2 =	vld [tilespmem:s16+$0xFFFFFDF0];
	v63 =	vadd.s32 v59, v40  }
0x379: {  	v9 =	vld [tilespmem:s16+$0xFFFFFDB0];
	v53 =	vadd.s32 v55, v39  }
0x37a: {  	[tilespmem:v5+s21+$0x0] =	vst.idx.msk $0xffff, v3;
	v3 =	vld [tilespmem:s16+$0xFFFFFF70];
	v5 =	vadd.s32 v27, v46  }
0x37b: {  	v6 =	vld [tilespmem:s16+$0xFFFFFFB0];
	v43 =	vadd.s32 v23, v43;
	[tilespmem:v51+s21+$0x0] =	vst.idx.msk $0xffff, v48;
	v7 =	vadd.s32 v55, v47  }
0x37c: {  	v11 =	vld [tilespmem:s16+$0xFFFFFC30];
	v48 =	vadd.s32 v14, v34;
	[tilespmem:v8+s21+$0x0] =	vst.idx.msk $0xffff, v0;
	v51 =	vadd.s32 v19, v33  }
0x37d: {  	v0 =	vld [tilespmem:s16+$0xFFFFFC80];
	v33 =	vadd.s32 v57, v37;
	v37 =	vadd.s32 v61, v39;
	[tilespmem:v63+s21+$0x0] =	vst.idx.msk $0xffff, v2  }
0x37e: {  	v39 =	vadd.s32 v50, v40;
	v2 =	vld [tilespmem:s16+$0xFFFFFF30];
	v63 =	vadd.s32 v30, v45;
	[tilespmem:v53+s21+$0x0] =	vst.idx.msk $0xffff, v9  }
0x37f: {  	v40 =	vadd.s32 v15, v41;
	v41 =	vadd.s32 v19, v42;
	v42 =	vld [tilespmem:s16+$0xFFFFFEC0];
	[tilespmem:v5+s21+$0x0] =	vst.idx.msk $0xffff, v3  }
0x380: {  	v52 =	vld [tilespmem:s16+$0xFFFFFEF0];
	v53 =	vadd.s32 v26, v44;
	[tilespmem:v7+s21+$0x0] =	vst.idx.msk $0xffff, v6  }
0x381: {  	v3 =	vld [tilespmem:s16+$0xFFFFFD40];
	[tilespmem:v48+s21+$0x0] =	vst.idx.msk $0xffff, v11  }
0x382: {  	[tilespmem:v51+s21+$0x0] =	vst.idx.msk $0xffff, v0;
	v0 =	vld [tilespmem:s16+$0xFFFFFDC0]  }
0x383: {  	[tilespmem:v63+s21+$0x0] =	vst.idx.msk $0xffff, v2;
	v2 =	vld [tilespmem:s16+$0xFFFFFD00];
	v63 =	vadd.s32 v60, v36  }
0x384: {  	[tilespmem:v43+s21+$0x0] =	vst.idx.msk $0xffff, v42;
	v36 =	vadd.s32 v62, v38;
	v38 =	vld [tilespmem:s16+$0xFFFFFE00]  }
0x385: {  	[tilespmem:v53+s21+$0x0] =	vst.idx.msk $0xffff, v52;
	v52 =	vld [tilespmem:s16+$0xFFFFFCC0];
	v53 =	vadd.s32 v23, v35  }
0x386: {  	v35 =	vld [tilespmem:s16+$0xFFFFFD80];
	[tilespmem:v33+s21+$0x0] =	vst.idx.msk $0xffff, v3  }
0x387: {  	v3 =	vld [tilespmem:s16+$0xFFFFFE80];
	[tilespmem:v37+s21+$0x0] =	vst.idx.msk $0xffff, v0  }
0x388: {  	[tilespmem:v63+s21+$0x0] =	vst.idx.msk $0xffff, v2;
	v2 =	vld [tilespmem:s16+$0xFFFFFE40]  }
0x389: {  	v51 =	vadd.s32 v57, v45;
	v48 =	vld [tilespmem:s16+$0xFFFFFF40];
	[tilespmem:v39+s21+$0x0] =	vst.idx.msk $0xffff, v38  }
0x38a: {  	v44 =	vadd.s32 v60, v44;
	v0 =	vld [tilespmem:s16+$0xFFFFFF00];
	[tilespmem:v53+s21+$0x0] =	vst.idx.msk $0xffff, v52  }
0x38b: {  	v11 =	vld [tilespmem:s16+$0xFFFFFC40];
	v63 =	vadd.s32 v15, v34;
	[tilespmem:v36+s21+$0x0] =	vst.idx.msk $0xffff, v35  }
0x38c: {  	[tilespmem:v41+s21+$0x0] =	vst.idx.msk $0xffff, v3;
	v3 =	vld [tilespmem:s16+$0xFFFFFFC0];
	v53 =	vadd.s32 v61, v47  }
0x38d: {  	v52 =	vadd.s32 v62, v46;
	[tilespmem:v40+s21+$0x0] =	vst.idx.msk $0xffff, v2;
	v2 =	vld [tilespmem:s16+$0xFFFFFF80]  }
0x38e: {  	[tilespmem:v51+s21+$0x0] =	vst.idx.msk $0xffff, v48  }
0x38f: {  	[tilespmem:v44+s21+$0x0] =	vst.idx.msk $0xffff, v0  }
0x390: {  	[tilespmem:v63+s21+$0x0] =	vst.idx.msk $0xffff, v11  }
0x391: {  	[tilespmem:v53+s21+$0x0] =	vst.idx.msk $0xffff, v3  }
0x392: {  	s15 =	sadd.s32 s0, s8;
	s17 =	simm.s32 $0xE400;
	[tilespmem:v52+s21+$0x0] =	vst.idx.msk $0xffff, v2  }
0x393: {  	[hbm4b:s15+s3] =	stream.linear.scatter [tilespmem:s17], [sflag:$0x5], $0x80, $0x38;
	[tilespmem:$0x12800] =	vst v63  }
0x394: {  	s18 =	simm.s32 $0xE488;
	s5 =	sadd.s32 $0x10, s15  }
0x395: {  	[hbm4b:s5+s3] =	stream.linear.scatter [tilespmem:s18], [sflag:$0x5], $0x80, $0x38;
	[tilespmem:$0x12800] =	vst v63  }
0x396: {  	s16 =	simm.s32 $0xE510;
	s17 =	sadd.s32 $0x20, s15  }
0x397: {  	[hbm4b:s17+s3] =	stream.linear.scatter [tilespmem:s16], [sflag:$0x5], $0x80, $0x38;
	[tilespmem:$0x12800] =	vst v63  }
0x398: {  	s18 =	simm.s32 $0xE598;
	s5 =	sadd.s32 $0x30, s15  }
0x399: {  	[hbm4b:s5+s3] =	stream.linear.scatter [tilespmem:s18], [sflag:$0x5], $0x80, $0x38;
	[tilespmem:$0x12800] =	vst v63  }
0x39a: {  	s16 =	simm.s32 $0xE620;
	s17 =	sadd.s32 $0x40, s15  }
0x39b: {  	[hbm4b:s17+s3] =	stream.linear.scatter [tilespmem:s16], [sflag:$0x5], $0x80, $0x38;
	[tilespmem:$0x12800] =	vst v63  }
0x39c: {  	s12 =	simm.s32 $0x440;
	s18 =	simm.s32 $0xE6A8;
	s5 =	sadd.s32 $0x50, s15  }
0x39d: {  	[hbm4b:s5+s3] =	stream.linear.scatter [tilespmem:s18], [sflag:$0x5], $0x80, $0x38;
	[tilespmem:$0x12800] =	vst v63  }
0x39e: {  	s17 =	simm.s32 $0xE730;
	s16 =	simm.s32 $0x2200;
	s18 =	sadd.s32 $0x60, s15  }
0x39f: {  	[hbm4b:s18+s3] =	stream.linear.scatter [tilespmem:s17], [sflag:$0x5], $0x80, $0x38;
	[tilespmem:$0x12800] =	vst v63  }
0x3a0: {  	v63 =	vmovc v27;
	v27 =	vmovc v62;
	v62 =	vmov v50;
	v53 =	vmov v54;
	v54 =	vmov v49;
	s17 =	simm.s32 $0xE7B8;
	s18 =	sadd.s32 $0x70, s15;
	s15 =	sadd.s32 $0x1000, s15  }
.LBB2_17:
0x3a1: {  	[hbm4b:s18+s3] =	stream.linear.scatter [tilespmem:s17], [sflag:$0x5], $0x80, $0x38;
	[tilespmem:$0x12800] =	vst v63  }
0x3a2: {  	s17 =	smov.u32 s12;
	s12 =	smov.u32 s16  }
0x3a3: {  	s5 =	sadd.s32 $0x1100, s16;
	s12 =	sshra.s32 s12, $0x2;
	s18 =	sadd.s32 $0xE400, s17  }
0x3a4: {  	[hbm4b:s15+s3] =	stream.linear.scatter [tilespmem:s18], [sflag:$0x5], $0x80, $0x38;
	[tilespmem:$0x12800] =	vst v63  }
0x3a5: {  	p1 =	sne.s32 s16, $0x7700;
	s16 =	sadd.s32 $0xE488, s17;
	s18 =	sadd.s32 $0x10, s15  }
0x3a6: {  	[hbm4b:s18+s3] =	stream.linear.scatter [tilespmem:s16], [sflag:$0x5], $0x80, $0x38;
	[tilespmem:$0x12800] =	vst v63  }
0x3a7: {  	s16 =	sadd.s32 $0xE510, s17;
	s18 =	sadd.s32 $0x20, s15  }
0x3a8: {  	[hbm4b:s18+s3] =	stream.linear.scatter [tilespmem:s16], [sflag:$0x5], $0x80, $0x38;
	[tilespmem:$0x12800] =	vst v63  }
0x3a9: {  	s16 =	sadd.s32 $0xE598, s17;
	s18 =	sadd.s32 $0x30, s15  }
0x3aa: {  	[hbm4b:s18+s3] =	stream.linear.scatter [tilespmem:s16], [sflag:$0x5], $0x80, $0x38;
	[tilespmem:$0x12800] =	vst v63  }
0x3ab: {  	s16 =	sadd.s32 $0xE620, s17;
	s18 =	sadd.s32 $0x40, s15  }
0x3ac: {  	[hbm4b:s18+s3] =	stream.linear.scatter [tilespmem:s16], [sflag:$0x5], $0x80, $0x38;
	[tilespmem:$0x12800] =	vst v63  }
.Ltmp10:
0x3ad: {  	s16 =	sadd.s32 $0xE6A8, s17;
	s18 =	sadd.s32 $0x50, s15;
	(pc) =	sbr.rel @p1 .LBB2_17-.Ltmp10, $4  }
0x3ae: {  	[hbm4b:s18+s3] =	stream.linear.scatter [tilespmem:s16], [sflag:$0x5], $0x80, $0x38;
	[tilespmem:$0x12800] =	vst v63  }
0x3af: {  	s16 =	sadd.s32 $0xE730, s17;
	s18 =	sadd.s32 $0x60, s15;
	s17 =	sadd.s32 $0xE7B8, s17  }
0x3b0: {  	[hbm4b:s18+s3] =	stream.linear.scatter [tilespmem:s16], [sflag:$0x5], $0x80, $0x38;
	[tilespmem:$0x12800] =	vst v63  }
0x3b1: {  	s18 =	sadd.s32 $0x70, s15;
	s15 =	sadd.s32 $0x1000, s15;
	s16 =	smov.u32 s5  }
0x3b2: {  	[hbm4b:s18+s3] =	stream.linear.scatter [tilespmem:s17], [sflag:$0x5], $0x80, $0x38;
	[tilespmem:$0x12800] =	vst v63  }
0x3b3: {  	s5 =	sadd.s32 $0xE400, s12  }
0x3b4: {  	[hbm4b:s15+s3] =	stream.linear.scatter [tilespmem:s5], [sflag:$0x5], $0x80, $0x38;
	[tilespmem:$0x12800] =	vst v63  }
0x3b5: {  	s18 =	sadd.s32 $0xE488, s12;
	s16 =	sadd.s32 $0x10, s15  }
0x3b6: {  	[hbm4b:s16+s3] =	stream.linear.scatter [tilespmem:s18], [sflag:$0x5], $0x80, $0x38;
	[tilespmem:$0x12800] =	vst v63  }
0x3b7: {  	s17 =	sadd.s32 $0xE510, s12;
	s18 =	sadd.s32 $0x20, s15  }
0x3b8: {  	[hbm4b:s18+s3] =	stream.linear.scatter [tilespmem:s17], [sflag:$0x5], $0x80, $0x38;
	[tilespmem:$0x12800] =	vst v63  }
0x3b9: {  	s17 =	sadd.s32 $0xE598, s12;
	s18 =	sadd.s32 $0x30, s15  }
0x3ba: {  	[hbm4b:s18+s3] =	stream.linear.scatter [tilespmem:s17], [sflag:$0x5], $0x80, $0x38;
	[tilespmem:$0x12800] =	vst v63  }
0x3bb: {  	s1 =	sadd.s32 @!p0 $0x300, s1;
	s17 =	sadd.s32 $0xE620, s12;
	s18 =	sadd.s32 $0x40, s15  }
0x3bc: {  	[hbm4b:s18+s3] =	stream.linear.scatter [tilespmem:s17], [sflag:$0x5], $0x80, $0x38;
	[tilespmem:$0x12800] =	vst v63  }
0x3bd: {  	s16 =	simm.s32 $0x2;
	s17 =	sadd.s32 $0xE6A8, s12;
	s18 =	sadd.s32 $0x50, s15  }
0x3be: {  	[hbm4b:s18+s3] =	stream.linear.scatter [tilespmem:s17], [sflag:$0x5], $0x80, $0x38;
	[tilespmem:$0x12800] =	vst v63  }
0x3bf: {  	v3 =	vmov s16;
	s16 =	simm.s32 $0x8;
	s17 =	sadd.s32 $0xE730, s12;
	s18 =	sadd.s32 $0x60, s15  }
0x3c0: {  	[hbm4b:s18+s3] =	stream.linear.scatter [tilespmem:s17], [sflag:$0x5], $0x80, $0x38;
	[tilespmem:$0x12800] =	vst v63  }
0x3c1: {  	s5 =	simm.s32 @!p0 $0x80;
	v9 =	vmov s16;
	s16 =	simm.s32 $0xE;
	s17 =	sadd.s32 $0xE7B8, s12  }
0x3c2: {  	s18 =	sadd.s32 $0x70, s15;
	s12 =	simm.s32 @!p0 $0xA400;
	s15 =	simm.s32 $0x1  }
0x3c3: {  	v3 =	vshrl.u32 v3, $0x3;
	[hbm4b:s18+s3] =	stream.linear.scatter [tilespmem:s17], [sflag:$0x5], $0x80, $0x38;
	[tilespmem:$0x12800] =	vst v63  }
0x3c4: {  	v37 =	vmov s16;
	v9 =	vshrl.u32 v9, $0x3;
	v2 =	vmov s15;
	s15 =	simm.s32 $0x7;
	s17 =	simm.s32 $0x3;
	s18 =	simm.s32 $0x4  }
0x3c5: {  	v8 =	vmov s15;
	s15 =	simm.s32 $0xD;
	v4 =	vmov s17;
	v5 =	vmov s18;
	s17 =	simm.s32 $0x9;
	s18 =	simm.s32 $0xA  }
0x3c6: {  	v2 =	vshrl.u32 v2, $0x3;
	v36 =	vmov s15;
	v8 =	vshrl.u32 v8, $0x3;
	[tilespmem:s12], [sflag:$0x3] =	stream.indirect.gather @!p0 [hbm4b:s4+s5], $0x40, s1, s5, $0xb8;
	[tilespmem:$0x12800] =	vst v63  }
0x3c7: {  	s12 =	simm.s32 $0x0;
	s5 =	simm.s32 $0x5;
	v10 =	vmov s17;
	v11 =	vmov s18;
	v4 =	vshrl.u32 v4, $0x3  }
0x3c8: {  	s17 =	simm.s32 $0xF;
	v5 =	vshrl.u32 v5, $0x3;
	v0 =	vmov s12;
	v6 =	vmov s5;
	_ =	swait.ge [sflag:s28], $0x2000  }
0x3c9: {  	s12 =	simm.s32 $0x6;
	v33 =	vmov s17;
	v10 =	vshrl.u32 v10, $0x3;
	v11 =	vshrl.u32 v11, $0x3;
	[sflag:s28] =	ssyncset.done $0x0  }
0x3ca: {  	s5 =	simm.s32 $0xB;
	v0 =	vshrl.u32 v0, $0x3;
	v7 =	vmov s12;
	v33 =	vshrl.u32 v33, $0x3;
	[sflag:s28] =	ssyncadd.s32 $0xFFFFE000  }
0x3cb: {  	v34 =	vmov s5;
	v6 =	vshrl.u32 v6, $0x3;
	v33 =	vshll.u32 v33, v1;
	_ =	swait.ge [sflag:s23], $0x2000  }
0x3cc: {  	v11 =	vshll.u32 v11, v1;
	v0 =	vshll.u32 v0, v1;
	v48 =	vbroadcast v33, $0x0;
	[sflag:s23] =	ssyncset.done $0x0  }
0x3cd: {  	s1 =	simm.s32 $0xC7F0;
	v7 =	vshrl.u32 v7, $0x3;
	v33 =	vbroadcast v0, $0x0;
	v0 =	vshll.u32 v2, v1;
	[sflag:s23] =	ssyncadd.s32 $0xFFFFE000  }
0x3ce: {  	v47 =	vbroadcast v0, $0x0;
	v0 =	vshll.u32 v3, v1;
	v3 =	vadd.s32 v58, v48;
	v2 =	vld [tilespmem:s1+$0xFFFFFFD0]  }
0x3cf: {  	v41 =	vadd.s32 v12, v33;
	v46 =	vbroadcast v0, $0x0;
	v0 =	vshll.u32 v4, v1;
	v38 =	vld [tilespmem:s1+$0xFFFFFC10]  }
0x3d0: {  	v6 =	vshll.u32 v6, v1;
	v4 =	vld [tilespmem:s1+$0xFFFFFC50];
	v42 =	vadd.s32 v16, v47;
	v45 =	vbroadcast v0, $0x0  }
0x3d1: {  	v40 =	vbroadcast v6, $0x0;
	v0 =	vshll.u32 v5, v1;
	v5 =	vld [tilespmem:s1+$0xFFFFFC90];
	v43 =	vadd.s32 v20, v46  }
0x3d2: {  	s12 =	simm.s32 $0xC;
	v39 =	vbroadcast v0, $0x0;
	v0 =	vshrl.u32 v34, $0x3;
	v34 =	vld [tilespmem:s1+$0xFFFFFCD0];
	v44 =	vadd.s32 v24, v45  }
0x3d3: {  	v35 =	vmov s12;
	v52 =	vshll.u32 v7, v1;
	v6 =	vadd.s32 v56, v48;
	v49 =	vld [tilespmem:s1+$0xFFFFFD10];
	[tilespmem:v3+s24+$0x0] =	vst.idx.msk $0xffff, v2  }
0x3d4: {  	v7 =	vadd.s32 v32, v40;
	v51 =	vld [tilespmem:s1+$0xFFFFFE50];
	v50 =	vadd.s32 v28, v39;
	[tilespmem:v41+s24+$0x0] =	vst.idx.msk $0xffff, v38;
	v38 =	vbroadcast v52, $0x0  }
0x3d5: {  	v35 =	vshrl.u32 v35, $0x3;
	v0 =	vshll.u32 v0, v1;
	v2 =	vshll.u32 v8, v1;
	[tilespmem:v42+s24+$0x0] =	vst.idx.msk $0xffff, v4;
	v3 =	vld [tilespmem:s1+$0xFFFFFFE0]  }
0x3d6: {  	v4 =	vld [tilespmem:s1+$0xFFFFFD50];
	v41 =	vbroadcast v2, $0x0;
	v2 =	vshll.u32 v9, v1;
	[tilespmem:v43+s24+$0x0] =	vst.idx.msk $0xffff, v5;
	v8 =	vadd.s32 v53, v38  }
0x3d7: {  	v5 =	vld [tilespmem:s1+$0xFFFFFD90];
	v42 =	vbroadcast v2, $0x0;
	v2 =	vshll.u32 v10, v1;
	[tilespmem:v44+s24+$0x0] =	vst.idx.msk $0xffff, v34;
	v44 =	vbroadcast v11, $0x0  }
0x3d8: {  	v9 =	vld [tilespmem:s1+$0xFFFFFDD0];
	v34 =	vbroadcast v0, $0x0;
	v58 =	vadd.s32 v58, v41;
	v43 =	vbroadcast v2, $0x0  }
0x3d9: {  	v0 =	vshll.u32 v35, v1;
	v2 =	vshrl.u32 v36, $0x3;
	[tilespmem:v50+s24+$0x0] =	vst.idx.msk $0xffff, v49;
	v49 =	vld [tilespmem:s1+$0xFFFFFE10];
	v50 =	vadd.s32 v12, v42  }
0x3da: {  	v11 =	vld [tilespmem:s1+$0xFFFFFF90];
	v35 =	vbroadcast v0, $0x0;
	v0 =	vshll.u32 v2, v1;
	v52 =	vadd.s32 v16, v43;
	[tilespmem:v6+s24+$0x0] =	vst.idx.msk $0xffff, v3  }
0x3db: {  	v37 =	vshrl.u32 v37, $0x3;
	[tilespmem:v7+s24+$0x0] =	vst.idx.msk $0xffff, v4;
	v4 =	vadd.s32 v59, v48;
	v36 =	vbroadcast v0, $0x0;
	v3 =	vld [tilespmem:s1+$0xFFFFFFF0]  }
0x3dc: {  	v0 =	vshll.u32 v37, v1;
	v6 =	vadd.s32 v20, v44;
	[tilespmem:v8+s24+$0x0] =	vst.idx.msk $0xffff, v5;
	v5 =	vld [tilespmem:s1+$0xFFFFFE90]  }
0x3dd: {  	v37 =	vbroadcast v0, $0x0;
	v0 =	vld [tilespmem:s1+$0xFFFFFF50];
	v10 =	vadd.s32 v32, v36;
	[tilespmem:v58+s24+$0x0] =	vst.idx.msk $0xffff, v9  }
0x3de: {  	v2 =	vld [tilespmem:s1+$0xFFFFFED0];
	v58 =	vadd.s32 v24, v34;
	[tilespmem:v50+s24+$0x0] =	vst.idx.msk $0xffff, v49  }
0x3df: {  	v8 =	vld [tilespmem:s1+$0xFFFFFF10];
	v9 =	vadd.s32 v28, v35;
	[tilespmem:v52+s24+$0x0] =	vst.idx.msk $0xffff, v51  }
0x3e0: {  	v52 =	vadd.s32 v53, v37;
	v49 =	vld [tilespmem:s1+$0xFFFFFE20];
	[tilespmem:v4+s24+$0x0] =	vst.idx.msk $0xffff, v3  }
0x3e1: {  	v53 =	vadd.s32 v17, v47;
	[tilespmem:v6+s24+$0x0] =	vst.idx.msk $0xffff, v5;
	v5 =	vld [tilespmem:s1+$0xFFFFFC60]  }
0x3e2: {  	[tilespmem:v10+s24+$0x0] =	vst.idx.msk $0xffff, v0;
	v0 =	vld [tilespmem:s1+$0xFFFFFD20];
	v10 =	vadd.s32 v29, v39  }
0x3e3: {  	v4 =	vadd.s32 v62, v48;
	v3 =	vld [tilespmem:s1+$0x0];
	[tilespmem:v58+s24+$0x0] =	vst.idx.msk $0xffff, v2  }
0x3e4: {  	v2 =	vld [tilespmem:s1+$0xFFFFFCA0];
	v58 =	vadd.s32 v21, v46;
	[tilespmem:v9+s24+$0x0] =	vst.idx.msk $0xffff, v8  }
0x3e5: {  	v8 =	vld [tilespmem:s1+$0xFFFFFCE0];
	v9 =	vadd.s32 v25, v45;
	[tilespmem:v52+s24+$0x0] =	vst.idx.msk $0xffff, v11  }
0x3e6: {  	v11 =	vld [tilespmem:s1+$0xFFFFFD60];
	v52 =	vadd.s32 v31, v40;
	[tilespmem:v53+s24+$0x0] =	vst.idx.msk $0xffff, v5  }
0x3e7: {  	v50 =	vadd.s32 v13, v42;
	[tilespmem:v10+s24+$0x0] =	vst.idx.msk $0xffff, v0;
	v0 =	vld [tilespmem:s1+$0xFFFFFE60]  }
0x3e8: {  	v51 =	vadd.s32 v17, v43;
	[tilespmem:v4+s24+$0x0] =	vst.idx.msk $0xffff, v3;
	v3 =	vld [tilespmem:s1+$0xFFFFFDA0]  }
0x3e9: {  	v53 =	vadd.s32 v54, v38;
	[tilespmem:v58+s24+$0x0] =	vst.idx.msk $0xffff, v2;
	v2 =	vld [tilespmem:s1+$0xFFFFFDE0]  }
0x3ea: {  	v58 =	vadd.s32 v56, v41;
	[tilespmem:v9+s24+$0x0] =	vst.idx.msk $0xffff, v8;
	v9 =	vld [tilespmem:s1+$0xFFFFFEA0]  }
0x3eb: {  	v56 =	vld [tilespmem:s1+$0xFFFFFF60];
	[tilespmem:v52+s24+$0x0] =	vst.idx.msk $0xffff, v11;
	v52 =	vadd.s32 v21, v44  }
0x3ec: {  	v48 =	vadd.s32 v13, v33;
	[tilespmem:v50+s24+$0x0] =	vst.idx.msk $0xffff, v49;
	v11 =	vld [tilespmem:s1+$0xFFFFFC20]  }
0x3ed: {  	v8 =	vadd.s32 v54, v37;
	[tilespmem:v51+s24+$0x0] =	vst.idx.msk $0xffff, v0;
	v0 =	vld [tilespmem:s1+$0xFFFFFFA0]  }
0x3ee: {  	[tilespmem:v53+s24+$0x0] =	vst.idx.msk $0xffff, v3;
	v3 =	vld [tilespmem:s1+$0xFFFFFEE0];
	v53 =	vadd.s32 v25, v34  }
0x3ef: {  	v5 =	vadd.s32 v29, v35;
	[tilespmem:v58+s24+$0x0] =	vst.idx.msk $0xffff, v2;
	v2 =	vld [tilespmem:s1+$0xFFFFFF20]  }
0x3f0: {  	v51 =	vld [tilespmem:s1+$0xFFFFFC70];
	v58 =	vadd.s32 v31, v36;
	[tilespmem:v52+s24+$0x0] =	vst.idx.msk $0xffff, v9  }
0x3f1: {  	v50 =	vld [tilespmem:s1+$0xFFFFFDB0];
	v52 =	vadd.s32 v18, v47;
	[tilespmem:v48+s24+$0x0] =	vst.idx.msk $0xffff, v11  }
0x3f2: {  	v49 =	vadd.s32 v63, v40;
	[tilespmem:v8+s24+$0x0] =	vst.idx.msk $0xffff, v0;
	v0 =	vld [tilespmem:s1+$0xFFFFFD70]  }
0x3f3: {  	[tilespmem:v53+s24+$0x0] =	vst.idx.msk $0xffff, v3;
	v3 =	vld [tilespmem:s1+$0xFFFFFCB0];
	v53 =	vadd.s32 v22, v46  }
0x3f4: {  	v54 =	vadd.s32 v26, v45;
	[tilespmem:v5+s24+$0x0] =	vst.idx.msk $0xffff, v2;
	v2 =	vld [tilespmem:s1+$0xFFFFFCF0]  }
0x3f5: {  	[tilespmem:v58+s24+$0x0] =	vst.idx.msk $0xffff, v56;
	v56 =	vld [tilespmem:s1+$0xFFFFFD30];
	v58 =	vadd.s32 v30, v39  }
0x3f6: {  	v7 =	vadd.s32 v55, v37;
	v6 =	vld [tilespmem:s1+$0xFFFFFFB0];
	[tilespmem:v52+s24+$0x0] =	vst.idx.msk $0xffff, v51  }
0x3f7: {  	v48 =	vld [tilespmem:s1+$0xFFFFFC30];
	v51 =	vadd.s32 v55, v38;
	[tilespmem:v49+s24+$0x0] =	vst.idx.msk $0xffff, v0  }
0x3f8: {  	v8 =	vadd.s32 v22, v44;
	v0 =	vld [tilespmem:s1+$0xFFFFFEB0];
	[tilespmem:v53+s24+$0x0] =	vst.idx.msk $0xffff, v3  }
0x3f9: {  	v52 =	vadd.s32 v59, v41;
	v3 =	vld [tilespmem:s1+$0xFFFFFDF0];
	[tilespmem:v54+s24+$0x0] =	vst.idx.msk $0xffff, v2  }
0x3fa: {  	v2 =	vld [tilespmem:s1+$0xFFFFFE30];
	v53 =	vadd.s32 v14, v42;
	[tilespmem:v58+s24+$0x0] =	vst.idx.msk $0xffff, v56  }
0x3fb: {  	v9 =	vld [tilespmem:s1+$0xFFFFFEF0];
	v49 =	vadd.s32 v14, v33;
	[tilespmem:v7+s24+$0x0] =	vst.idx.msk $0xffff, v6  }
0x3fc: {  	v54 =	vld [tilespmem:s1+$0xFFFFFE70];
	v56 =	vadd.s32 v18, v43;
	[tilespmem:v51+s24+$0x0] =	vst.idx.msk $0xffff, v50  }
0x3fd: {  	v4 =	vadd.s32 v30, v35;
	v58 =	vadd.s32 v26, v34;
	v6 =	vld [tilespmem:s1+$0xFFFFFD80];
	[tilespmem:v8+s24+$0x0] =	vst.idx.msk $0xffff, v0  }
0x3fe: {  	v47 =	vadd.s32 v19, v47;
	v44 =	vadd.s32 v23, v44;
	[tilespmem:v52+s24+$0x0] =	vst.idx.msk $0xffff, v3;
	v3 =	vld [tilespmem:s1+$0xFFFFFF30]  }
0x3ff: {  	s18 =	simm.s32 $0x10;
	s12 =	simm.s32 $0x11;
	v5 =	vadd.s32 v63, v36;
	v39 =	vadd.s32 v57, v39;
	[tilespmem:v53+s24+$0x0] =	vst.idx.msk $0xffff, v2;
	v2 =	vld [tilespmem:s1+$0xFFFFFF70]  }
0x400: {  	v59 =	vmov s18;
	v55 =	vmov s12;
	v7 =	vadd.s32 v27, v40;
	v57 =	vld [tilespmem:s1+$0xFFFFFDC0];
	[tilespmem:v49+s24+$0x0] =	vst.idx.msk $0xffff, v48  }
0x401: {  	s18 =	simm.s32 $0x15;
	v11 =	vshrl.u32 v59, $0x3;
	v59 =	vadd.s32 v60, v45;
	v60 =	vadd.s32 v61, v38;
	[tilespmem:v56+s24+$0x0] =	vst.idx.msk $0xffff, v54;
	v54 =	vld [tilespmem:s1+$0xFFFFFC80]  }
0x402: {  	v10 =	vmov s18;
	s18 =	simm.s32 $0x19;
	v61 =	vadd.s32 v62, v41;
	[tilespmem:v58+s24+$0x0] =	vst.idx.msk $0xffff, v9;
	v56 =	vld [tilespmem:s1+$0xFFFFFCC0];
	v58 =	vadd.s32 v23, v46  }
0x403: {  	s16 =	simm.s32 $0x13;
	s15 =	simm.s32 $0x12;
	v62 =	vadd.s32 v15, v42;
	v45 =	vmov s18;
	v41 =	vshrl.u32 v10, $0x3;
	[tilespmem:v4+s24+$0x0] =	vst.idx.msk $0xffff, v3;
	v4 =	vld [tilespmem:s1+$0xFFFFFD00]  }
0x404: {  	s17 =	simm.s32 $0x14;
	s18 =	simm.s32 $0x1E;
	v27 =	vmovc v32;
	v32 =	vmovc v63;
	v63 =	vadd.s32 v19, v43;
	v0 =	vmov s15;
	v8 =	vmov s16;
	s16 =	simm.s32 $0x17;
	[tilespmem:v5+s24+$0x0] =	vst.idx.msk $0xffff, v2;
	v2 =	vld [tilespmem:s1+$0xFFFFFD40]  }
0x405: {  	s12 =	simm.s32 $0x1A;
	v49 =	vmov s18;
	v9 =	vmov s17;
	v52 =	vmov s16;
	s17 =	simm.s32 $0x18;
	[tilespmem:v7+s24+$0x0] =	vst.idx.msk $0xffff, v6  }
0x406: {  	v46 =	vmov s12;
	s16 =	simm.s32 $0x1C;
	v40 =	vshrl.u32 v8, $0x3;
	v43 =	vld [tilespmem:s1+$0xFFFFFEC0];
	v53 =	vmov s17;
	s17 =	simm.s32 $0x1D;
	[tilespmem:v47+s24+$0x0] =	vst.idx.msk $0xffff, v54  }
0x407: {  	s15 =	simm.s32 $0x16;
	v51 =	vmov s16;
	v38 =	vshrl.u32 v9, $0x3;
	v42 =	vld [tilespmem:s1+$0xFFFFFE80];
	v48 =	vmov s17;
	[tilespmem:v58+s24+$0x0] =	vst.idx.msk $0xffff, v56  }
0x408: {  	v3 =	vmov s15;
	s15 =	simm.s32 $0x1B;
	v54 =	vshll.u32 v11, v1;
	v58 =	vld [tilespmem:s1+$0xFFFFFE00];
	v56 =	vshrl.u32 v55, $0x3;
	[tilespmem:v59+s24+$0x0] =	vst.idx.msk $0xffff, v4  }
0x409: {  	s12 =	simm.s32 $0x20;
	v55 =	vshrl.u32 v0, $0x3;
	v50 =	vmov s15;
	s15 =	simm.s32 $0x1F;
	v59 =	vld [tilespmem:s1+$0xFFFFFE40];
	[tilespmem:v39+s24+$0x0] =	vst.idx.msk $0xffff, v2;
	v39 =	vshrl.u32 v3, $0x3  }
.LBB2_19:
0x40a: {  	v3 =	vld [tilespmem:s1+$0xFFFFFF00]  }
0x40b: {  	v6 =	vld [tilespmem:s1+$0xFFFFFF40]  }
0x40c: {  	v9 =	vld [tilespmem:s1+$0xFFFFFF80]  }
0x40d: {  	v0 =	vshrl.u32 v52, $0x3;
	v52 =	vld [tilespmem:$0x1FF70]  }
0x40e: {  	[tilespmem:v60+s24+$0x0] =	vst.idx.msk $0xffff, v57;
	v60 =	vld [tilespmem:$0x1FEE0]  }
0x40f: {  	v57 =	vld [tilespmem:$0x1FEF0]  }
0x410: {  	[tilespmem:v61+s24+$0x0] =	vst.idx.msk $0xffff, v58;
	v61 =	vld [tilespmem:$0x1FF40]  }
0x411: {  	[tilespmem:v62+s24+$0x0] =	vst.idx.msk $0xffff, v59;
	v62 =	vld [tilespmem:$0x1FF00]  }
0x412: {  	v2 =	vmov s15;
	v5 =	vshrl.u32 v53, $0x3;
	v53 =	vld [tilespmem:$0x1FF10]  }
0x413: {  	v2 =	vshrl.u32 v2, $0x3;
	[tilespmem:v63+s24+$0x0] =	vst.idx.msk $0xffff, v42;
	v42 =	vadd.s32 v15, v33;
	v33 =	vbroadcast v54, $0x0;
	v54 =	vld [tilespmem:$0x1FF50]  }
0x414: {  	v8 =	vshrl.u32 v45, $0x3;
	v2 =	vshll.u32 v2, v1;
	v4 =	vadd.s32 v60, v34;
	v34 =	vld [tilespmem:s1+$0xFFFFFFC0]  }
0x415: {  	v59 =	vshll.u32 v56, v1;
	v7 =	vadd.s32 v57, v35;
	v35 =	vadd.s32 v61, v37;
	v37 =	vld [tilespmem:s1+$0xFFFFFC40];
	s1 =	sadd.s32 $0x400, s1  }
0x416: {  	[tilespmem:v44+s24+$0x0] =	vst.idx.msk $0xffff, v43;
	v45 =	vbroadcast v59, $0x0;
	v59 =	vshll.u32 v38, v1;
	v10 =	vadd.s32 v62, v36;
	v43 =	vld [tilespmem:s1+$0xFFFFFFD0]  }
0x417: {  	v11 =	vshrl.u32 v46, $0x3;
	v2 =	vbroadcast v2, $0x0;
	v38 =	vbroadcast v59, $0x0;
	v59 =	vld [tilespmem:s1+$0xFFFFFD10]  }
0x418: {  	v63 =	vshll.u32 v55, v1;
	v36 =	vshrl.u32 v50, $0x3;
	v50 =	vshrl.u32 v51, $0x3;
	v51 =	vld [tilespmem:s1+$0xFFFFFE50]  }
0x419: {  	v58 =	vshll.u32 v40, v1;
	v55 =	vadd.s32 v52, v2;
	v46 =	vbroadcast v63, $0x0;
	[tilespmem:v4+s24+$0x0] =	vst.idx.msk $0xffff, v3;
	v3 =	vld [tilespmem:s1+$0xFFFFFC10]  }
0x41a: {  	v40 =	vbroadcast v58, $0x0;
	v56 =	vadd.s32 v12, v33;
	[tilespmem:v7+s24+$0x0] =	vst.idx.msk $0xffff, v6;
	v6 =	vld [tilespmem:s1+$0xFFFFFC50]  }
0x41b: {  	v39 =	vshll.u32 v39, v1;
	v63 =	vadd.s32 v20, v46;
	[tilespmem:v10+s24+$0x0] =	vst.idx.msk $0xffff, v9;
	v9 =	vld [tilespmem:s1+$0xFFFFFC90]  }
0x41c: {  	v0 =	vshll.u32 v0, v1;
	v58 =	vadd.s32 v24, v40;
	[tilespmem:v35+s24+$0x0] =	vst.idx.msk $0xffff, v34;
	v34 =	vld [tilespmem:s1+$0xFFFFFCD0]  }
0x41d: {  	v47 =	vadd.s32 v28, v38;
	[tilespmem:v42+s24+$0x0] =	vst.idx.msk $0xffff, v37;
	v42 =	vbroadcast v0, $0x0;
	v0 =	vshll.u32 v5, v1;
	v5 =	vld [tilespmem:s1+$0xFFFFFD90]  }
0x41e: {  	v41 =	vshll.u32 v41, v1;
	v39 =	vbroadcast v39, $0x0;
	v7 =	vadd.s32 v16, v45;
	v37 =	vld [tilespmem:s1+$0xFFFFFE10];
	[tilespmem:v55+s24+$0x0] =	vst.idx.msk $0xffff, v43  }
0x41f: {  	v4 =	vadd.s32 v54, v2;
	v43 =	vbroadcast v0, $0x0;
	v0 =	vshll.u32 v8, v1;
	[tilespmem:v56+s24+$0x0] =	vst.idx.msk $0xffff, v3;
	v3 =	vld [tilespmem:s1+$0xFFFFFFE0]  }
0x420: {  	v8 =	vld [tilespmem:s1+$0xFFFFFDD0];
	v44 =	vbroadcast v0, $0x0;
	v0 =	vshrl.u32 v48, $0x3;
	[tilespmem:v63+s24+$0x0] =	vst.idx.msk $0xffff, v9;
	v63 =	vadd.s32 v53, v39  }
0x421: {  	v49 =	vshrl.u32 v49, $0x3;
	v48 =	vld [tilespmem:$0x1FF30];
	v0 =	vshll.u32 v0, v1;
	[tilespmem:v58+s24+$0x0] =	vst.idx.msk $0xffff, v34;
	v58 =	vadd.s32 v12, v43  }
0x422: {  	[tilespmem:v47+s24+$0x0] =	vst.idx.msk $0xffff, v59;
	v59 =	vshll.u32 v36, v1;
	v36 =	vbroadcast v0, $0x0;
	v0 =	vshll.u32 v49, v1;
	v49 =	vld [tilespmem:$0x1FF20]  }
0x423: {  	v41 =	vbroadcast v41, $0x0;
	v11 =	vshll.u32 v11, v1;
	[tilespmem:v7+s24+$0x0] =	vst.idx.msk $0xffff, v6;
	v6 =	vld [tilespmem:s1+$0xFFFFFD50];
	v56 =	vadd.s32 v52, v42  }
0x424: {  	v47 =	vbroadcast v11, $0x0;
	v52 =	vadd.s32 v16, v44;
	[tilespmem:v4+s24+$0x0] =	vst.idx.msk $0xffff, v3;
	v3 =	vshll.u32 v50, v1;
	v50 =	vld [tilespmem:$0x1FF60]  }
0x425: {  	v7 =	vadd.s32 v27, v41;
	[tilespmem:v63+s24+$0x0] =	vst.idx.msk $0xffff, v5;
	v63 =	vld [tilespmem:s1+$0xFFFFFE90]  }
0x426: {  	v55 =	vadd.s32 v20, v47;
	v34 =	vbroadcast v59, $0x0;
	[tilespmem:v58+s24+$0x0] =	vst.idx.msk $0xffff, v37;
	v58 =	vld [tilespmem:s1+$0xFFFFFF10]  }
0x427: {  	v11 =	vadd.s32 v27, v36;
	v37 =	vbroadcast v0, $0x0;
	v0 =	vld [tilespmem:s1+$0xFFFFFF50]  }
0x428: {  	[tilespmem:v56+s24+$0x0] =	vst.idx.msk $0xffff, v8;
	v56 =	vadd.s32 v24, v34;
	v35 =	vbroadcast v3, $0x0;
	v3 =	vld [tilespmem:s1+$0xFFFFFED0]  }
0x429: {  	[tilespmem:v52+s24+$0x0] =	vst.idx.msk $0xffff, v51;
	v52 =	vld [tilespmem:s1+$0xFFFFFF90];
	v53 =	vadd.s32 v53, v37  }
0x42a: {  	[tilespmem:v7+s24+$0x0] =	vst.idx.msk $0xffff, v6;
	v5 =	vld [tilespmem:s1+$0xFFFFFC60];
	v59 =	vadd.s32 v28, v35  }
0x42b: {  	v4 =	vld [tilespmem:s1+$0xFFFFFFF0];
	v6 =	vadd.s32 v50, v2;
	[tilespmem:v55+s24+$0x0] =	vst.idx.msk $0xffff, v63  }
0x42c: {  	v63 =	vld [tilespmem:$0x1FF80];
	v55 =	vadd.s32 v17, v45;
	[tilespmem:v11+s24+$0x0] =	vst.idx.msk $0xffff, v0  }
0x42d: {  	v10 =	vadd.s32 v29, v38;
	v0 =	vld [tilespmem:s1+$0xFFFFFD20];
	[tilespmem:v56+s24+$0x0] =	vst.idx.msk $0xffff, v3  }
0x42e: {  	v3 =	vld [tilespmem:s1+$0xFFFFFCA0];
	v56 =	vadd.s32 v21, v46;
	[tilespmem:v53+s24+$0x0] =	vst.idx.msk $0xffff, v52  }
0x42f: {  	v52 =	vld [tilespmem:s1+$0xFFFFFD60];
	v53 =	vadd.s32 v31, v41;
	[tilespmem:v59+s24+$0x0] =	vst.idx.msk $0xffff, v58  }
0x430: {  	v58 =	vld [tilespmem:s1+$0xFFFFFCE0];
	v59 =	vadd.s32 v25, v40;
	[tilespmem:v6+s24+$0x0] =	vst.idx.msk $0xffff, v4  }
0x431: {  	v2 =	vadd.s32 v63, v2;
	[tilespmem:v55+s24+$0x0] =	vst.idx.msk $0xffff, v5;
	v4 =	vld [tilespmem:s1+$0x0]  }
0x432: {  	v51 =	vadd.s32 v17, v44;
	[tilespmem:v10+s24+$0x0] =	vst.idx.msk $0xffff, v0;
	v0 =	vld [tilespmem:s1+$0xFFFFFE60]  }
0x433: {  	[tilespmem:v56+s24+$0x0] =	vst.idx.msk $0xffff, v3;
	v3 =	vld [tilespmem:s1+$0xFFFFFDE0];
	v56 =	vadd.s32 v54, v42  }
0x434: {  	v9 =	vld [tilespmem:s1+$0xFFFFFEA0];
	[tilespmem:v53+s24+$0x0] =	vst.idx.msk $0xffff, v52;
	v52 =	vadd.s32 v21, v47  }
0x435: {  	[tilespmem:v59+s24+$0x0] =	vst.idx.msk $0xffff, v58;
	v58 =	vld [tilespmem:s1+$0xFFFFFE20];
	v59 =	vadd.s32 v13, v43  }
0x436: {  	v55 =	vadd.s32 v49, v39;
	[tilespmem:v2+s24+$0x0] =	vst.idx.msk $0xffff, v4;
	v2 =	vld [tilespmem:s1+$0xFFFFFDA0]  }
0x437: {  	v8 =	vadd.s32 v49, v37;
	[tilespmem:v51+s24+$0x0] =	vst.idx.msk $0xffff, v0;
	v0 =	vld [tilespmem:s1+$0xFFFFFFA0]  }
0x438: {  	v54 =	vadd.s32 v29, v35;
	[tilespmem:v56+s24+$0x0] =	vst.idx.msk $0xffff, v3;
	v3 =	vld [tilespmem:s1+$0xFFFFFF20]  }
0x439: {  	v51 =	vld [tilespmem:s1+$0xFFFFFC70];
	[tilespmem:v52+s24+$0x0] =	vst.idx.msk $0xffff, v9;
	v52 =	vadd.s32 v18, v45  }
0x43a: {  	[tilespmem:v59+s24+$0x0] =	vst.idx.msk $0xffff, v58;
	v58 =	vld [tilespmem:s1+$0xFFFFFC20];
	v59 =	vadd.s32 v13, v33  }
0x43b: {  	v53 =	vadd.s32 v25, v34;
	[tilespmem:v55+s24+$0x0] =	vst.idx.msk $0xffff, v2;
	v2 =	vld [tilespmem:s1+$0xFFFFFEE0]  }
0x43c: {  	v56 =	vadd.s32 v31, v36;
	[tilespmem:v8+s24+$0x0] =	vst.idx.msk $0xffff, v0;
	v55 =	vld [tilespmem:s1+$0xFFFFFF60]  }
0x43d: {  	[tilespmem:v54+s24+$0x0] =	vst.idx.msk $0xffff, v3;
	v3 =	vld [tilespmem:s1+$0xFFFFFCF0];
	v54 =	vadd.s32 v26, v40  }
0x43e: {  	v7 =	vadd.s32 v48, v37;
	v6 =	vld [tilespmem:s1+$0xFFFFFFB0];
	[tilespmem:v52+s24+$0x0] =	vst.idx.msk $0xffff, v51  }
0x43f: {  	v0 =	vld [tilespmem:s1+$0xFFFFFD70];
	[tilespmem:v59+s24+$0x0] =	vst.idx.msk $0xffff, v58;
	v58 =	vadd.s32 v32, v41  }
0x440: {  	[tilespmem:v53+s24+$0x0] =	vst.idx.msk $0xffff, v2;
	v2 =	vld [tilespmem:s1+$0xFFFFFCB0];
	v53 =	vadd.s32 v22, v46  }
0x441: {  	v52 =	vadd.s32 v48, v39;
	v59 =	vld [tilespmem:s1+$0xFFFFFDB0];
	[tilespmem:v56+s24+$0x0] =	vst.idx.msk $0xffff, v55  }
0x442: {  	v49 =	vadd.s32 v14, v33;
	v48 =	vld [tilespmem:s1+$0xFFFFFC30];
	[tilespmem:v54+s24+$0x0] =	vst.idx.msk $0xffff, v3  }
0x443: {  	v55 =	vld [tilespmem:s1+$0xFFFFFD30];
	v56 =	vadd.s32 v30, v38;
	[tilespmem:v7+s24+$0x0] =	vst.idx.msk $0xffff, v6  }
0x444: {  	v3 =	vld [tilespmem:s1+$0xFFFFFE30];
	v54 =	vadd.s32 v14, v43;
	[tilespmem:v58+s24+$0x0] =	vst.idx.msk $0xffff, v0  }
0x445: {  	[tilespmem:v53+s24+$0x0] =	vst.idx.msk $0xffff, v2;
	v2 =	vld [tilespmem:s1+$0xFFFFFDF0];
	v53 =	vadd.s32 v50, v42  }
0x446: {  	v10 =	vadd.s32 v26, v34;
	v9 =	vld [tilespmem:s1+$0xFFFFFEF0];
	[tilespmem:v52+s24+$0x0] =	vst.idx.msk $0xffff, v59  }
0x447: {  	v0 =	vld [tilespmem:s1+$0xFFFFFEB0];
	v58 =	vadd.s32 v22, v47;
	[tilespmem:v49+s24+$0x0] =	vst.idx.msk $0xffff, v48  }
0x448: {  	[tilespmem:v56+s24+$0x0] =	vst.idx.msk $0xffff, v55;
	v55 =	vld [tilespmem:s1+$0xFFFFFE70];
	v56 =	vadd.s32 v18, v44  }
0x449: {  	s18 =	sadd.s32 $0x3, s12;
	v5 =	vadd.s32 v32, v36;
	v4 =	vadd.s32 v30, v35;
	[tilespmem:v54+s24+$0x0] =	vst.idx.msk $0xffff, v3;
	v3 =	vld [tilespmem:s1+$0xFFFFFF70]  }
0x44a: {  	v8 =	vmov s18;
	v40 =	vadd.s32 v60, v40;
	v60 =	vadd.s32 v61, v39;
	[tilespmem:v53+s24+$0x0] =	vst.idx.msk $0xffff, v2;
	v2 =	vld [tilespmem:s1+$0xFFFFFF30]  }
0x44b: {  	v61 =	vadd.s32 v63, v42;
	v7 =	vadd.s32 v62, v41;
	v59 =	vmov s12;
	v6 =	vld [tilespmem:s1+$0xFFFFFD80];
	[tilespmem:v10+s24+$0x0] =	vst.idx.msk $0xffff, v9  }
0x44c: {  	s18 =	sadd.s32 $0x7, s12;
	v63 =	vadd.s32 v19, v44;
	v11 =	vshrl.u32 v59, $0x3;
	v59 =	vadd.s32 v23, v46;
	[tilespmem:v58+s24+$0x0] =	vst.idx.msk $0xffff, v0;
	v58 =	vld [tilespmem:s1+$0xFFFFFCC0]  }
0x44d: {  	s15 =	sadd.s32 $0x4, s12;
	v62 =	vadd.s32 v15, v43;
	v52 =	vmov s18;
	s18 =	sadd.s32 $0xB, s12;
	v54 =	vld [tilespmem:s1+$0xFFFFFC80];
	[tilespmem:v56+s24+$0x0] =	vst.idx.msk $0xffff, v55;
	v56 =	vadd.s32 v19, v45  }
0x44e: {  	s16 =	sadd.s32 $0x5, s12;
	v50 =	vmov s18;
	s18 =	sadd.s32 $0xE, s12;
	v9 =	vmov s15;
	[tilespmem:v5+s24+$0x0] =	vst.idx.msk $0xffff, v3;
	v3 =	vld [tilespmem:s1+$0xFFFFFD40];
	v5 =	vadd.s32 v57, v38  }
0x44f: {  	p1 =	slt.u32 s12, $0x70;
	s5 =	sadd.s32 $0x1, s12;
	s17 =	sadd.s32 $0x2, s12;
	v44 =	vadd.s32 v23, v47;
	v10 =	vmov s16;
	v49 =	vmov s18;
	[tilespmem:v4+s24+$0x0] =	vst.idx.msk $0xffff, v2;
	v4 =	vld [tilespmem:s1+$0xFFFFFD00]  }
.Ltmp11:
0x450: {  	s15 =	sadd.s32 $0x8, s12;
	s16 =	sadd.s32 $0x9, s12;
	v0 =	vmov s17;
	v41 =	vshrl.u32 v10, $0x3;
	[tilespmem:v7+s24+$0x0] =	vst.idx.msk $0xffff, v6;
	v43 =	vld [tilespmem:s1+$0xFFFFFEC0];
	v55 =	vmov s5;
	(pc) =	sbr.rel @p1 .LBB2_19-.Ltmp11, $4  }
0x451: {  	s17 =	sadd.s32 $0x6, s12;
	v53 =	vmov s15;
	v45 =	vmov s16;
	s16 =	sadd.s32 $0xC, s12;
	v57 =	vld [tilespmem:s1+$0xFFFFFDC0];
	v38 =	vshrl.u32 v9, $0x3;
	[tilespmem:v59+s24+$0x0] =	vst.idx.msk $0xffff, v58  }
0x452: {  	v51 =	vmov s16;
	v42 =	vld [tilespmem:s1+$0xFFFFFE80];
	v2 =	vmov s17;
	s17 =	sadd.s32 $0xA, s12;
	[tilespmem:v56+s24+$0x0] =	vst.idx.msk $0xffff, v54;
	v54 =	vshll.u32 v11, v1  }
0x453: {  	v58 =	vld [tilespmem:s1+$0xFFFFFE00];
	v56 =	vshrl.u32 v55, $0x3;
	v55 =	vshrl.u32 v0, $0x3;
	[tilespmem:v5+s24+$0x0] =	vst.idx.msk $0xffff, v3;
	v46 =	vmov s17;
	s17 =	sadd.s32 $0xD, s12  }
0x454: {  	s15 =	sadd.s32 $0xF, s12;
	v59 =	vld [tilespmem:s1+$0xFFFFFE40];
	v39 =	vshrl.u32 v2, $0x3;
	s12 =	sadd.s32 $0x10, s12;
	v48 =	vmov s17;
	[tilespmem:v40+s24+$0x0] =	vst.idx.msk $0xffff, v4;
	v40 =	vshrl.u32 v8, $0x3  }
0x455: {  	_ =	sdelay $0x3  }
0x456: {  	[tilespmem:v60+s24+$0x0] =	vst.idx.msk $0xffff, v57  }
0x457: {  	v60 =	vld [tilespmem:$0x1FEE0];
	[tilespmem:v61+s24+$0x0] =	vst.idx.msk $0xffff, v58  }
0x458: {  	v57 =	vld [tilespmem:$0x1FEF0];
	[tilespmem:v62+s24+$0x0] =	vst.idx.msk $0xffff, v59  }
0x459: {  	v59 =	vld [tilespmem:$0x1FF00]  }
0x45a: {  	[tilespmem:v63+s24+$0x0] =	vst.idx.msk $0xffff, v42;
	v63 =	vld [tilespmem:s1+$0xFFFFFC40]  }
0x45b: {  	v58 =	vld [tilespmem:$0x1FF40];
	[tilespmem:v44+s24+$0x0] =	vst.idx.msk $0xffff, v43  }
0x45c: {  	v2 =	vmov s15;
	v47 =	vadd.s32 v15, v33;
	v62 =	vshll.u32 v56, v1;
	v56 =	vld [tilespmem:$0x1FF70]  }
0x45d: {  	v3 =	vld [tilespmem:s1+$0xFFFFFF00];
	v2 =	vshrl.u32 v2, $0x3;
	v4 =	vadd.s32 v60, v34  }
0x45e: {  	v6 =	vld [tilespmem:s1+$0xFFFFFF40];
	v2 =	vshll.u32 v2, v1;
	v7 =	vadd.s32 v57, v35  }
0x45f: {  	v9 =	vld [tilespmem:s1+$0xFFFFFF80];
	v2 =	vbroadcast v2, $0x0;
	v10 =	vadd.s32 v59, v36  }
0x460: {  	v0 =	vshrl.u32 v52, $0x3;
	s18 =	sadd.s32 $0x400, s1;
	v42 =	vld [tilespmem:s1+$0xFFFFFFC0];
	v34 =	vbroadcast v54, $0x0;
	v52 =	vadd.s32 v58, v37  }
0x461: {  	v43 =	vld [tilespmem:s18+$0xFFFFFFD0];
	[tilespmem:v47+s24+$0x0] =	vst.idx.msk $0xffff, v63;
	v44 =	vadd.s32 v56, v2  }
0x462: {  	v54 =	vadd.s32 v12, v34;
	[tilespmem:v4+s24+$0x0] =	vst.idx.msk $0xffff, v3;
	v3 =	vld [tilespmem:s18+$0xFFFFFC10]  }
0x463: {  	[tilespmem:v7+s24+$0x0] =	vst.idx.msk $0xffff, v6  }
0x464: {  	v5 =	vshrl.u32 v53, $0x3;
	v53 =	vshll.u32 v55, v1;
	v33 =	vbroadcast v62, $0x0;
	[tilespmem:v10+s24+$0x0] =	vst.idx.msk $0xffff, v9  }
0x465: {  	v35 =	vbroadcast v53, $0x0;
	[tilespmem:v52+s24+$0x0] =	vst.idx.msk $0xffff, v42  }
0x466: {  	v6 =	vld [tilespmem:s18+$0xFFFFFC50];
	v7 =	vadd.s32 v16, v33;
	[tilespmem:v44+s24+$0x0] =	vst.idx.msk $0xffff, v43  }
0x467: {  	v55 =	vshll.u32 v40, v1;
	v9 =	vld [tilespmem:s18+$0xFFFFFC90];
	v10 =	vadd.s32 v20, v35;
	[tilespmem:v54+s24+$0x0] =	vst.idx.msk $0xffff, v3  }
0x468: {  	v61 =	vshll.u32 v38, v1;
	v36 =	vbroadcast v55, $0x0;
	v55 =	vld [tilespmem:$0x1FF50]  }
0x469: {  	v11 =	vshrl.u32 v46, $0x3;
	v46 =	vld [tilespmem:s18+$0xFFFFFD10];
	v62 =	vshll.u32 v41, v1;
	v37 =	vbroadcast v61, $0x0  }
0x46a: {  	v8 =	vshrl.u32 v45, $0x3;
	v38 =	vbroadcast v62, $0x0;
	v45 =	vadd.s32 v24, v36;
	v42 =	vld [tilespmem:s18+$0xFFFFFCD0]  }
0x46b: {  	v63 =	vadd.s32 v28, v37;
	v3 =	vld [tilespmem:s18+$0xFFFFFFE0];
	[tilespmem:v7+s24+$0x0] =	vst.idx.msk $0xffff, v6  }
0x46c: {  	v61 =	vadd.s32 v27, v38;
	v6 =	vld [tilespmem:s18+$0xFFFFFD50];
	[tilespmem:v10+s24+$0x0] =	vst.idx.msk $0xffff, v9  }
0x46d: {  	v54 =	vld [tilespmem:$0x1FF10];
	v4 =	vadd.s32 v55, v2;
	_ =	sdelay $0x1  }
0x46e: {  	v39 =	vshll.u32 v39, v1;
	[tilespmem:v45+s24+$0x0] =	vst.idx.msk $0xffff, v42  }
0x46f: {  	v39 =	vbroadcast v39, $0x0;
	[tilespmem:v63+s24+$0x0] =	vst.idx.msk $0xffff, v46  }
0x470: {  	v51 =	vshrl.u32 v51, $0x3;
	v0 =	vshll.u32 v0, v1;
	[tilespmem:v61+s24+$0x0] =	vst.idx.msk $0xffff, v6  }
0x471: {  	v40 =	vbroadcast v0, $0x0;
	v0 =	vshll.u32 v5, v1;
	v62 =	vld [tilespmem:s18+$0xFFFFFD90];
	v9 =	vadd.s32 v54, v39;
	[tilespmem:v4+s24+$0x0] =	vst.idx.msk $0xffff, v3  }
0x472: {  	v41 =	vbroadcast v0, $0x0;
	v0 =	vshll.u32 v8, v1;
	v3 =	vshll.u32 v51, v1;
	v51 =	vld [tilespmem:$0x1FF60]  }
0x473: {  	v11 =	vshll.u32 v11, v1;
	v8 =	vld [tilespmem:s18+$0xFFFFFDD0];
	v10 =	vadd.s32 v56, v40;
	v42 =	vbroadcast v0, $0x0  }
0x474: {  	v47 =	vld [tilespmem:s18+$0xFFFFFE10];
	v43 =	vbroadcast v11, $0x0;
	v0 =	vshrl.u32 v48, $0x3;
	v48 =	vadd.s32 v12, v41  }
0x475: {  	v52 =	vld [tilespmem:s18+$0xFFFFFE50];
	v63 =	vadd.s32 v16, v42  }
0x476: {  	v61 =	vld [tilespmem:s18+$0xFFFFFE90];
	[tilespmem:v9+s24+$0x0] =	vst.idx.msk $0xffff, v62;
	v62 =	vadd.s32 v20, v43  }
0x477: {  	v4 =	vld [tilespmem:s18+$0xFFFFFFF0];
	v6 =	vadd.s32 v51, v2  }
0x478: {  	[tilespmem:v10+s24+$0x0] =	vst.idx.msk $0xffff, v8  }
0x479: {  	v50 =	vshrl.u32 v50, $0x3;
	[tilespmem:v48+s24+$0x0] =	vst.idx.msk $0xffff, v47  }
0x47a: {  	v11 =	vshll.u32 v50, v1;
	[tilespmem:v63+s24+$0x0] =	vst.idx.msk $0xffff, v52  }
0x47b: {  	v44 =	vbroadcast v11, $0x0;
	[tilespmem:v62+s24+$0x0] =	vst.idx.msk $0xffff, v61  }
0x47c: {  	v49 =	vshrl.u32 v49, $0x3;
	v0 =	vshll.u32 v0, v1;
	v45 =	vbroadcast v3, $0x0;
	v3 =	vld [tilespmem:s18+$0xFFFFFED0];
	[tilespmem:v6+s24+$0x0] =	vst.idx.msk $0xffff, v4  }
0x47d: {  	v46 =	vbroadcast v0, $0x0;
	v0 =	vshll.u32 v49, v1;
	v8 =	vadd.s32 v24, v44;
	v52 =	vld [tilespmem:$0x1FF80]  }
0x47e: {  	v47 =	vbroadcast v0, $0x0;
	v9 =	vld [tilespmem:s18+$0xFFFFFF10];
	v10 =	vadd.s32 v28, v45  }
0x47f: {  	v11 =	vadd.s32 v27, v46;
	v0 =	vld [tilespmem:s18+$0xFFFFFF50]  }
0x480: {  	v48 =	vld [tilespmem:s18+$0xFFFFFF90];
	v63 =	vadd.s32 v54, v47  }
0x481: {  	v54 =	vld [tilespmem:s18+$0xFFFFFC60];
	v61 =	vadd.s32 v17, v33  }
0x482: {  	v4 =	vld [tilespmem:s18+$0x0];
	[tilespmem:v8+s24+$0x0] =	vst.idx.msk $0xffff, v3;
	v2 =	vadd.s32 v52, v2  }
0x483: {  	[tilespmem:v10+s24+$0x0] =	vst.idx.msk $0xffff, v9  }
0x484: {  	v62 =	vadd.s32 v21, v35;
	v3 =	vld [tilespmem:s18+$0xFFFFFCA0];
	[tilespmem:v11+s24+$0x0] =	vst.idx.msk $0xffff, v0  }
0x485: {  	v8 =	vld [tilespmem:s18+$0xFFFFFCE0];
	v9 =	vadd.s32 v25, v36;
	[tilespmem:v63+s24+$0x0] =	vst.idx.msk $0xffff, v48  }
0x486: {  	v0 =	vld [tilespmem:s18+$0xFFFFFD20];
	v10 =	vadd.s32 v29, v37;
	[tilespmem:v61+s24+$0x0] =	vst.idx.msk $0xffff, v54  }
0x487: {  	v11 =	vld [tilespmem:s18+$0xFFFFFD60];
	[tilespmem:v2+s24+$0x0] =	vst.idx.msk $0xffff, v4  }
0x488: {  	v63 =	vadd.s32 v31, v38;
	v50 =	vld [tilespmem:$0x1FF20]  }
0x489: {  	v53 =	vadd.s32 v55, v40;
	v55 =	vadd.s32 v13, v41;
	v54 =	vld [tilespmem:s18+$0xFFFFFE20];
	[tilespmem:v62+s24+$0x0] =	vst.idx.msk $0xffff, v3  }
0x48a: {  	v3 =	vld [tilespmem:s18+$0xFFFFFDE0];
	[tilespmem:v9+s24+$0x0] =	vst.idx.msk $0xffff, v8  }
0x48b: {  	[tilespmem:v10+s24+$0x0] =	vst.idx.msk $0xffff, v0;
	v0 =	vld [tilespmem:s18+$0xFFFFFE60];
	v8 =	vadd.s32 v17, v42  }
0x48c: {  	v9 =	vld [tilespmem:s18+$0xFFFFFEA0];
	v10 =	vadd.s32 v21, v43  }
0x48d: {  	v2 =	vld [tilespmem:s18+$0xFFFFFDA0];
	[tilespmem:v63+s24+$0x0] =	vst.idx.msk $0xffff, v11;
	v49 =	vadd.s32 v50, v39  }
0x48e: {  	[tilespmem:v55+s24+$0x0] =	vst.idx.msk $0xffff, v54;
	v11 =	vld [tilespmem:s18+$0xFFFFFC20];
	v54 =	vadd.s32 v13, v34  }
0x48f: {  	v62 =	vadd.s32 v29, v45;
	[tilespmem:v53+s24+$0x0] =	vst.idx.msk $0xffff, v3;
	v3 =	vld [tilespmem:s18+$0xFFFFFF20]  }
0x490: {  	v63 =	vld [tilespmem:s18+$0xFFFFFF60];
	v53 =	vadd.s32 v31, v46;
	[tilespmem:v8+s24+$0x0] =	vst.idx.msk $0xffff, v0  }
0x491: {  	v0 =	vld [tilespmem:s18+$0xFFFFFFA0];
	v8 =	vadd.s32 v50, v47;
	[tilespmem:v10+s24+$0x0] =	vst.idx.msk $0xffff, v9  }
0x492: {  	v61 =	vadd.s32 v25, v44;
	[tilespmem:v49+s24+$0x0] =	vst.idx.msk $0xffff, v2;
	v2 =	vld [tilespmem:s18+$0xFFFFFEE0]  }
0x493: {  	v9 =	vld [tilespmem:s18+$0xFFFFFC70];
	v10 =	vadd.s32 v18, v33;
	[tilespmem:v54+s24+$0x0] =	vst.idx.msk $0xffff, v11  }
0x494: {  	[tilespmem:v62+s24+$0x0] =	vst.idx.msk $0xffff, v3  }
0x495: {  	v3 =	vld [tilespmem:s18+$0xFFFFFCF0];
	[tilespmem:v53+s24+$0x0] =	vst.idx.msk $0xffff, v63  }
0x496: {  	[tilespmem:v8+s24+$0x0] =	vst.idx.msk $0xffff, v0;
	v0 =	vld [tilespmem:s18+$0xFFFFFD70];
	v8 =	vadd.s32 v32, v38  }
0x497: {  	v55 =	vadd.s32 v22, v35;
	[tilespmem:v61+s24+$0x0] =	vst.idx.msk $0xffff, v2;
	v2 =	vld [tilespmem:s18+$0xFFFFFCB0]  }
0x498: {  	v62 =	vld [tilespmem:s18+$0xFFFFFD30];
	[tilespmem:v10+s24+$0x0] =	vst.idx.msk $0xffff, v9;
	v61 =	vadd.s32 v26, v36  }
0x499: {  	v63 =	vadd.s32 v30, v37;
	v49 =	vld [tilespmem:$0x1FF30]  }
0x49a: {  	v48 =	vadd.s32 v51, v40;
	v51 =	vld [tilespmem:s18+$0xFFFFFE70];
	v53 =	vadd.s32 v18, v42  }
0x49b: {  	[tilespmem:v8+s24+$0x0] =	vst.idx.msk $0xffff, v0;
	v0 =	vld [tilespmem:s18+$0xFFFFFEB0];
	v8 =	vadd.s32 v22, v43  }
0x49c: {  	[tilespmem:v55+s24+$0x0] =	vst.idx.msk $0xffff, v2;
	v2 =	vld [tilespmem:s18+$0xFFFFFDF0]  }
0x49d: {  	v50 =	vadd.s32 v14, v41;
	[tilespmem:v61+s24+$0x0] =	vst.idx.msk $0xffff, v3;
	v3 =	vld [tilespmem:s18+$0xFFFFFE30]  }
0x49e: {  	v9 =	vld [tilespmem:s18+$0xFFFFFDB0];
	[tilespmem:v63+s24+$0x0] =	vst.idx.msk $0xffff, v62;
	v10 =	vadd.s32 v49, v39  }
0x49f: {  	v11 =	vld [tilespmem:s18+$0xFFFFFC30];
	[tilespmem:v53+s24+$0x0] =	vst.idx.msk $0xffff, v51;
	v63 =	vadd.s32 v14, v34  }
0x4a0: {  	v61 =	vld [tilespmem:s18+$0xFFFFFFB0];
	v62 =	vadd.s32 v49, v47;
	[tilespmem:v8+s24+$0x0] =	vst.idx.msk $0xffff, v0  }
0x4a1: {  	v54 =	vadd.s32 v30, v45;
	[tilespmem:v48+s24+$0x0] =	vst.idx.msk $0xffff, v2;
	v2 =	vld [tilespmem:s18+$0xFFFFFF30]  }
0x4a2: {  	v55 =	vadd.s32 v32, v46;
	[tilespmem:v50+s24+$0x0] =	vst.idx.msk $0xffff, v3;
	v3 =	vld [tilespmem:s18+$0xFFFFFF70]  }
0x4a3: {  	[tilespmem:v10+s24+$0x0] =	vst.idx.msk $0xffff, v9;
	v9 =	vld [tilespmem:s18+$0xFFFFFEF0];
	v10 =	vadd.s32 v26, v44  }
0x4a4: {  	v0 =	vld [tilespmem:s18+$0xFFFFFC80];
	v8 =	vadd.s32 v19, v33;
	[tilespmem:v63+s24+$0x0] =	vst.idx.msk $0xffff, v11  }
0x4a5: {  	v63 =	vadd.s32 v15, v34;
	v11 =	vld [tilespmem:s18+$0xFFFFFC40];
	[tilespmem:v62+s24+$0x0] =	vst.idx.msk $0xffff, v61  }
0x4a6: {  	v36 =	vadd.s32 v60, v36;
	[tilespmem:v54+s24+$0x0] =	vst.idx.msk $0xffff, v2;
	v2 =	vld [tilespmem:s18+$0xFFFFFD00]  }
0x4a7: {  	v37 =	vadd.s32 v57, v37;
	[tilespmem:v55+s24+$0x0] =	vst.idx.msk $0xffff, v3;
	v3 =	vld [tilespmem:s18+$0xFFFFFD40]  }
0x4a8: {  	[tilespmem:v10+s24+$0x0] =	vst.idx.msk $0xffff, v9;
	v9 =	vld [tilespmem:s18+$0xFFFFFCC0];
	v10 =	vadd.s32 v23, v35  }
0x4a9: {  	v49 =	vld [tilespmem:s18+$0xFFFFFD80];
	v50 =	vadd.s32 v59, v38;
	[tilespmem:v8+s24+$0x0] =	vst.idx.msk $0xffff, v0  }
0x4aa: {  	v8 =	vadd.s32 v58, v39;
	v0 =	vld [tilespmem:s18+$0xFFFFFDC0];
	[tilespmem:v63+s24+$0x0] =	vst.idx.msk $0xffff, v11  }
0x4ab: {  	v51 =	vadd.s32 v15, v41;
	[tilespmem:v36+s24+$0x0] =	vst.idx.msk $0xffff, v2;
	v2 =	vld [tilespmem:s18+$0xFFFFFE40]  }
0x4ac: {  	v53 =	vadd.s32 v19, v42;
	[tilespmem:v37+s24+$0x0] =	vst.idx.msk $0xffff, v3;
	v3 =	vld [tilespmem:s18+$0xFFFFFE80]  }
0x4ad: {  	[tilespmem:v10+s24+$0x0] =	vst.idx.msk $0xffff, v9;
	v9 =	vld [tilespmem:s18+$0xFFFFFE00];
	v10 =	vadd.s32 v52, v40  }
0x4ae: {  	[tilespmem:v50+s24+$0x0] =	vst.idx.msk $0xffff, v49;
	v54 =	vld [tilespmem:s18+$0xFFFFFEC0];
	v55 =	vadd.s32 v23, v43  }
0x4af: {  	[tilespmem:v8+s24+$0x0] =	vst.idx.msk $0xffff, v0;
	v0 =	vld [tilespmem:s18+$0xFFFFFF00];
	v8 =	vadd.s32 v60, v44  }
0x4b0: {  	v61 =	vadd.s32 v59, v46;
	[tilespmem:v51+s24+$0x0] =	vst.idx.msk $0xffff, v2;
	v2 =	vld [tilespmem:s18+$0xFFFFFF80]  }
0x4b1: {  	v62 =	vadd.s32 v58, v47;
	[tilespmem:v53+s24+$0x0] =	vst.idx.msk $0xffff, v3;
	v3 =	vld [tilespmem:s18+$0xFFFFFFC0]  }
0x4b2: {  	[tilespmem:v10+s24+$0x0] =	vst.idx.msk $0xffff, v9;
	v9 =	vld [tilespmem:s18+$0xFFFFFF40];
	v10 =	vadd.s32 v57, v45  }
0x4b3: {  	[tilespmem:v55+s24+$0x0] =	vst.idx.msk $0xffff, v54  }
0x4b4: {  	[tilespmem:v8+s24+$0x0] =	vst.idx.msk $0xffff, v0  }
0x4b5: {  	[tilespmem:v61+s24+$0x0] =	vst.idx.msk $0xffff, v2  }
0x4b6: {  	[tilespmem:v62+s24+$0x0] =	vst.idx.msk $0xffff, v3  }
0x4b7: {  	s5 =	simm.s32 $0x10600;
	s1 =	sadd.s32 s0, s9;
	[tilespmem:v10+s24+$0x0] =	vst.idx.msk $0xffff, v9  }
0x4b8: {  	[hbm4b:s1+s3] =	stream.linear.scatter [tilespmem:s5], [sflag:$0x6], $0x80, $0x38;
	[tilespmem:$0x12800] =	vst v63  }
0x4b9: {  	s12 =	simm.s32 $0x10688;
	s5 =	sadd.s32 $0x10, s1  }
0x4ba: {  	[hbm4b:s5+s3] =	stream.linear.scatter [tilespmem:s12], [sflag:$0x6], $0x80, $0x38;
	[tilespmem:$0x12800] =	vst v63  }
0x4bb: {  	s15 =	simm.s32 $0x10710;
	s17 =	simm.s32 $0x10798;
	s16 =	sadd.s32 $0x20, s1  }
0x4bc: {  	[hbm4b:s16+s3] =	stream.linear.scatter [tilespmem:s15], [sflag:$0x6], $0x80, $0x38;
	[tilespmem:$0x12800] =	vst v63  }
0x4bd: {  	s0 =	simm.s32 $0x440;
	s18 =	sadd.s32 $0x30, s1;
	s5 =	simm.s32 $0x10820  }
0x4be: {  	[hbm4b:s18+s3] =	stream.linear.scatter [tilespmem:s17], [sflag:$0x6], $0x80, $0x38;
	[tilespmem:$0x12800] =	vst v63  }
0x4bf: {  	s12 =	sadd.s32 $0x40, s1;
	s15 =	simm.s32 $0x108A8;
	s16 =	sadd.s32 $0x50, s1  }
0x4c0: {  	[hbm4b:s12+s3] =	stream.linear.scatter [tilespmem:s5], [sflag:$0x6], $0x80, $0x38;
	[tilespmem:$0x12800] =	vst v63  }
0x4c1: {  	s17 =	simm.s32 $0x10930;
	s18 =	sadd.s32 $0x60, s1;
	s12 =	simm.s32 $0x2200  }
0x4c2: {  	[hbm4b:s16+s3] =	stream.linear.scatter [tilespmem:s15], [sflag:$0x6], $0x80, $0x38;
	[tilespmem:$0x12800] =	vst v63  }
0x4c3: {  	s15 =	simm.s32 $0x109B8;
	s16 =	sadd.s32 $0x70, s1;
	s1 =	sadd.s32 $0x1000, s1  }
0x4c4: {  	v2 =	vmovc v27;
	v27 =	vmov v32;
	v32 =	vmov v52;
	v9 =	vmov v56;
	[hbm4b:s18+s3] =	stream.linear.scatter [tilespmem:s17], [sflag:$0x6], $0x80, $0x38;
	[tilespmem:$0x12800] =	vst v63  }
.LBB2_21:
0x4c5: {  	[hbm4b:s16+s3] =	stream.linear.scatter [tilespmem:s15], [sflag:$0x6], $0x80, $0x38;
	[tilespmem:$0x12800] =	vst v63  }
0x4c6: {  	s5 =	smov.u32 s0;
	s0 =	smov.u32 s12  }
0x4c7: {  	s17 =	sadd.s32 $0x1100, s12;
	s0 =	sshra.s32 s0, $0x2;
	s15 =	sadd.s32 $0x10600, s5  }
0x4c8: {  	[hbm4b:s1+s3] =	stream.linear.scatter [tilespmem:s15], [sflag:$0x6], $0x80, $0x38;
	[tilespmem:$0x12800] =	vst v63  }
0x4c9: {  	p1 =	sne.s32 s12, $0x7700;
	s12 =	sadd.s32 $0x10688, s5;
	s15 =	sadd.s32 $0x10, s1  }
0x4ca: {  	[hbm4b:s15+s3] =	stream.linear.scatter [tilespmem:s12], [sflag:$0x6], $0x80, $0x38;
	[tilespmem:$0x12800] =	vst v63  }
0x4cb: {  	s12 =	sadd.s32 $0x10710, s5;
	s15 =	sadd.s32 $0x20, s1  }
0x4cc: {  	[hbm4b:s15+s3] =	stream.linear.scatter [tilespmem:s12], [sflag:$0x6], $0x80, $0x38;
	[tilespmem:$0x12800] =	vst v63  }
0x4cd: {  	s12 =	sadd.s32 $0x10798, s5;
	s15 =	sadd.s32 $0x30, s1  }
0x4ce: {  	[hbm4b:s15+s3] =	stream.linear.scatter [tilespmem:s12], [sflag:$0x6], $0x80, $0x38;
	[tilespmem:$0x12800] =	vst v63  }
0x4cf: {  	s12 =	sadd.s32 $0x10820, s5;
	s15 =	sadd.s32 $0x40, s1  }
0x4d0: {  	[hbm4b:s15+s3] =	stream.linear.scatter [tilespmem:s12], [sflag:$0x6], $0x80, $0x38;
	[tilespmem:$0x12800] =	vst v63  }
.Ltmp12:
0x4d1: {  	s12 =	sadd.s32 $0x108A8, s5;
	s15 =	sadd.s32 $0x50, s1;
	(pc) =	sbr.rel @p1 .LBB2_21-.Ltmp12, $4  }
0x4d2: {  	[hbm4b:s15+s3] =	stream.linear.scatter [tilespmem:s12], [sflag:$0x6], $0x80, $0x38;
	[tilespmem:$0x12800] =	vst v63  }
0x4d3: {  	s16 =	sadd.s32 $0x70, s1;
	s12 =	sadd.s32 $0x10930, s5;
	s15 =	sadd.s32 $0x60, s1  }
0x4d4: {  	[hbm4b:s15+s3] =	stream.linear.scatter [tilespmem:s12], [sflag:$0x6], $0x80, $0x38;
	[tilespmem:$0x12800] =	vst v63  }
0x4d5: {  	s1 =	sadd.s32 $0x1000, s1;
	s15 =	sadd.s32 $0x109B8, s5;
	s12 =	smov.u32 s17  }
0x4d6: {  	[hbm4b:s16+s3] =	stream.linear.scatter [tilespmem:s15], [sflag:$0x6], $0x80, $0x38;
	[tilespmem:$0x12800] =	vst v63  }
0x4d7: {  	s5 =	sadd.s32 $0x10600, s0  }
0x4d8: {  	[hbm4b:s1+s3] =	stream.linear.scatter [tilespmem:s5], [sflag:$0x6], $0x80, $0x38;
	[tilespmem:$0x12800] =	vst v63  }
0x4d9: {  	s18 =	sadd.s32 $0x10688, s0;
	s12 =	sadd.s32 $0x10, s1  }
0x4da: {  	[hbm4b:s12+s3] =	stream.linear.scatter [tilespmem:s18], [sflag:$0x6], $0x80, $0x38;
	[tilespmem:$0x12800] =	vst v63  }
0x4db: {  	s15 =	sadd.s32 $0x10710, s0;
	s16 =	sadd.s32 $0x20, s1  }
0x4dc: {  	[hbm4b:s16+s3] =	stream.linear.scatter [tilespmem:s15], [sflag:$0x6], $0x80, $0x38;
	[tilespmem:$0x12800] =	vst v63  }
0x4dd: {  	s17 =	sadd.s32 $0x10798, s0;
	s18 =	sadd.s32 $0x30, s1  }
0x4de: {  	[hbm4b:s18+s3] =	stream.linear.scatter [tilespmem:s17], [sflag:$0x6], $0x80, $0x38;
	[tilespmem:$0x12800] =	vst v63  }
0x4df: {  	s15 =	sadd.s32 $0x10820, s0;
	s16 =	sadd.s32 $0x40, s1  }
0x4e0: {  	[hbm4b:s16+s3] =	stream.linear.scatter [tilespmem:s15], [sflag:$0x6], $0x80, $0x38;
	[tilespmem:$0x12800] =	vst v63  }
0x4e1: {  	s17 =	sadd.s32 $0x108A8, s0;
	s18 =	sadd.s32 $0x50, s1  }
0x4e2: {  	[hbm4b:s18+s3] =	stream.linear.scatter [tilespmem:s17], [sflag:$0x6], $0x80, $0x38;
	[tilespmem:$0x12800] =	vst v63  }
.Ltmp13:
0x4e3: {  	_ = 	snop;
	(pc) =	sbr.rel @p0 .LBB2_24-.Ltmp13, $4  }
0x4e4: {  	s15 =	sadd.s32 $0x10930, s0;
	s16 =	sadd.s32 $0x60, s1  }
0x4e5: {  	[hbm4b:s16+s3] =	stream.linear.scatter [tilespmem:s15], [sflag:$0x6], $0x80, $0x38;
	[tilespmem:$0x12800] =	vst v63  }
0x4e6: {  	s17 =	sadd.s32 $0x109B8, s0;
	s18 =	sadd.s32 $0x70, s1  }
0x4e7: {  	[hbm4b:s18+s3] =	stream.linear.scatter [tilespmem:s17], [sflag:$0x6], $0x80, $0x38;
	[tilespmem:$0x12800] =	vst v63  }
.Ltmp14:
0x4e8: {  	(pc) =	sbr.rel .LBB2_2-.Ltmp14, $4  }
0x4e9: {  	_ = 	snop  }
0x4ea: {  	s0 =	sshrl.u32 s31, $0x2  }
0x4eb: {  	s30 =	sadd.s32 $0x1, s30;
	s0 =	sadd.s32 $0x380, s0  }
0x4ec: {  	[tilespmem:s19], [sflag:$0x4] =	stream.indirect.gather [hbm4b:s4+s11], $0x40, s0, s11, $0xb8;
	[tilespmem:$0x12800] =	vst v63  }
.LBB2_25:
0x4ed: {  	_ =	sfence.sel $0x180000  }
0x4ee: {  	[bflag:$0x0] =	sbarrier.arrive $0xFFFF  }
0x4ef: {  	_ =	strace $0x90000047  }
0x4f0: {  	s0 =	stileid.u32;
	[bflag:$0x2] =	sbarrier.arrive $0xFFFF  }
0x4f1: {  	p0 =	sne.s32 s0, $0x0;
	s0 =	rddreg [dreg:$0x2]  }
0x4f2: {  	s0 =	sadd.s32 @!p0 $0x100000, s0  }
0x4f3: {  	[sflag:s0] =	ssyncadd.tile.s32 @!p0 $0x1;
	_ =	shalt  }
.Lfunc_end2:
_tile_overlayer_lowered:
.L_overlay_start_2:
0x4f4: {  	(tag) =	ssettag $0x2  }
0x4f5: {  	s0 =	rddreg [dreg:$0x0];
	s2 =	stileid.u32  }
0x4f6: {  	s1 =	rddreg [dreg:$0x1];
	p0 =	sne.s32 s2, $0x0  }
0x4f7: {  	s3 =	rddreg [dreg:$0x2];
	[bflag:$0x3] =	sbarrier.arrive $0xFFFF;
	s2 =	simm.s32 @!p0 $0x1C07  }
0x4f8: {  	[timem:s3], [sflag:s2] =	dma.local @!p0 [hbm:s0], s1  }
0x4f9: {  	s0 =	simm.s32 @!p0 $0x7  }
0x4fa: {  	_ =	swait.ge @!p0 [sflag:s0], s1  }
0x4fb: {  	s1 =	ssub.s32 @!p0 $0x0, s1;
	[sflag:s0] =	ssyncset.done @!p0 $0x0  }
0x4fc: {  	[sflag:s0] =	ssyncadd.s32 @!p0 s1  }
0x4fd: {  	[bflag:$0x3] =	sbarrier.arrive $0xFFFF  }
0x4fe: {  	_ =	shalt  }

</sc_bundles>
